<compile_context>
chip_gen: v7x
topology: tpu7x:2x2x1
jax: 0.10.2.dev20260603
libtpu: 0.0.44.dev20260713+nightly
codegen_flags: <defaults>
</compile_context>

<pallas_src>
import functools

import jax
import jax.numpy as jnp
from jax import lax
from jax.experimental import pallas as pl
from jax.experimental.pallas import tpu as pltpu
from jax.experimental.pallas import tpu_sc as plsc

N_NODES = 10000
N_EDGES = 320000
D_FEAT = 128
HIDDEN = 256
ACTION_DIM = 64
NUM_GRAPHS = 64

NC = 2
NS = 16
NW = NC * NS
E_PER_W = N_EDGES // NW
K = 128
E_PER_W_P = 10240
PADE = E_PER_W_P - E_PER_W
NCH1 = E_PER_W_P // K
NCH2 = 2 * NCH1
NPAIR1 = NCH1 // 2
NPAIR2 = NCH2 // 2
N_PAD = 10240
ROWS_PER_TILE = N_PAD // NS
RCHUNK = 128
SEG = N_PAD // NS


def _zero_vmem_2d(buf, rows, cols):
  zeros16 = jnp.zeros((16,), jnp.float32)
  def body(i, _):
    r = i // (cols // 16)
    c = (i % (cols // 16)) * 16
    buf[r, pl.ds(c, 16)] = zeros16
    return 0
  lax.fori_loop(0, rows * (cols // 16), body, 0)


def _zero_vmem_1d(buf, n):
  zeros16 = jnp.zeros((16,), jnp.float32)
  def body(i, _):
    buf[pl.ds(i * 16, 16)] = zeros16
    return 0
  lax.fori_loop(0, n // 16, body, 0)


def _sc_degree(dst):
  mesh = plsc.VectorSubcoreMesh(core_axis_name="c", subcore_axis_name="s")

  @functools.partial(
      pl.kernel,
      out_type=jax.ShapeDtypeStruct((NC, N_PAD), jnp.float32),
      mesh=mesh,
      scratch_types=[
          pltpu.VMEM((NCH1, K), jnp.int32),
          pltpu.VMEM((K,), jnp.float32),
          pltpu.VMEM((SEG,), jnp.float32),
          pltpu.VMEM_SHARED((N_PAD,), jnp.float32),
      ],
  )
  def k(dst_hbm, out_hbm, didx_all, ones_v, stage, shared):
    c = lax.axis_index("c")
    s = lax.axis_index("s")
    w = s * NC + c
    pltpu.sync_copy(dst_hbm.at[w], didx_all)
    ones16 = jnp.ones((16,), jnp.float32)
    def fill(i, _):
      ones_v[pl.ds(i * 16, 16)] = ones16
      return 0
    lax.fori_loop(0, K // 16, fill, 0)
    _zero_vmem_1d(stage, SEG)
    pltpu.sync_copy(stage, shared.at[pl.ds(s * SEG, SEG)])
    plsc.subcore_barrier()
    def chunk(j, _):
      pltpu.sync_copy(ones_v, shared.at[didx_all.at[j]], add=True)
      return 0
    lax.fori_loop(0, NCH1, chunk, 0)
    plsc.subcore_barrier()
    pltpu.sync_copy(shared.at[pl.ds(s * SEG, SEG)], stage)
    pltpu.sync_copy(stage, out_hbm.at[c, pl.ds(s * SEG, SEG)])

  return k(dst)


E_HALF = N_EDGES // NC


def _sc_agg_l1(xs, src, dst):
  mesh = plsc.VectorSubcoreMesh(core_axis_name="c", subcore_axis_name="s")

  @functools.partial(
      pl.kernel,
      out_type=[
          jax.ShapeDtypeStruct((N_PAD, D_FEAT), jnp.float32),
          jax.ShapeDtypeStruct((N_PAD, D_FEAT), jnp.float32),
      ],
      mesh=mesh,
      scratch_types=[
          pltpu.VMEM((K,), jnp.int32),
          pltpu.VMEM((K,), jnp.int32),
          pltpu.VMEM((K,), jnp.int32),
          pltpu.VMEM((K,), jnp.int32),
          pltpu.VMEM((K, D_FEAT), jnp.float32),
          pltpu.VMEM((K, D_FEAT), jnp.float32),
          pltpu.VMEM_SHARED((N_PAD, D_FEAT), jnp.float32),
          pltpu.SemaphoreType.DMA,
          pltpu.SemaphoreType.DMA,
      ],
  )
  def k(xs_hbm, src_hbm, dst_hbm, out0_hbm, out1_hbm,
        sidx_a, sidx_b, didx_a, didx_b, rows_a, rows_b, shared, semg, semi):
    c = lax.axis_index("c")
    s = lax.axis_index("s")
    w = s * NC + c
    r0 = s * ROWS_PER_TILE

    _zero_vmem_2d(rows_b, RCHUNK, D_FEAT)
    for i in range(ROWS_PER_TILE // RCHUNK):
      pltpu.sync_copy(rows_b, shared.at[pl.ds(r0 + i * RCHUNK, RCHUNK), :])
    plsc.subcore_barrier()

    pltpu.sync_copy(src_hbm.at[w, 0], sidx_a)
    pltpu.sync_copy(dst_hbm.at[w, 0], didx_a)
    pltpu.async_copy(xs_hbm.at[sidx_a], rows_a, semg)

    def pair(i, _):
      jb = 2 * i + 1
      pltpu.async_copy(src_hbm.at[w, jb], sidx_b, semi)
      pltpu.async_copy(dst_hbm.at[w, jb], didx_b, semi)
      pltpu.make_async_copy(src_hbm.at[w, jb], sidx_b, semi).wait()
      pltpu.make_async_copy(dst_hbm.at[w, jb], didx_b, semi).wait()
      pltpu.async_copy(xs_hbm.at[sidx_b], rows_b, semg)
      pltpu.make_async_copy(xs_hbm.at[sidx_a], rows_a, semg).wait()
      pltpu.sync_copy(rows_a, shared.at[didx_a], add=True)
      @pl.when(i + 1 < NPAIR1)
      def _():
        pltpu.async_copy(src_hbm.at[w, jb + 1], sidx_a, semi)
        pltpu.async_copy(dst_hbm.at[w, jb + 1], didx_a, semi)
        pltpu.make_async_copy(src_hbm.at[w, jb + 1], sidx_a, semi).wait()
        pltpu.make_async_copy(dst_hbm.at[w, jb + 1], didx_a, semi).wait()
        pltpu.async_copy(xs_hbm.at[sidx_a], rows_a, semg)
      pltpu.make_async_copy(xs_hbm.at[sidx_b], rows_b, semg).wait()
      pltpu.sync_copy(rows_b, shared.at[didx_b], add=True)
      return 0
    lax.fori_loop(0, NPAIR1, pair, 0)
    plsc.subcore_barrier()

    def copy_out(out_hbm):
      for i in range(ROWS_PER_TILE // RCHUNK):
        rr = r0 + i * RCHUNK
        pltpu.sync_copy(shared.at[pl.ds(rr, RCHUNK), :], rows_a)
        pltpu.sync_copy(rows_a, out_hbm.at[pl.ds(rr, RCHUNK), :])

    @pl.when(c == 0)
    def _():
      copy_out(out0_hbm)

    @pl.when(c == 1)
    def _():
      copy_out(out1_hbm)

  return k(xs, src, dst)


def _sc_aggregate(xs0, xs1, src, dst, dh):
  mesh = plsc.VectorSubcoreMesh(core_axis_name="c", subcore_axis_name="s")

  @functools.partial(
      pl.kernel,
      out_type=[
          jax.ShapeDtypeStruct((N_PAD, dh), jnp.float32),
          jax.ShapeDtypeStruct((N_PAD, dh), jnp.float32),
      ],
      mesh=mesh,
      scratch_types=[
          pltpu.VMEM((K,), jnp.int32),
          pltpu.VMEM((K,), jnp.int32),
          pltpu.VMEM((K,), jnp.int32),
          pltpu.VMEM((K,), jnp.int32),
          pltpu.VMEM((K, dh), jnp.float32),
          pltpu.VMEM((K, dh), jnp.float32),
          pltpu.VMEM_SHARED((N_PAD, dh), jnp.float32),
          pltpu.SemaphoreType.DMA,
          pltpu.SemaphoreType.DMA,
      ],
  )
  def k(xs0_hbm, xs1_hbm, src_hbm, dst_hbm, out0_hbm, out1_hbm,
        sidx_a, sidx_b, didx_a, didx_b, rows_a, rows_b, shared, semg, semi):
    c = lax.axis_index("c")
    s = lax.axis_index("s")
    r0 = s * ROWS_PER_TILE

    _zero_vmem_2d(rows_b, RCHUNK, dh)
    for i in range(ROWS_PER_TILE // RCHUNK):
      pltpu.sync_copy(rows_b, shared.at[pl.ds(r0 + i * RCHUNK, RCHUNK), :])
    plsc.subcore_barrier()

    def run(xs_hbm, out_hbm):
      pltpu.sync_copy(src_hbm.at[s, 0], sidx_a)
      pltpu.sync_copy(dst_hbm.at[s, 0], didx_a)
      pltpu.async_copy(xs_hbm.at[sidx_a], rows_a, semg)

      def pair(i, _):
        ja = 2 * i
        jb = 2 * i + 1
        pltpu.async_copy(src_hbm.at[s, jb], sidx_b, semi)
        pltpu.async_copy(dst_hbm.at[s, jb], didx_b, semi)
        pltpu.make_async_copy(src_hbm.at[s, jb], sidx_b, semi).wait()
        pltpu.make_async_copy(dst_hbm.at[s, jb], didx_b, semi).wait()
        pltpu.async_copy(xs_hbm.at[sidx_b], rows_b, semg)
        pltpu.make_async_copy(xs_hbm.at[sidx_a], rows_a, semg).wait()
        pltpu.sync_copy(rows_a, shared.at[didx_a], add=True)
        @pl.when(i + 1 < NPAIR2)
        def _():
          pltpu.async_copy(src_hbm.at[s, ja + 2], sidx_a, semi)
          pltpu.async_copy(dst_hbm.at[s, ja + 2], didx_a, semi)
          pltpu.make_async_copy(src_hbm.at[s, ja + 2], sidx_a, semi).wait()
          pltpu.make_async_copy(dst_hbm.at[s, ja + 2], didx_a, semi).wait()
          pltpu.async_copy(xs_hbm.at[sidx_a], rows_a, semg)
        pltpu.make_async_copy(xs_hbm.at[sidx_b], rows_b, semg).wait()
        pltpu.sync_copy(rows_b, shared.at[didx_b], add=True)
        return 0
      lax.fori_loop(0, NPAIR2, pair, 0)
      plsc.subcore_barrier()
      for i in range(ROWS_PER_TILE // RCHUNK):
        rr = r0 + i * RCHUNK
        pltpu.sync_copy(shared.at[pl.ds(rr, RCHUNK), :], rows_a)
        pltpu.sync_copy(rows_a, out_hbm.at[pl.ds(rr, RCHUNK), :])

    @pl.when(c == 0)
    def _():
      run(xs0_hbm, out0_hbm)

    @pl.when(c == 1)
    def _():
      run(xs1_hbm, out1_hbm)

  return k(xs0, xs1, src, dst)


def _tc_scale(p0, p1, x):
  def body(p0_ref, p1_ref, x_ref, xs_ref, dinv_ref):
    deg = 1.0 + p0_ref[...] + p1_ref[...]
    dinv = lax.rsqrt(deg)
    dinv_ref[...] = dinv
    xs_ref[...] = x_ref[...] * dinv

  return pl.pallas_call(
      body,
      out_shape=[
          jax.ShapeDtypeStruct((N_NODES, D_FEAT), jnp.float32),
          jax.ShapeDtypeStruct((N_NODES, 1), jnp.float32),
      ],
  )(p0, p1, x)


def _tc_layer1(p0, p1, xs, dinv, W1, b1):
  nb = 5
  blk = N_NODES // nb

  def body(p0_ref, p1_ref, x_ref, d_ref, w_ref, b_ref, o0_ref, o1_ref):
    d = d_ref[...]
    a = (p0_ref[...] + p1_ref[...] + x_ref[...]) * d
    h = jnp.dot(a, w_ref[...], preferred_element_type=jnp.float32)
    h = jnp.maximum(h + b_ref[...], 0.0) * d
    o0_ref[...] = h[:, :HIDDEN // 2]
    o1_ref[...] = h[:, HIDDEN // 2:]

  rows = lambda i: (i, 0)
  return pl.pallas_call(
      body,
      grid=(nb,),
      in_specs=[
          pl.BlockSpec((blk, D_FEAT), rows),
          pl.BlockSpec((blk, D_FEAT), rows),
          pl.BlockSpec((blk, D_FEAT), rows),
          pl.BlockSpec((blk, 1), rows),
          pl.BlockSpec((D_FEAT, HIDDEN), lambda i: (0, 0)),
          pl.BlockSpec((1, HIDDEN), lambda i: (0, 0)),
      ],
      out_specs=[
          pl.BlockSpec((blk, HIDDEN // 2), rows),
          pl.BlockSpec((blk, HIDDEN // 2), rows),
      ],
      out_shape=[
          jax.ShapeDtypeStruct((N_NODES, HIDDEN // 2), jnp.float32),
          jax.ShapeDtypeStruct((N_NODES, HIDDEN // 2), jnp.float32),
      ],
  )(p0, p1, xs, dinv, W1, b1)


def _tc_head(agg0, agg1, h0, h1, dinv, W2, b2, batch3, Wfc, bfc):
  nb = 5
  blk = N_NODES // nb

  def body(a0_ref, a1_ref, h0_ref, h1_ref, d_ref, w_ref, b_ref, bat_ref,
           wfc_ref, bfc_ref, mean_ref, std_ref, pool_acc, cnt_acc):
    i = pl.program_id(0)
    d = d_ref[...]
    a_lo = (a0_ref[...] + h0_ref[...]) * d
    a_hi = (a1_ref[...] + h1_ref[...]) * d
    h = jnp.dot(a_lo, w_ref[:HIDDEN // 2, :],
                preferred_element_type=jnp.float32)
    h += jnp.dot(a_hi, w_ref[HIDDEN // 2:, :],
                 preferred_element_type=jnp.float32)
    h = jnp.maximum(h + b_ref[...], 0.0)

    bat = bat_ref[0, 0, :]
    gid = lax.broadcasted_iota(jnp.int32, (NUM_GRAPHS, blk), 0)
    onehot = (gid == bat[None, :]).astype(jnp.float32)

    @pl.when(i == 0)
    def _():
      pool_acc[...] = jnp.zeros_like(pool_acc)
      cnt_acc[...] = jnp.zeros_like(cnt_acc)

    pool_acc[...] += jnp.dot(onehot, h, preferred_element_type=jnp.float32)
    cnt_acc[...] += jnp.sum(onehot, axis=1, keepdims=True)

    @pl.when(i == nb - 1)
    def _():
      cnt = jnp.maximum(cnt_acc[...], 1.0)
      pooled = pool_acc[...] / cnt
      mls = jnp.dot(pooled, wfc_ref[...],
                    preferred_element_type=jnp.float32) + bfc_ref[...]
      mean_ref[...] = mls[:, :ACTION_DIM]
      log_std = jnp.clip(mls[:, ACTION_DIM:], -20.0, 2.0)
      std_ref[...] = jnp.exp(log_std)

  rows = lambda i: (i, 0)
  return pl.pallas_call(
      body,
      grid=(nb,),
      in_specs=[
          pl.BlockSpec((blk, HIDDEN // 2), rows),
          pl.BlockSpec((blk, HIDDEN // 2), rows),
          pl.BlockSpec((blk, HIDDEN // 2), rows),
          pl.BlockSpec((blk, HIDDEN // 2), rows),
          pl.BlockSpec((blk, 1), rows),
          pl.BlockSpec((HIDDEN, HIDDEN), lambda i: (0, 0)),
          pl.BlockSpec((1, HIDDEN), lambda i: (0, 0)),
          pl.BlockSpec((1, 1, blk), lambda i: (i, 0, 0)),
          pl.BlockSpec((HIDDEN, 2 * ACTION_DIM), lambda i: (0, 0)),
          pl.BlockSpec((1, 2 * ACTION_DIM), lambda i: (0, 0)),
      ],
      out_specs=[
          pl.BlockSpec((NUM_GRAPHS, ACTION_DIM), lambda i: (0, 0)),
          pl.BlockSpec((NUM_GRAPHS, ACTION_DIM), lambda i: (0, 0)),
      ],
      out_shape=[
          jax.ShapeDtypeStruct((NUM_GRAPHS, ACTION_DIM), jnp.float32),
          jax.ShapeDtypeStruct((NUM_GRAPHS, ACTION_DIM), jnp.float32),
      ],
      scratch_shapes=[
          pltpu.VMEM((NUM_GRAPHS, HIDDEN), jnp.float32),
          pltpu.VMEM((NUM_GRAPHS, 1), jnp.float32),
      ],
  )(agg0, agg1, h0, h1, dinv, W2, b2, batch3, Wfc, bfc)


def kernel(x, edge_index, batch, W1, b1, W2, b2, Wfc, bfc):
  src = edge_index[0]
  dst = edge_index[1]

  srcw = src.reshape(NW, E_PER_W)
  dstw = dst.reshape(NW, E_PER_W)
  src_p = jnp.concatenate(
      [srcw, jnp.zeros((NW, PADE), jnp.int32)], axis=1)
  dst_p = jnp.concatenate(
      [dstw, jnp.full((NW, PADE), N_PAD - 1, jnp.int32)], axis=1)
  src1 = src_p.reshape(NW, NCH1, K)
  dst1 = dst_p.reshape(NW, NCH1, K)
  src2 = src_p.reshape(NS, NCH2, K)
  dst2 = dst_p.reshape(NS, NCH2, K)

  partial = _sc_degree(dst1)
  p0 = partial[0, :N_NODES].reshape(N_NODES, 1)
  p1 = partial[1, :N_NODES].reshape(N_NODES, 1)

  xs, dinv = _tc_scale(p0, p1, x)

  agg10, agg11 = _sc_agg_l1(xs, src1, dst1)
  h1s0, h1s1 = _tc_layer1(agg10, agg11, xs, dinv,
                          W1, b1.reshape(1, HIDDEN))

  agg20, agg21 = _sc_aggregate(h1s0, h1s1, src2, dst2, HIDDEN // 2)
  mean, std = _tc_head(agg20, agg21, h1s0, h1s1, dinv,
                       W2, b2.reshape(1, HIDDEN),
                       batch.reshape(5, 1, N_NODES // 5),
                       Wfc, bfc.reshape(1, 2 * ACTION_DIM))
  return (mean, std)

# --- scband reference (transcript-rebuilt; emitter-appended) ---
"""Pipeline reference for scband-gnnactor-86148454023323 (READ-ONLY COPY).

The authoritative reference and input builder live on the scoring server;
editing this copy changes nothing except your own understanding.
"""

import jax, jax.numpy as jnp
import numpy as np

N_NODES = 10000
N_EDGES = 320000
D_FEAT = 128
HIDDEN = 256
ACTION_DIM = 64
NUM_GRAPHS = 64
MAX_ACTION = 1.0


def setup_inputs(seed: int = 0) -> dict:
    key = jax.random.key(seed)
    ks = jax.random.split(key, 10)
    x = jax.random.normal(ks[0], (N_NODES, D_FEAT), dtype=jnp.float32)
    edge_index = jax.random.randint(ks[1], (2, N_EDGES), 0, N_NODES, dtype=jnp.int64 if jax.config.jax_enable_x64 else jnp.int32).astype(jnp.int32)
    batch = jnp.sort(jax.random.randint(ks[2], (N_NODES,), 0, NUM_GRAPHS)).astype(jnp.int32)
    s1 = 1.0 / np.sqrt(D_FEAT)
    s2 = 1.0 / np.sqrt(HIDDEN)
    W1 = jax.random.uniform(ks[3], (D_FEAT, HIDDEN), jnp.float32, -s1, s1)
    b1 = jnp.zeros((HIDDEN,), jnp.float32)
    W2 = jax.random.uniform(ks[4], (HIDDEN, HIDDEN), jnp.float32, -s2, s2)
    b2 = jnp.zeros((HIDDEN,), jnp.float32)
    Wfc = jax.random.uniform(ks[5], (HIDDEN, ACTION_DIM * 2), jnp.float32, -s2, s2)
    bfc = jax.random.uniform(ks[6], (ACTION_DIM * 2,), jnp.float32, -s2, s2)
    return {"x": x, "edge_index": edge_index, "batch": batch,
            "W1": W1, "b1": b1, "W2": W2, "b2": b2, "Wfc": Wfc, "bfc": bfc}


def gcn_conv(x, src, dst, W, b, n_nodes):
    # GCNConv: add self-loops, symmetric normalization D^-1/2 (A+I) D^-1/2 X W + b
    h = x @ W
    loop = jnp.arange(n_nodes, dtype=src.dtype)
    src2 = jnp.concatenate([src, loop])
    dst2 = jnp.concatenate([dst, loop])
    ones = jnp.ones(src2.shape[0], dtype=x.dtype)
    deg = jax.ops.segment_sum(ones, dst2, num_segments=n_nodes)
    dinv = jnp.where(deg > 0, jax.lax.rsqrt(jnp.maximum(deg, 1e-12)), 0.0)
    norm = dinv[src2] * dinv[dst2]
    msg = h[src2] * norm[:, None]
    out = jax.ops.segment_sum(msg, dst2, num_segments=n_nodes)
    return out + b


def reference(x, edge_index, batch, W1, b1, W2, b2, Wfc, bfc):
    src = edge_index[0]
    dst = edge_index[1]
    n = x.shape[0]
    h = jax.nn.relu(gcn_conv(x, src, dst, W1, b1, n))
    h = jax.nn.relu(gcn_conv(h, src, dst, W2, b2, n))
    # global_mean_pool
    pooled_sum = jax.ops.segment_sum(h, batch, num_segments=NUM_GRAPHS)
    counts = jax.ops.segment_sum(jnp.ones((n,), h.dtype), batch, num_segments=NUM_GRAPHS)
    pooled = pooled_sum / jnp.maximum(counts, 1.0)[:, None]
    mls = pooled @ Wfc + bfc
    mean, log_std = jnp.split(mls, 2, axis=-1)
    log_std = jnp.clip(log_std, -20.0, 2.0)
    std = jnp.exp(log_std)
    return (mean, std)

if __name__ == "__main__":
    import jax
    _d = setup_inputs()
    print(jax.jit(kernel)(*tuple(_d.values())))

</pallas_src>

<mosaic_0001>
#map = affine_map<(d0, d1) -> (0, 0, 0)>
#map1 = affine_map<(d0, d1) -> (0, 0)>
module attributes {stable_mosaic.version = 14 : i64} {
  func.func @k(%arg0: i32, %arg1: i32, %arg2: memref<32x80x128xi32, #tpu.memory_space<hbm>>, %arg3: memref<2x10240xf32, #tpu.memory_space<hbm>>, %arg4: memref<80x128xi32, #tpu.memory_space<vmem>>, %arg5: memref<128xf32, #tpu.memory_space<vmem>>, %arg6: memref<640xf32, #tpu.memory_space<vmem>>, %arg7: memref<10240xf32, #tpu.memory_space<vmem_shared>>) attributes {dimension_semantics = [#tpu.dimension_semantics<core_parallel>, #tpu.dimension_semantics<subcore_parallel>], iteration_bounds = array<i64: 2, 16>, scalar_prefetch = 0 : i64, scratch_operands = 4 : i64, tpu.core_type = #tpu.core_type<sc_vector_subcore>, window_params = [{transform_indices = #map}, {transform_indices = #map1}]} {
    %mul3A = arith.constant 2 : i32
    %mul3A_0 = arith.muli %arg1, %mul3A : i32
    %add3A = arith.addi %mul3A_0, %arg0 : i32
    "tpu.region"() ({
      %run_scoped3A = tpu.sem_alloc : memref<!tpu.dma_semaphore, #tpu.memory_space<semaphore_mem>>
      %dma_start3A = arith.constant 0 : i32
      %dma_start3A_31 = arith.constant 0 : i32
      %dma_start3A_32 = tpu.memref_slice %arg2[%add3A, %dma_start3A, %dma_start3A_31] : memref<32x80x128xi32, #tpu.memory_space<hbm>> -> memref<1x80x128xi32, #tpu.memory_space<hbm>>
      %dma_start3A_33 = tpu.memref_squeeze %dma_start3A_32 : memref<1x80x128xi32, #tpu.memory_space<hbm>> -> memref<80x128xi32, #tpu.memory_space<hbm>>
      %dma_start3A_34 = arith.constant 0 : i32
      %dma_start3A_35 = arith.constant 0 : i32
      %dma_start3A_36 = tpu.memref_slice %arg2[%add3A, %dma_start3A_34, %dma_start3A_35] : memref<32x80x128xi32, #tpu.memory_space<hbm>> -> memref<1x80x128xi32, #tpu.memory_space<hbm>>
      %dma_start3A_37 = tpu.memref_squeeze %dma_start3A_36 : memref<1x80x128xi32, #tpu.memory_space<hbm>> -> memref<80x128xi32, #tpu.memory_space<hbm>>
      tpu.enqueue_dma source(%dma_start3A_37 : memref<80x128xi32, #tpu.memory_space<hbm>>) target(%arg4 : memref<80x128xi32, #tpu.memory_space<vmem>>) target_semaphore(%run_scoped3A : memref<!tpu.dma_semaphore, #tpu.memory_space<semaphore_mem>>)
      %dma_wait3A = arith.constant 0 : i32
      %dma_wait3A_38 = arith.constant 0 : i32
      %dma_wait3A_39 = tpu.memref_slice %arg2[%add3A, %dma_wait3A, %dma_wait3A_38] : memref<32x80x128xi32, #tpu.memory_space<hbm>> -> memref<1x80x128xi32, #tpu.memory_space<hbm>>
      %dma_wait3A_40 = tpu.memref_squeeze %dma_wait3A_39 : memref<1x80x128xi32, #tpu.memory_space<hbm>> -> memref<80x128xi32, #tpu.memory_space<hbm>>
      %dma_wait3A_41 = arith.constant 0 : i32
      %dma_wait3A_42 = arith.constant 0 : i32
      %dma_wait3A_43 = tpu.memref_slice %arg2[%add3A, %dma_wait3A_41, %dma_wait3A_42] : memref<32x80x128xi32, #tpu.memory_space<hbm>> -> memref<1x80x128xi32, #tpu.memory_space<hbm>>
      %dma_wait3A_44 = tpu.memref_squeeze %dma_wait3A_43 : memref<1x80x128xi32, #tpu.memory_space<hbm>> -> memref<80x128xi32, #tpu.memory_space<hbm>>
      tpu.wait_dma2 semaphore(%run_scoped3A : memref<!tpu.dma_semaphore, #tpu.memory_space<semaphore_mem>>) src(%dma_wait3A_44 : memref<80x128xi32, #tpu.memory_space<hbm>>) dst(%arg4 : memref<80x128xi32, #tpu.memory_space<vmem>>)
      tpu.yield
    }) : () -> ()
    %broadcast_in_dim3A = arith.constant 1.000000e+00 : f32
    %broadcast_in_dim3A_1 = vector.broadcast %broadcast_in_dim3A : f32 to vector<16xf32>
    %scan3A = arith.constant 0 : i32
    %scan3A_2 = arith.constant 0 : i32
    %scan3A_3 = arith.constant 8 : i32
    %scan3A_4 = arith.addi %scan3A_2, %scan3A_3 : i32
    %scan3A_5 = arith.constant 1 : i32
    %scan3A_6 = scf.for %scan3A_31 = %scan3A_2 to %scan3A_4 step %scan3A_5 iter_args(%scan3A_32 = %scan3A) -> (i32)  : i32 {
      %mul3A_33 = arith.constant 16 : i32
      %mul3A_34 = arith.muli %scan3A_31, %mul3A_33 : i32
      %swap3A = arith.index_cast %mul3A_34 : i32 to index
      %swap3A_35 = tpu.vector_load %arg5[%swap3A] {strides = array<i32>} : memref<128xf32, #tpu.memory_space<vmem>>, vector<16xf32>,
      %swap3A_36 = vector.shape_cast %swap3A_35 : vector<16xf32> to vector<16xf32>
      %swap3A_37 = vector.shape_cast %broadcast_in_dim3A_1 : vector<16xf32> to vector<16xf32>
      tpu.vector_store %arg5[%swap3A], %swap3A_37 {strides = array<i32>} : memref<128xf32, #tpu.memory_space<vmem>>, vector<16xf32>,
      %scan3A_38 = arith.constant 0 : i32
      scf.yield %scan3A_38 : i32
    }
    %scan3A_7 = arith.constant 8 : i32
    %broadcast_in_dim3A_8 = arith.constant 0.000000e+00 : f32
    %broadcast_in_dim3A_9 = vector.broadcast %broadcast_in_dim3A_8 : f32 to vector<16xf32>
    %scan3A_10 = arith.constant 0 : i32
    %scan3A_11 = arith.constant 0 : i32
    %scan3A_12 = arith.constant 40 : i32
    %scan3A_13 = arith.addi %scan3A_11, %scan3A_12 : i32
    %scan3A_14 = arith.constant 1 : i32
    %scan3A_15 = scf.for %scan3A_31 = %scan3A_11 to %scan3A_13 step %scan3A_14 iter_args(%scan3A_32 = %scan3A_10) -> (i32)  : i32 {
      %mul3A_33 = arith.constant 16 : i32
      %mul3A_34 = arith.muli %scan3A_31, %mul3A_33 : i32
      %swap3A = arith.index_cast %mul3A_34 : i32 to index
      %swap3A_35 = tpu.vector_load %arg6[%swap3A] {strides = array<i32>} : memref<640xf32, #tpu.memory_space<vmem>>, vector<16xf32>,
      %swap3A_36 = vector.shape_cast %swap3A_35 : vector<16xf32> to vector<16xf32>
      %swap3A_37 = vector.shape_cast %broadcast_in_dim3A_9 : vector<16xf32> to vector<16xf32>
      tpu.vector_store %arg6[%swap3A], %swap3A_37 {strides = array<i32>} : memref<640xf32, #tpu.memory_space<vmem>>, vector<16xf32>,
      %scan3A_38 = arith.constant 0 : i32
      scf.yield %scan3A_38 : i32
    }
    %scan3A_16 = arith.constant 40 : i32
    %mul3A_17 = arith.constant 640 : i32
    %mul3A_18 = arith.muli %arg1, %mul3A_17 : i32
    "tpu.region"() ({
      %run_scoped3A = tpu.sem_alloc : memref<!tpu.dma_semaphore, #tpu.memory_space<semaphore_mem>>
      %dma_start3A = tpu.memref_slice %arg7[%mul3A_18] : memref<10240xf32, #tpu.memory_space<vmem_shared>> -> memref<640xf32, #tpu.memory_space<vmem_shared>>
      %dma_start3A_31 = tpu.memref_slice %arg7[%mul3A_18] : memref<10240xf32, #tpu.memory_space<vmem_shared>> -> memref<640xf32, #tpu.memory_space<vmem_shared>>
      tpu.enqueue_dma source(%arg6 : memref<640xf32, #tpu.memory_space<vmem>>) target(%dma_start3A_31 : memref<640xf32, #tpu.memory_space<vmem_shared>>) target_semaphore(%run_scoped3A : memref<!tpu.dma_semaphore, #tpu.memory_space<semaphore_mem>>)
      %dma_wait3A = tpu.memref_slice %arg7[%mul3A_18] : memref<10240xf32, #tpu.memory_space<vmem_shared>> -> memref<640xf32, #tpu.memory_space<vmem_shared>>
      %dma_wait3A_32 = tpu.memref_slice %arg7[%mul3A_18] : memref<10240xf32, #tpu.memory_space<vmem_shared>> -> memref<640xf32, #tpu.memory_space<vmem_shared>>
      tpu.wait_dma2 semaphore(%run_scoped3A : memref<!tpu.dma_semaphore, #tpu.memory_space<semaphore_mem>>) src(%arg6 : memref<640xf32, #tpu.memory_space<vmem>>) dst(%dma_wait3A_32 : memref<640xf32, #tpu.memory_space<vmem_shared>>)
      tpu.yield
    }) : () -> ()
    %barrier3A = arith.constant 0 : index
    tpu.barrier barrier_id(%barrier3A)
    %scan3A_19 = arith.constant 0 : i32
    %scan3A_20 = arith.constant 0 : i32
    %scan3A_21 = arith.constant 80 : i32
    %scan3A_22 = arith.addi %scan3A_20, %scan3A_21 : i32
    %scan3A_23 = arith.constant 1 : i32
    %scan3A_24 = scf.for %scan3A_31 = %scan3A_20 to %scan3A_22 step %scan3A_23 iter_args(%scan3A_32 = %scan3A_19) -> (i32)  : i32 {
      "tpu.region"() ({
        %run_scoped3A = tpu.sem_alloc : memref<!tpu.dma_semaphore, #tpu.memory_space<semaphore_mem>>
        %dma_start3A = arith.constant 0 : i32
        %dma_start3A_34 = tpu.memref_slice %arg4[%scan3A_31, %dma_start3A] : memref<80x128xi32, #tpu.memory_space<vmem>> -> memref<1x128xi32, #tpu.memory_space<vmem>>
        %dma_start3A_35 = tpu.memref_squeeze %dma_start3A_34 : memref<1x128xi32, #tpu.memory_space<vmem>> -> memref<128xi32, #tpu.memory_space<vmem>>
        %dma_start3A_36 = arith.constant 0 : i32
        %dma_start3A_37 = tpu.memref_slice %arg7[%dma_start3A_36] : memref<10240xf32, #tpu.memory_space<vmem_shared>> -> memref<10240xf32, #tpu.memory_space<vmem_shared>>
        tpu.enqueue_indirect_dma source(%arg5 : memref<128xf32, #tpu.memory_space<vmem>>) target(%dma_start3A_37 : memref<10240xf32, #tpu.memory_space<vmem_shared>>) offsets(%dma_start3A_35 : memref<128xi32, #tpu.memory_space<vmem>>) semaphore(%run_scoped3A : memref<!tpu.dma_semaphore, #tpu.memory_space<semaphore_mem>>) {add = true}
        %dma_wait3A = arith.constant 0 : i32
        %dma_wait3A_38 = tpu.memref_slice %arg4[%scan3A_31, %dma_wait3A] : memref<80x128xi32, #tpu.memory_space<vmem>> -> memref<1x128xi32, #tpu.memory_space<vmem>>
        %dma_wait3A_39 = tpu.memref_squeeze %dma_wait3A_38 : memref<1x128xi32, #tpu.memory_space<vmem>> -> memref<128xi32, #tpu.memory_space<vmem>>
        %dma_wait3A_40 = arith.constant 0 : i32
        %dma_wait3A_41 = tpu.memref_slice %arg7[%dma_wait3A_40] : memref<10240xf32, #tpu.memory_space<vmem_shared>> -> memref<10240xf32, #tpu.memory_space<vmem_shared>>
        tpu.wait_indirect_dma semaphore(%run_scoped3A : memref<!tpu.dma_semaphore, #tpu.memory_space<semaphore_mem>>) src(%arg5 : memref<128xf32, #tpu.memory_space<vmem>>) dst(%dma_wait3A_41 : memref<10240xf32, #tpu.memory_space<vmem_shared>>)
        tpu.yield
      }) : () -> ()
      %scan3A_33 = arith.constant 0 : i32
      scf.yield %scan3A_33 : i32
    }
    %scan3A_25 = arith.constant 80 : i32
    %barrier3A_26 = arith.constant 0 : index
    tpu.barrier barrier_id(%barrier3A_26)
    %mul3A_27 = arith.constant 640 : i32
    %mul3A_28 = arith.muli %arg1, %mul3A_27 : i32
    "tpu.region"() ({
      %run_scoped3A = tpu.sem_alloc : memref<!tpu.dma_semaphore, #tpu.memory_space<semaphore_mem>>
      %dma_start3A = tpu.memref_slice %arg7[%mul3A_28] : memref<10240xf32, #tpu.memory_space<vmem_shared>> -> memref<640xf32, #tpu.memory_space<vmem_shared>>
      %dma_start3A_31 = tpu.memref_slice %arg7[%mul3A_28] : memref<10240xf32, #tpu.memory_space<vmem_shared>> -> memref<640xf32, #tpu.memory_space<vmem_shared>>
      tpu.enqueue_dma source(%dma_start3A_31 : memref<640xf32, #tpu.memory_space<vmem_shared>>) target(%arg6 : memref<640xf32, #tpu.memory_space<vmem>>) target_semaphore(%run_scoped3A : memref<!tpu.dma_semaphore, #tpu.memory_space<semaphore_mem>>)
      %dma_wait3A = tpu.memref_slice %arg7[%mul3A_28] : memref<10240xf32, #tpu.memory_space<vmem_shared>> -> memref<640xf32, #tpu.memory_space<vmem_shared>>
      %dma_wait3A_32 = tpu.memref_slice %arg7[%mul3A_28] : memref<10240xf32, #tpu.memory_space<vmem_shared>> -> memref<640xf32, #tpu.memory_space<vmem_shared>>
      tpu.wait_dma2 semaphore(%run_scoped3A : memref<!tpu.dma_semaphore, #tpu.memory_space<semaphore_mem>>) src(%dma_wait3A_32 : memref<640xf32, #tpu.memory_space<vmem_shared>>) dst(%arg6 : memref<640xf32, #tpu.memory_space<vmem>>)
      tpu.yield
    }) : () -> ()
    %mul3A_29 = arith.constant 640 : i32
    %mul3A_30 = arith.muli %arg1, %mul3A_29 : i32
    "tpu.region"() ({
      %run_scoped3A = tpu.sem_alloc : memref<!tpu.dma_semaphore, #tpu.memory_space<semaphore_mem>>
      %dma_start3A = tpu.memref_slice %arg3[%arg0, %mul3A_30] : memref<2x10240xf32, #tpu.memory_space<hbm>> -> memref<1x640xf32, #tpu.memory_space<hbm>>
      %dma_start3A_31 = tpu.memref_squeeze %dma_start3A : memref<1x640xf32, #tpu.memory_space<hbm>> -> memref<640xf32, #tpu.memory_space<hbm>>
      %dma_start3A_32 = tpu.memref_slice %arg3[%arg0, %mul3A_30] : memref<2x10240xf32, #tpu.memory_space<hbm>> -> memref<1x640xf32, #tpu.memory_space<hbm>>
      %dma_start3A_33 = tpu.memref_squeeze %dma_start3A_32 : memref<1x640xf32, #tpu.memory_space<hbm>> -> memref<640xf32, #tpu.memory_space<hbm>>
      tpu.enqueue_dma source(%arg6 : memref<640xf32, #tpu.memory_space<vmem>>) target(%dma_start3A_33 : memref<640xf32, #tpu.memory_space<hbm>>) target_semaphore(%run_scoped3A : memref<!tpu.dma_semaphore, #tpu.memory_space<semaphore_mem>>)
      %dma_wait3A = tpu.memref_slice %arg3[%arg0, %mul3A_30] : memref<2x10240xf32, #tpu.memory_space<hbm>> -> memref<1x640xf32, #tpu.memory_space<hbm>>
      %dma_wait3A_34 = tpu.memref_squeeze %dma_wait3A : memref<1x640xf32, #tpu.memory_space<hbm>> -> memref<640xf32, #tpu.memory_space<hbm>>
      %dma_wait3A_35 = tpu.memref_slice %arg3[%arg0, %mul3A_30] : memref<2x10240xf32, #tpu.memory_space<hbm>> -> memref<1x640xf32, #tpu.memory_space<hbm>>
      %dma_wait3A_36 = tpu.memref_squeeze %dma_wait3A_35 : memref<1x640xf32, #tpu.memory_space<hbm>> -> memref<640xf32, #tpu.memory_space<hbm>>
      tpu.wait_dma2 semaphore(%run_scoped3A : memref<!tpu.dma_semaphore, #tpu.memory_space<semaphore_mem>>) src(%arg6 : memref<640xf32, #tpu.memory_space<vmem>>) dst(%dma_wait3A_36 : memref<640xf32, #tpu.memory_space<hbm>>)
      tpu.yield
    }) : () -> ()
    return
  }
}

#map = affine_map<(d0, d1) -> (0, 0)>
#map1 = affine_map<(d0, d1) -> (0, 0, 0)>
module attributes {stable_mosaic.version = 14 : i64} {
  func.func @k(%arg0: i32, %arg1: i32, %arg2: memref<10000x128xf32, #tpu.memory_space<hbm>>, %arg3: memref<32x80x128xi32, #tpu.memory_space<hbm>>, %arg4: memref<32x80x128xi32, #tpu.memory_space<hbm>>, %arg5: memref<10240x128xf32, #tpu.memory_space<hbm>>, %arg6: memref<10240x128xf32, #tpu.memory_space<hbm>>, %arg7: memref<128xi32, #tpu.memory_space<vmem>>, %arg8: memref<128xi32, #tpu.memory_space<vmem>>, %arg9: memref<128xi32, #tpu.memory_space<vmem>>, %arg10: memref<128xi32, #tpu.memory_space<vmem>>, %arg11: memref<128x128xf32, #tpu.memory_space<vmem>>, %arg12: memref<128x128xf32, #tpu.memory_space<vmem>>, %arg13: memref<10240x128xf32, #tpu.memory_space<vmem_shared>>, %arg14: memref<!tpu.dma_semaphore, #tpu.memory_space<semaphore_mem>>, %arg15: memref<!tpu.dma_semaphore, #tpu.memory_space<semaphore_mem>>) attributes {dimension_semantics = [#tpu.dimension_semantics<core_parallel>, #tpu.dimension_semantics<subcore_parallel>], iteration_bounds = array<i64: 2, 16>, scalar_prefetch = 0 : i64, scratch_operands = 9 : i64, tpu.core_type = #tpu.core_type<sc_vector_subcore>, window_params = [{transform_indices = #map}, {transform_indices = #map1}, {transform_indices = #map1}, {transform_indices = #map}, {transform_indices = #map}]} {
    %mul3A = arith.constant 2 : i32
    %mul3A_0 = arith.muli %arg1, %mul3A : i32
    %add3A = arith.addi %mul3A_0, %arg0 : i32
    %mul3A_1 = arith.constant 640 : i32
    %mul3A_2 = arith.muli %arg1, %mul3A_1 : i32
    %broadcast_in_dim3A = arith.constant 0.000000e+00 : f32
    %broadcast_in_dim3A_3 = vector.broadcast %broadcast_in_dim3A : f32 to vector<16xf32>
    %scan3A = arith.constant 0 : i32
    %scan3A_4 = arith.constant 0 : i32
    %scan3A_5 = arith.constant 1024 : i32
    %scan3A_6 = arith.addi %scan3A_4, %scan3A_5 : i32
    %scan3A_7 = arith.constant 1 : i32
    %scan3A_8 = scf.for %scan3A_38 = %scan3A_4 to %scan3A_6 step %scan3A_7 iter_args(%scan3A_39 = %scan3A) -> (i32)  : i32 {
      %jit3A = arith.constant 8 : i32
      %div3A = arith.divsi %scan3A_38, %jit3A : i32
      %sign3A = arith.constant 0 : i32
      %sign3A_40 = arith.cmpi sgt, %scan3A_38, %sign3A : i32
      %sign3A_41 = arith.extui %sign3A_40 : i1 to i32
      %sign3A_42 = arith.constant 0 : i32
      %sign3A_43 = arith.cmpi slt, %scan3A_38, %sign3A_42 : i32
      %sign3A_44 = arith.extui %sign3A_43 : i1 to i32
      %sign3A_45 = arith.subi %sign3A_41, %sign3A_44 : i32
      %sign3A_46 = arith.constant 0 : i32
      %sign3A_47 = arith.cmpi sgt, %jit3A, %sign3A_46 : i32
      %sign3A_48 = arith.extui %sign3A_47 : i1 to i32
      %sign3A_49 = arith.constant 0 : i32
      %sign3A_50 = arith.cmpi slt, %jit3A, %sign3A_49 : i32
      %sign3A_51 = arith.extui %sign3A_50 : i1 to i32
      %sign3A_52 = arith.subi %sign3A_48, %sign3A_51 : i32
      %ne3A = arith.cmpi ne, %sign3A_45, %sign3A_52 : i32
      %rem3A = arith.remsi %scan3A_38, %jit3A : i32
      %ne3A_53 = arith.constant 0 : i32
      %ne3A_54 = arith.cmpi ne, %rem3A, %ne3A_53 : i32
      %and3A = arith.andi %ne3A, %ne3A_54 : i1
      %sub3A = arith.constant 1 : i32
      %sub3A_55 = arith.subi %div3A, %sub3A : i32
      %select_n3A = arith.select %and3A, %sub3A_55, %div3A : i32
      %jit3A_56 = arith.constant 8 : i32
      %eq3A_57 = arith.constant 0 : i32
      %eq3A_58 = arith.cmpi eq, %jit3A_56, %eq3A_57 : i32
      %jit3A_59 = arith.constant 1 : i32
      %select_n3A_60 = arith.select %eq3A_58, %jit3A_59, %jit3A_56 : i32
      %rem3A_61 = arith.remsi %scan3A_38, %select_n3A_60 : i32
      %ne3A_62 = arith.constant 0 : i32
      %ne3A_63 = arith.cmpi ne, %rem3A_61, %ne3A_62 : i32
      %lt3A = arith.constant 0 : i32
      %lt3A_64 = arith.cmpi slt, %rem3A_61, %lt3A : i32
      %lt3A_65 = arith.constant 0 : i32
      %lt3A_66 = arith.cmpi slt, %select_n3A_60, %lt3A_65 : i32
      %ne3A_67 = arith.xori %lt3A_64, %lt3A_66 : i1
      %and3A_68 = arith.andi %ne3A_67, %ne3A_63 : i1
      %add3A_69 = arith.addi %rem3A_61, %select_n3A_60 : i32
      %select_n3A_70 = arith.select %and3A_68, %add3A_69, %rem3A_61 : i32
      %mul3A_71 = arith.constant 16 : i32
      %mul3A_72 = arith.muli %select_n3A_70, %mul3A_71 : i32
      %swap3A = arith.index_cast %select_n3A : i32 to index
      %swap3A_73 = arith.index_cast %mul3A_72 : i32 to index
      %swap3A_74 = tpu.vector_load %arg12[%swap3A, %swap3A_73] {strides = array<i32>} : memref<128x128xf32, #tpu.memory_space<vmem>>, vector<1x16xf32>,
      %swap3A_75 = vector.shape_cast %swap3A_74 : vector<1x16xf32> to vector<16xf32>
      %swap3A_76 = vector.shape_cast %broadcast_in_dim3A_3 : vector<16xf32> to vector<1x16xf32>
      tpu.vector_store %arg12[%swap3A, %swap3A_73], %swap3A_76 {strides = array<i32>} : memref<128x128xf32, #tpu.memory_space<vmem>>, vector<1x16xf32>,
      %scan3A_77 = arith.constant 0 : i32
      scf.yield %scan3A_77 : i32
    }
    %scan3A_9 = arith.constant 1024 : i32
    %add3A_10 = arith.constant 0 : i32
    %add3A_11 = arith.addi %mul3A_2, %add3A_10 : i32
    "tpu.region"() ({
      %run_scoped3A_38 = tpu.sem_alloc : memref<!tpu.dma_semaphore, #tpu.memory_space<semaphore_mem>>
      %dma_start3A_39 = arith.constant 0 : i32
      %dma_start3A_40 = tpu.memref_slice %arg13[%add3A_11, %dma_start3A_39] : memref<10240x128xf32, #tpu.memory_space<vmem_shared>> -> memref<128x128xf32, #tpu.memory_space<vmem_shared>>
      %dma_start3A_41 = arith.constant 0 : i32
      %dma_start3A_42 = tpu.memref_slice %arg13[%add3A_11, %dma_start3A_41] : memref<10240x128xf32, #tpu.memory_space<vmem_shared>> -> memref<128x128xf32, #tpu.memory_space<vmem_shared>>
      tpu.enqueue_dma source(%arg12 : memref<128x128xf32, #tpu.memory_space<vmem>>) target(%dma_start3A_42 : memref<128x128xf32, #tpu.memory_space<vmem_shared>>) target_semaphore(%run_scoped3A_38 : memref<!tpu.dma_semaphore, #tpu.memory_space<semaphore_mem>>)
      %dma_wait3A = arith.constant 0 : i32
      %dma_wait3A_43 = tpu.memref_slice %arg13[%add3A_11, %dma_wait3A] : memref<10240x128xf32, #tpu.memory_space<vmem_shared>> -> memref<128x128xf32, #tpu.memory_space<vmem_shared>>
      %dma_wait3A_44 = arith.constant 0 : i32
      %dma_wait3A_45 = tpu.memref_slice %arg13[%add3A_11, %dma_wait3A_44] : memref<10240x128xf32, #tpu.memory_space<vmem_shared>> -> memref<128x128xf32, #tpu.memory_space<vmem_shared>>
      tpu.wait_dma2 semaphore(%run_scoped3A_38 : memref<!tpu.dma_semaphore, #tpu.memory_space<semaphore_mem>>) src(%arg12 : memref<128x128xf32, #tpu.memory_space<vmem>>) dst(%dma_wait3A_45 : memref<128x128xf32, #tpu.memory_space<vmem_shared>>)
      tpu.yield
    }) : () -> ()
    %add3A_12 = arith.constant 128 : i32
    %add3A_13 = arith.addi %mul3A_2, %add3A_12 : i32
    "tpu.region"() ({
      %run_scoped3A_38 = tpu.sem_alloc : memref<!tpu.dma_semaphore, #tpu.memory_space<semaphore_mem>>
      %dma_start3A_39 = arith.constant 0 : i32
      %dma_start3A_40 = tpu.memref_slice %arg13[%add3A_13, %dma_start3A_39] : memref<10240x128xf32, #tpu.memory_space<vmem_shared>> -> memref<128x128xf32, #tpu.memory_space<vmem_shared>>
      %dma_start3A_41 = arith.constant 0 : i32
      %dma_start3A_42 = tpu.memref_slice %arg13[%add3A_13, %dma_start3A_41] : memref<10240x128xf32, #tpu.memory_space<vmem_shared>> -> memref<128x128xf32, #tpu.memory_space<vmem_shared>>
      tpu.enqueue_dma source(%arg12 : memref<128x128xf32, #tpu.memory_space<vmem>>) target(%dma_start3A_42 : memref<128x128xf32, #tpu.memory_space<vmem_shared>>) target_semaphore(%run_scoped3A_38 : memref<!tpu.dma_semaphore, #tpu.memory_space<semaphore_mem>>)
      %dma_wait3A = arith.constant 0 : i32
      %dma_wait3A_43 = tpu.memref_slice %arg13[%add3A_13, %dma_wait3A] : memref<10240x128xf32, #tpu.memory_space<vmem_shared>> -> memref<128x128xf32, #tpu.memory_space<vmem_shared>>
      %dma_wait3A_44 = arith.constant 0 : i32
      %dma_wait3A_45 = tpu.memref_slice %arg13[%add3A_13, %dma_wait3A_44] : memref<10240x128xf32, #tpu.memory_space<vmem_shared>> -> memref<128x128xf32, #tpu.memory_space<vmem_shared>>
      tpu.wait_dma2 semaphore(%run_scoped3A_38 : memref<!tpu.dma_semaphore, #tpu.memory_space<semaphore_mem>>) src(%arg12 : memref<128x128xf32, #tpu.memory_space<vmem>>) dst(%dma_wait3A_45 : memref<128x128xf32, #tpu.memory_space<vmem_shared>>)
      tpu.yield
    }) : () -> ()
    %add3A_14 = arith.constant 256 : i32
    %add3A_15 = arith.addi %mul3A_2, %add3A_14 : i32
    "tpu.region"() ({
      %run_scoped3A_38 = tpu.sem_alloc : memref<!tpu.dma_semaphore, #tpu.memory_space<semaphore_mem>>
      %dma_start3A_39 = arith.constant 0 : i32
      %dma_start3A_40 = tpu.memref_slice %arg13[%add3A_15, %dma_start3A_39] : memref<10240x128xf32, #tpu.memory_space<vmem_shared>> -> memref<128x128xf32, #tpu.memory_space<vmem_shared>>
      %dma_start3A_41 = arith.constant 0 : i32
      %dma_start3A_42 = tpu.memref_slice %arg13[%add3A_15, %dma_start3A_41] : memref<10240x128xf32, #tpu.memory_space<vmem_shared>> -> memref<128x128xf32, #tpu.memory_space<vmem_shared>>
      tpu.enqueue_dma source(%arg12 : memref<128x128xf32, #tpu.memory_space<vmem>>) target(%dma_start3A_42 : memref<128x128xf32, #tpu.memory_space<vmem_shared>>) target_semaphore(%run_scoped3A_38 : memref<!tpu.dma_semaphore, #tpu.memory_space<semaphore_mem>>)
      %dma_wait3A = arith.constant 0 : i32
      %dma_wait3A_43 = tpu.memref_slice %arg13[%add3A_15, %dma_wait3A] : memref<10240x128xf32, #tpu.memory_space<vmem_shared>> -> memref<128x128xf32, #tpu.memory_space<vmem_shared>>
      %dma_wait3A_44 = arith.constant 0 : i32
      %dma_wait3A_45 = tpu.memref_slice %arg13[%add3A_15, %dma_wait3A_44] : memref<10240x128xf32, #tpu.memory_space<vmem_shared>> -> memref<128x128xf32, #tpu.memory_space<vmem_shared>>
      tpu.wait_dma2 semaphore(%run_scoped3A_38 : memref<!tpu.dma_semaphore, #tpu.memory_space<semaphore_mem>>) src(%arg12 : memref<128x128xf32, #tpu.memory_space<vmem>>) dst(%dma_wait3A_45 : memref<128x128xf32, #tpu.memory_space<vmem_shared>>)
      tpu.yield
    }) : () -> ()
    %add3A_16 = arith.constant 384 : i32
    %add3A_17 = arith.addi %mul3A_2, %add3A_16 : i32
    "tpu.region"() ({
      %run_scoped3A_38 = tpu.sem_alloc : memref<!tpu.dma_semaphore, #tpu.memory_space<semaphore_mem>>
      %dma_start3A_39 = arith.constant 0 : i32
      %dma_start3A_40 = tpu.memref_slice %arg13[%add3A_17, %dma_start3A_39] : memref<10240x128xf32, #tpu.memory_space<vmem_shared>> -> memref<128x128xf32, #tpu.memory_space<vmem_shared>>
      %dma_start3A_41 = arith.constant 0 : i32
      %dma_start3A_42 = tpu.memref_slice %arg13[%add3A_17, %dma_start3A_41] : memref<10240x128xf32, #tpu.memory_space<vmem_shared>> -> memref<128x128xf32, #tpu.memory_space<vmem_shared>>
      tpu.enqueue_dma source(%arg12 : memref<128x128xf32, #tpu.memory_space<vmem>>) target(%dma_start3A_42 : memref<128x128xf32, #tpu.memory_space<vmem_shared>>) target_semaphore(%run_scoped3A_38 : memref<!tpu.dma_semaphore, #tpu.memory_space<semaphore_mem>>)
      %dma_wait3A = arith.constant 0 : i32
      %dma_wait3A_43 = tpu.memref_slice %arg13[%add3A_17, %dma_wait3A] : memref<10240x128xf32, #tpu.memory_space<vmem_shared>> -> memref<128x128xf32, #tpu.memory_space<vmem_shared>>
      %dma_wait3A_44 = arith.constant 0 : i32
      %dma_wait3A_45 = tpu.memref_slice %arg13[%add3A_17, %dma_wait3A_44] : memref<10240x128xf32, #tpu.memory_space<vmem_shared>> -> memref<128x128xf32, #tpu.memory_space<vmem_shared>>
      tpu.wait_dma2 semaphore(%run_scoped3A_38 : memref<!tpu.dma_semaphore, #tpu.memory_space<semaphore_mem>>) src(%arg12 : memref<128x128xf32, #tpu.memory_space<vmem>>) dst(%dma_wait3A_45 : memref<128x128xf32, #tpu.memory_space<vmem_shared>>)
      tpu.yield
    }) : () -> ()
    %add3A_18 = arith.constant 512 : i32
    %add3A_19 = arith.addi %mul3A_2, %add3A_18 : i32
    "tpu.region"() ({
      %run_scoped3A_38 = tpu.sem_alloc : memref<!tpu.dma_semaphore, #tpu.memory_space<semaphore_mem>>
      %dma_start3A_39 = arith.constant 0 : i32
      %dma_start3A_40 = tpu.memref_slice %arg13[%add3A_19, %dma_start3A_39] : memref<10240x128xf32, #tpu.memory_space<vmem_shared>> -> memref<128x128xf32, #tpu.memory_space<vmem_shared>>
      %dma_start3A_41 = arith.constant 0 : i32
      %dma_start3A_42 = tpu.memref_slice %arg13[%add3A_19, %dma_start3A_41] : memref<10240x128xf32, #tpu.memory_space<vmem_shared>> -> memref<128x128xf32, #tpu.memory_space<vmem_shared>>
      tpu.enqueue_dma source(%arg12 : memref<128x128xf32, #tpu.memory_space<vmem>>) target(%dma_start3A_42 : memref<128x128xf32, #tpu.memory_space<vmem_shared>>) target_semaphore(%run_scoped3A_38 : memref<!tpu.dma_semaphore, #tpu.memory_space<semaphore_mem>>)
      %dma_wait3A = arith.constant 0 : i32
      %dma_wait3A_43 = tpu.memref_slice %arg13[%add3A_19, %dma_wait3A] : memref<10240x128xf32, #tpu.memory_space<vmem_shared>> -> memref<128x128xf32, #tpu.memory_space<vmem_shared>>
      %dma_wait3A_44 = arith.constant 0 : i32
      %dma_wait3A_45 = tpu.memref_slice %arg13[%add3A_19, %dma_wait3A_44] : memref<10240x128xf32, #tpu.memory_space<vmem_shared>> -> memref<128x128xf32, #tpu.memory_space<vmem_shared>>
      tpu.wait_dma2 semaphore(%run_scoped3A_38 : memref<!tpu.dma_semaphore, #tpu.memory_space<semaphore_mem>>) src(%arg12 : memref<128x128xf32, #tpu.memory_space<vmem>>) dst(%dma_wait3A_45 : memref<128x128xf32, #tpu.memory_space<vmem_shared>>)
      tpu.yield
    }) : () -> ()
    %barrier3A = arith.constant 0 : index
    tpu.barrier barrier_id(%barrier3A)
    %run_scoped3A = arith.constant 0 : i32
    "tpu.region"() ({
      %run_scoped3A_38 = tpu.sem_alloc : memref<!tpu.dma_semaphore, #tpu.memory_space<semaphore_mem>>
      %dma_start3A_39 = arith.constant 0 : i32
      %dma_start3A_40 = tpu.memref_slice %arg3[%add3A, %run_scoped3A, %dma_start3A_39] : memref<32x80x128xi32, #tpu.memory_space<hbm>> -> memref<1x1x128xi32, #tpu.memory_space<hbm>>
      %dma_start3A_41 = tpu.memref_squeeze %dma_start3A_40 : memref<1x1x128xi32, #tpu.memory_space<hbm>> -> memref<128xi32, #tpu.memory_space<hbm>>
      %dma_start3A_42 = arith.constant 0 : i32
      %dma_start3A_43 = tpu.memref_slice %arg3[%add3A, %run_scoped3A, %dma_start3A_42] : memref<32x80x128xi32, #tpu.memory_space<hbm>> -> memref<1x1x128xi32, #tpu.memory_space<hbm>>
      %dma_start3A_44 = tpu.memref_squeeze %dma_start3A_43 : memref<1x1x128xi32, #tpu.memory_space<hbm>> -> memref<128xi32, #tpu.memory_space<hbm>>
      tpu.enqueue_dma source(%dma_start3A_44 : memref<128xi32, #tpu.memory_space<hbm>>) target(%arg7 : memref<128xi32, #tpu.memory_space<vmem>>) target_semaphore(%run_scoped3A_38 : memref<!tpu.dma_semaphore, #tpu.memory_space<semaphore_mem>>)
      %dma_wait3A = arith.constant 0 : i32
      %dma_wait3A_45 = tpu.memref_slice %arg3[%add3A, %run_scoped3A, %dma_wait3A] : memref<32x80x128xi32, #tpu.memory_space<hbm>> -> memref<1x1x128xi32, #tpu.memory_space<hbm>>
      %dma_wait3A_46 = tpu.memref_squeeze %dma_wait3A_45 : memref<1x1x128xi32, #tpu.memory_space<hbm>> -> memref<128xi32, #tpu.memory_space<hbm>>
      %dma_wait3A_47 = arith.constant 0 : i32
      %dma_wait3A_48 = tpu.memref_slice %arg3[%add3A, %run_scoped3A, %dma_wait3A_47] : memref<32x80x128xi32, #tpu.memory_space<hbm>> -> memref<1x1x128xi32, #tpu.memory_space<hbm>>
      %dma_wait3A_49 = tpu.memref_squeeze %dma_wait3A_48 : memref<1x1x128xi32, #tpu.memory_space<hbm>> -> memref<128xi32, #tpu.memory_space<hbm>>
      tpu.wait_dma2 semaphore(%run_scoped3A_38 : memref<!tpu.dma_semaphore, #tpu.memory_space<semaphore_mem>>) src(%dma_wait3A_49 : memref<128xi32, #tpu.memory_space<hbm>>) dst(%arg7 : memref<128xi32, #tpu.memory_space<vmem>>)
      tpu.yield
    }) : () -> ()
    %run_scoped3A_20 = arith.constant 0 : i32
    "tpu.region"() ({
      %run_scoped3A_38 = tpu.sem_alloc : memref<!tpu.dma_semaphore, #tpu.memory_space<semaphore_mem>>
      %dma_start3A_39 = arith.constant 0 : i32
      %dma_start3A_40 = tpu.memref_slice %arg4[%add3A, %run_scoped3A_20, %dma_start3A_39] : memref<32x80x128xi32, #tpu.memory_space<hbm>> -> memref<1x1x128xi32, #tpu.memory_space<hbm>>
      %dma_start3A_41 = tpu.memref_squeeze %dma_start3A_40 : memref<1x1x128xi32, #tpu.memory_space<hbm>> -> memref<128xi32, #tpu.memory_space<hbm>>
      %dma_start3A_42 = arith.constant 0 : i32
      %dma_start3A_43 = tpu.memref_slice %arg4[%add3A, %run_scoped3A_20, %dma_start3A_42] : memref<32x80x128xi32, #tpu.memory_space<hbm>> -> memref<1x1x128xi32, #tpu.memory_space<hbm>>
      %dma_start3A_44 = tpu.memref_squeeze %dma_start3A_43 : memref<1x1x128xi32, #tpu.memory_space<hbm>> -> memref<128xi32, #tpu.memory_space<hbm>>
      tpu.enqueue_dma source(%dma_start3A_44 : memref<128xi32, #tpu.memory_space<hbm>>) target(%arg9 : memref<128xi32, #tpu.memory_space<vmem>>) target_semaphore(%run_scoped3A_38 : memref<!tpu.dma_semaphore, #tpu.memory_space<semaphore_mem>>)
      %dma_wait3A = arith.constant 0 : i32
      %dma_wait3A_45 = tpu.memref_slice %arg4[%add3A, %run_scoped3A_20, %dma_wait3A] : memref<32x80x128xi32, #tpu.memory_space<hbm>> -> memref<1x1x128xi32, #tpu.memory_space<hbm>>
      %dma_wait3A_46 = tpu.memref_squeeze %dma_wait3A_45 : memref<1x1x128xi32, #tpu.memory_space<hbm>> -> memref<128xi32, #tpu.memory_space<hbm>>
      %dma_wait3A_47 = arith.constant 0 : i32
      %dma_wait3A_48 = tpu.memref_slice %arg4[%add3A, %run_scoped3A_20, %dma_wait3A_47] : memref<32x80x128xi32, #tpu.memory_space<hbm>> -> memref<1x1x128xi32, #tpu.memory_space<hbm>>
      %dma_wait3A_49 = tpu.memref_squeeze %dma_wait3A_48 : memref<1x1x128xi32, #tpu.memory_space<hbm>> -> memref<128xi32, #tpu.memory_space<hbm>>
      tpu.wait_dma2 semaphore(%run_scoped3A_38 : memref<!tpu.dma_semaphore, #tpu.memory_space<semaphore_mem>>) src(%dma_wait3A_49 : memref<128xi32, #tpu.memory_space<hbm>>) dst(%arg9 : memref<128xi32, #tpu.memory_space<vmem>>)
      tpu.yield
    }) : () -> ()
    %dma_start3A = arith.constant 0 : i32
    %dma_start3A_21 = arith.constant 0 : i32
    %dma_start3A_22 = tpu.memref_slice %arg2[%dma_start3A, %dma_start3A_21] : memref<10000x128xf32, #tpu.memory_space<hbm>> -> memref<10000x128xf32, #tpu.memory_space<hbm>>
    tpu.enqueue_indirect_dma source(%dma_start3A_22 : memref<10000x128xf32, #tpu.memory_space<hbm>>) target(%arg11 : memref<128x128xf32, #tpu.memory_space<vmem>>) offsets(%arg7 : memref<128xi32, #tpu.memory_space<vmem>>) semaphore(%arg14 : memref<!tpu.dma_semaphore, #tpu.memory_space<semaphore_mem>>)
    %scan3A_23 = arith.constant 0 : i32
    %scan3A_24 = arith.constant 0 : i32
    %scan3A_25 = arith.constant 40 : i32
    %scan3A_26 = arith.addi %scan3A_24, %scan3A_25 : i32
    %scan3A_27 = arith.constant 1 : i32
    %scan3A_28 = scf.for %scan3A_38 = %scan3A_24 to %scan3A_26 step %scan3A_27 iter_args(%scan3A_39 = %scan3A_23) -> (i32)  : i32 {
      %mul3A_40 = arith.constant 2 : i32
      %mul3A_41 = arith.muli %mul3A_40, %scan3A_38 : i32
      %add3A_42 = arith.constant 1 : i32
      %add3A_43 = arith.addi %mul3A_41, %add3A_42 : i32
      %dma_start3A_44 = arith.constant 0 : i32
      %dma_start3A_45 = tpu.memref_slice %arg3[%add3A, %add3A_43, %dma_start3A_44] : memref<32x80x128xi32, #tpu.memory_space<hbm>> -> memref<1x1x128xi32, #tpu.memory_space<hbm>>
      %dma_start3A_46 = tpu.memref_squeeze %dma_start3A_45 : memref<1x1x128xi32, #tpu.memory_space<hbm>> -> memref<128xi32, #tpu.memory_space<hbm>>
      %dma_start3A_47 = arith.constant 0 : i32
      %dma_start3A_48 = tpu.memref_slice %arg3[%add3A, %add3A_43, %dma_start3A_47] : memref<32x80x128xi32, #tpu.memory_space<hbm>> -> memref<1x1x128xi32, #tpu.memory_space<hbm>>
      %dma_start3A_49 = tpu.memref_squeeze %dma_start3A_48 : memref<1x1x128xi32, #tpu.memory_space<hbm>> -> memref<128xi32, #tpu.memory_space<hbm>>
      tpu.enqueue_dma source(%dma_start3A_49 : memref<128xi32, #tpu.memory_space<hbm>>) target(%arg8 : memref<128xi32, #tpu.memory_space<vmem>>) target_semaphore(%arg15 : memref<!tpu.dma_semaphore, #tpu.memory_space<semaphore_mem>>)
      %dma_start3A_50 = arith.constant 0 : i32
      %dma_start3A_51 = tpu.memref_slice %arg4[%add3A, %add3A_43, %dma_start3A_50] : memref<32x80x128xi32, #tpu.memory_space<hbm>> -> memref<1x1x128xi32, #tpu.memory_space<hbm>>
      %dma_start3A_52 = tpu.memref_squeeze %dma_start3A_51 : memref<1x1x128xi32, #tpu.memory_space<hbm>> -> memref<128xi32, #tpu.memory_space<hbm>>
      %dma_start3A_53 = arith.constant 0 : i32
      %dma_start3A_54 = tpu.memref_slice %arg4[%add3A, %add3A_43, %dma_start3A_53] : memref<32x80x128xi32, #tpu.memory_space<hbm>> -> memref<1x1x128xi32, #tpu.memory_space<hbm>>
      %dma_start3A_55 = tpu.memref_squeeze %dma_start3A_54 : memref<1x1x128xi32, #tpu.memory_space<hbm>> -> memref<128xi32, #tpu.memory_space<hbm>>
      tpu.enqueue_dma source(%dma_start3A_55 : memref<128xi32, #tpu.memory_space<hbm>>) target(%arg10 : memref<128xi32, #tpu.memory_space<vmem>>) target_semaphore(%arg15 : memref<!tpu.dma_semaphore, #tpu.memory_space<semaphore_mem>>)
      %dma_wait3A = arith.constant 0 : i32
      %dma_wait3A_56 = tpu.memref_slice %arg3[%add3A, %add3A_43, %dma_wait3A] : memref<32x80x128xi32, #tpu.memory_space<hbm>> -> memref<1x1x128xi32, #tpu.memory_space<hbm>>
      %dma_wait3A_57 = tpu.memref_squeeze %dma_wait3A_56 : memref<1x1x128xi32, #tpu.memory_space<hbm>> -> memref<128xi32, #tpu.memory_space<hbm>>
      %dma_wait3A_58 = arith.constant 0 : i32
      %dma_wait3A_59 = tpu.memref_slice %arg3[%add3A, %add3A_43, %dma_wait3A_58] : memref<32x80x128xi32, #tpu.memory_space<hbm>> -> memref<1x1x128xi32, #tpu.memory_space<hbm>>
      %dma_wait3A_60 = tpu.memref_squeeze %dma_wait3A_59 : memref<1x1x128xi32, #tpu.memory_space<hbm>> -> memref<128xi32, #tpu.memory_space<hbm>>
      tpu.wait_dma2 semaphore(%arg15 : memref<!tpu.dma_semaphore, #tpu.memory_space<semaphore_mem>>) src(%dma_wait3A_60 : memref<128xi32, #tpu.memory_space<hbm>>) dst(%arg8 : memref<128xi32, #tpu.memory_space<vmem>>)
      %dma_wait3A_61 = arith.constant 0 : i32
      %dma_wait3A_62 = tpu.memref_slice %arg4[%add3A, %add3A_43, %dma_wait3A_61] : memref<32x80x128xi32, #tpu.memory_space<hbm>> -> memref<1x1x128xi32, #tpu.memory_space<hbm>>
      %dma_wait3A_63 = tpu.memref_squeeze %dma_wait3A_62 : memref<1x1x128xi32, #tpu.memory_space<hbm>> -> memref<128xi32, #tpu.memory_space<hbm>>
      %dma_wait3A_64 = arith.constant 0 : i32
      %dma_wait3A_65 = tpu.memref_slice %arg4[%add3A, %add3A_43, %dma_wait3A_64] : memref<32x80x128xi32, #tpu.memory_space<hbm>> -> memref<1x1x128xi32, #tpu.memory_space<hbm>>
      %dma_wait3A_66 = tpu.memref_squeeze %dma_wait3A_65 : memref<1x1x128xi32, #tpu.memory_space<hbm>> -> memref<128xi32, #tpu.memory_space<hbm>>
      tpu.wait_dma2 semaphore(%arg15 : memref<!tpu.dma_semaphore, #tpu.memory_space<semaphore_mem>>) src(%dma_wait3A_66 : memref<128xi32, #tpu.memory_space<hbm>>) dst(%arg10 : memref<128xi32, #tpu.memory_space<vmem>>)
      %dma_start3A_67 = arith.constant 0 : i32
      %dma_start3A_68 = arith.constant 0 : i32
      %dma_start3A_69 = tpu.memref_slice %arg2[%dma_start3A_67, %dma_start3A_68] : memref<10000x128xf32, #tpu.memory_space<hbm>> -> memref<10000x128xf32, #tpu.memory_space<hbm>>
      tpu.enqueue_indirect_dma source(%dma_start3A_69 : memref<10000x128xf32, #tpu.memory_space<hbm>>) target(%arg12 : memref<128x128xf32, #tpu.memory_space<vmem>>) offsets(%arg8 : memref<128xi32, #tpu.memory_space<vmem>>) semaphore(%arg14 : memref<!tpu.dma_semaphore, #tpu.memory_space<semaphore_mem>>)
      %dma_wait3A_70 = arith.constant 0 : i32
      %dma_wait3A_71 = arith.constant 0 : i32
      %dma_wait3A_72 = tpu.memref_slice %arg2[%dma_wait3A_70, %dma_wait3A_71] : memref<10000x128xf32, #tpu.memory_space<hbm>> -> memref<10000x128xf32, #tpu.memory_space<hbm>>
      tpu.wait_indirect_dma semaphore(%arg14 : memref<!tpu.dma_semaphore, #tpu.memory_space<semaphore_mem>>) src(%dma_wait3A_72 : memref<10000x128xf32, #tpu.memory_space<hbm>>) dst(%arg11 : memref<128x128xf32, #tpu.memory_space<vmem>>)
      "tpu.region"() ({
        %run_scoped3A_83 = tpu.sem_alloc : memref<!tpu.dma_semaphore, #tpu.memory_space<semaphore_mem>>
        %dma_start3A_84 = arith.constant 0 : i32
        %dma_start3A_85 = arith.constant 0 : i32
        %dma_start3A_86 = tpu.memref_slice %arg13[%dma_start3A_84, %dma_start3A_85] : memref<10240x128xf32, #tpu.memory_space<vmem_shared>> -> memref<10240x128xf32, #tpu.memory_space<vmem_shared>>
        tpu.enqueue_indirect_dma source(%arg11 : memref<128x128xf32, #tpu.memory_space<vmem>>) target(%dma_start3A_86 : memref<10240x128xf32, #tpu.memory_space<vmem_shared>>) offsets(%arg9 : memref<128xi32, #tpu.memory_space<vmem>>) semaphore(%run_scoped3A_83 : memref<!tpu.dma_semaphore, #tpu.memory_space<semaphore_mem>>) {add = true}
        %dma_wait3A_87 = arith.constant 0 : i32
        %dma_wait3A_88 = arith.constant 0 : i32
        %dma_wait3A_89 = tpu.memref_slice %arg13[%dma_wait3A_87, %dma_wait3A_88] : memref<10240x128xf32, #tpu.memory_space<vmem_shared>> -> memref<10240x128xf32, #tpu.memory_space<vmem_shared>>
        tpu.wait_indirect_dma semaphore(%run_scoped3A_83 : memref<!tpu.dma_semaphore, #tpu.memory_space<semaphore_mem>>) src(%arg11 : memref<128x128xf32, #tpu.memory_space<vmem>>) dst(%dma_wait3A_89 : memref<10240x128xf32, #tpu.memory_space<vmem_shared>>)
        tpu.yield
      }) : () -> ()
      %add3A_73 = arith.constant 1 : i32
      %add3A_74 = arith.addi %scan3A_38, %add3A_73 : i32
      %lt3A = arith.constant 40 : i32
      %lt3A_75 = arith.cmpi slt, %add3A_74, %lt3A : i32
      %convert_element_type3A_76 = arith.extui %lt3A_75 : i1 to i32
      %cond3A_77 = arith.constant 0 : i32
      %cond3A_78 = arith.cmpi ne, %convert_element_type3A_76, %cond3A_77 : i32
      scf.if %cond3A_78 {
        %add3A_83 = arith.constant 1 : i32
        %add3A_84 = arith.addi %add3A_43, %add3A_83 : i32
        %dma_start3A_85 = arith.constant 0 : i32
        %dma_start3A_86 = tpu.memref_slice %arg3[%add3A, %add3A_84, %dma_start3A_85] : memref<32x80x128xi32, #tpu.memory_space<hbm>> -> memref<1x1x128xi32, #tpu.memory_space<hbm>>
        %dma_start3A_87 = tpu.memref_squeeze %dma_start3A_86 : memref<1x1x128xi32, #tpu.memory_space<hbm>> -> memref<128xi32, #tpu.memory_space<hbm>>
        %dma_start3A_88 = arith.constant 0 : i32
        %dma_start3A_89 = tpu.memref_slice %arg3[%add3A, %add3A_84, %dma_start3A_88] : memref<32x80x128xi32, #tpu.memory_space<hbm>> -> memref<1x1x128xi32, #tpu.memory_space<hbm>>
        %dma_start3A_90 = tpu.memref_squeeze %dma_start3A_89 : memref<1x1x128xi32, #tpu.memory_space<hbm>> -> memref<128xi32, #tpu.memory_space<hbm>>
        tpu.enqueue_dma source(%dma_start3A_90 : memref<128xi32, #tpu.memory_space<hbm>>) target(%arg7 : memref<128xi32, #tpu.memory_space<vmem>>) target_semaphore(%arg15 : memref<!tpu.dma_semaphore, #tpu.memory_space<semaphore_mem>>)
        %add3A_91 = arith.constant 1 : i32
        %add3A_92 = arith.addi %add3A_43, %add3A_91 : i32
        %dma_start3A_93 = arith.constant 0 : i32
        %dma_start3A_94 = tpu.memref_slice %arg4[%add3A, %add3A_92, %dma_start3A_93] : memref<32x80x128xi32, #tpu.memory_space<hbm>> -> memref<1x1x128xi32, #tpu.memory_space<hbm>>
        %dma_start3A_95 = tpu.memref_squeeze %dma_start3A_94 : memref<1x1x128xi32, #tpu.memory_space<hbm>> -> memref<128xi32, #tpu.memory_space<hbm>>
        %dma_start3A_96 = arith.constant 0 : i32
        %dma_start3A_97 = tpu.memref_slice %arg4[%add3A, %add3A_92, %dma_start3A_96] : memref<32x80x128xi32, #tpu.memory_space<hbm>> -> memref<1x1x128xi32, #tpu.memory_space<hbm>>
        %dma_start3A_98 = tpu.memref_squeeze %dma_start3A_97 : memref<1x1x128xi32, #tpu.memory_space<hbm>> -> memref<128xi32, #tpu.memory_space<hbm>>
        tpu.enqueue_dma source(%dma_start3A_98 : memref<128xi32, #tpu.memory_space<hbm>>) target(%arg9 : memref<128xi32, #tpu.memory_space<vmem>>) target_semaphore(%arg15 : memref<!tpu.dma_semaphore, #tpu.memory_space<semaphore_mem>>)
        %add3A_99 = arith.constant 1 : i32
        %add3A_100 = arith.addi %add3A_43, %add3A_99 : i32
        %dma_wait3A_101 = arith.constant 0 : i32
        %dma_wait3A_102 = tpu.memref_slice %arg3[%add3A, %add3A_100, %dma_wait3A_101] : memref<32x80x128xi32, #tpu.memory_space<hbm>> -> memref<1x1x128xi32, #tpu.memory_space<hbm>>
        %dma_wait3A_103 = tpu.memref_squeeze %dma_wait3A_102 : memref<1x1x128xi32, #tpu.memory_space<hbm>> -> memref<128xi32, #tpu.memory_space<hbm>>
        %dma_wait3A_104 = arith.constant 0 : i32
        %dma_wait3A_105 = tpu.memref_slice %arg3[%add3A, %add3A_100, %dma_wait3A_104] : memref<32x80x128xi32, #tpu.memory_space<hbm>> -> memref<1x1x128xi32, #tpu.memory_space<hbm>>
        %dma_wait3A_106 = tpu.memref_squeeze %dma_wait3A_105 : memref<1x1x128xi32, #tpu.memory_space<hbm>> -> memref<128xi32, #tpu.memory_space<hbm>>
        tpu.wait_dma2 semaphore(%arg15 : memref<!tpu.dma_semaphore, #tpu.memory_space<semaphore_mem>>) src(%dma_wait3A_106 : memref<128xi32, #tpu.memory_space<hbm>>) dst(%arg7 : memref<128xi32, #tpu.memory_space<vmem>>)
        %add3A_107 = arith.constant 1 : i32
        %add3A_108 = arith.addi %add3A_43, %add3A_107 : i32
        %dma_wait3A_109 = arith.constant 0 : i32
        %dma_wait3A_110 = tpu.memref_slice %arg4[%add3A, %add3A_108, %dma_wait3A_109] : memref<32x80x128xi32, #tpu.memory_space<hbm>> -> memref<1x1x128xi32, #tpu.memory_space<hbm>>
        %dma_wait3A_111 = tpu.memref_squeeze %dma_wait3A_110 : memref<1x1x128xi32, #tpu.memory_space<hbm>> -> memref<128xi32, #tpu.memory_space<hbm>>
        %dma_wait3A_112 = arith.constant 0 : i32
        %dma_wait3A_113 = tpu.memref_slice %arg4[%add3A, %add3A_108, %dma_wait3A_112] : memref<32x80x128xi32, #tpu.memory_space<hbm>> -> memref<1x1x128xi32, #tpu.memory_space<hbm>>
        %dma_wait3A_114 = tpu.memref_squeeze %dma_wait3A_113 : memref<1x1x128xi32, #tpu.memory_space<hbm>> -> memref<128xi32, #tpu.memory_space<hbm>>
        tpu.wait_dma2 semaphore(%arg15 : memref<!tpu.dma_semaphore, #tpu.memory_space<semaphore_mem>>) src(%dma_wait3A_114 : memref<128xi32, #tpu.memory_space<hbm>>) dst(%arg9 : memref<128xi32, #tpu.memory_space<vmem>>)
        %dma_start3A_115 = arith.constant 0 : i32
        %dma_start3A_116 = arith.constant 0 : i32
        %dma_start3A_117 = tpu.memref_slice %arg2[%dma_start3A_115, %dma_start3A_116] : memref<10000x128xf32, #tpu.memory_space<hbm>> -> memref<10000x128xf32, #tpu.memory_space<hbm>>
        tpu.enqueue_indirect_dma source(%dma_start3A_117 : memref<10000x128xf32, #tpu.memory_space<hbm>>) target(%arg11 : memref<128x128xf32, #tpu.memory_space<vmem>>) offsets(%arg7 : memref<128xi32, #tpu.memory_space<vmem>>) semaphore(%arg14 : memref<!tpu.dma_semaphore, #tpu.memory_space<semaphore_mem>>)
      } else {
      }
      %dma_wait3A_79 = arith.constant 0 : i32
      %dma_wait3A_80 = arith.constant 0 : i32
      %dma_wait3A_81 = tpu.memref_slice %arg2[%dma_wait3A_79, %dma_wait3A_80] : memref<10000x128xf32, #tpu.memory_space<hbm>> -> memref<10000x128xf32, #tpu.memory_space<hbm>>
      tpu.wait_indirect_dma semaphore(%arg14 : memref<!tpu.dma_semaphore, #tpu.memory_space<semaphore_mem>>) src(%dma_wait3A_81 : memref<10000x128xf32, #tpu.memory_space<hbm>>) dst(%arg12 : memref<128x128xf32, #tpu.memory_space<vmem>>)
      "tpu.region"() ({
        %run_scoped3A_83 = tpu.sem_alloc : memref<!tpu.dma_semaphore, #tpu.memory_space<semaphore_mem>>
        %dma_start3A_84 = arith.constant 0 : i32
        %dma_start3A_85 = arith.constant 0 : i32
        %dma_start3A_86 = tpu.memref_slice %arg13[%dma_start3A_84, %dma_start3A_85] : memref<10240x128xf32, #tpu.memory_space<vmem_shared>> -> memref<10240x128xf32, #tpu.memory_space<vmem_shared>>
        tpu.enqueue_indirect_dma source(%arg12 : memref<128x128xf32, #tpu.memory_space<vmem>>) target(%dma_start3A_86 : memref<10240x128xf32, #tpu.memory_space<vmem_shared>>) offsets(%arg10 : memref<128xi32, #tpu.memory_space<vmem>>) semaphore(%run_scoped3A_83 : memref<!tpu.dma_semaphore, #tpu.memory_space<semaphore_mem>>) {add = true}
        %dma_wait3A_87 = arith.constant 0 : i32
        %dma_wait3A_88 = arith.constant 0 : i32
        %dma_wait3A_89 = tpu.memref_slice %arg13[%dma_wait3A_87, %dma_wait3A_88] : memref<10240x128xf32, #tpu.memory_space<vmem_shared>> -> memref<10240x128xf32, #tpu.memory_space<vmem_shared>>
        tpu.wait_indirect_dma semaphore(%run_scoped3A_83 : memref<!tpu.dma_semaphore, #tpu.memory_space<semaphore_mem>>) src(%arg12 : memref<128x128xf32, #tpu.memory_space<vmem>>) dst(%dma_wait3A_89 : memref<10240x128xf32, #tpu.memory_space<vmem_shared>>)
        tpu.yield
      }) : () -> ()
      %scan3A_82 = arith.constant 0 : i32
      scf.yield %scan3A_82 : i32
    }
    %scan3A_29 = arith.constant 40 : i32
    %barrier3A_30 = arith.constant 0 : index
    tpu.barrier barrier_id(%barrier3A_30)
    %eq3A = arith.constant 0 : i32
    %eq3A_31 = arith.cmpi eq, %arg0, %eq3A : i32
    %convert_element_type3A = arith.extui %eq3A_31 : i1 to i32
    %cond3A = arith.constant 0 : i32
    %cond3A_32 = arith.cmpi ne, %convert_element_type3A, %cond3A : i32
    scf.if %cond3A_32 {
      %add3A_38 = arith.constant 0 : i32
      %add3A_39 = arith.addi %mul3A_2, %add3A_38 : i32
      "tpu.region"() ({
        %run_scoped3A_48 = tpu.sem_alloc : memref<!tpu.dma_semaphore, #tpu.memory_space<semaphore_mem>>
        %dma_start3A_49 = arith.constant 0 : i32
        %dma_start3A_50 = tpu.memref_slice %arg13[%add3A_39, %dma_start3A_49] : memref<10240x128xf32, #tpu.memory_space<vmem_shared>> -> memref<128x128xf32, #tpu.memory_space<vmem_shared>>
        %dma_start3A_51 = arith.constant 0 : i32
        %dma_start3A_52 = tpu.memref_slice %arg13[%add3A_39, %dma_start3A_51] : memref<10240x128xf32, #tpu.memory_space<vmem_shared>> -> memref<128x128xf32, #tpu.memory_space<vmem_shared>>
        tpu.enqueue_dma source(%dma_start3A_52 : memref<128x128xf32, #tpu.memory_space<vmem_shared>>) target(%arg11 : memref<128x128xf32, #tpu.memory_space<vmem>>) target_semaphore(%run_scoped3A_48 : memref<!tpu.dma_semaphore, #tpu.memory_space<semaphore_mem>>)
        %dma_wait3A = arith.constant 0 : i32
        %dma_wait3A_53 = tpu.memref_slice %arg13[%add3A_39, %dma_wait3A] : memref<10240x128xf32, #tpu.memory_space<vmem_shared>> -> memref<128x128xf32, #tpu.memory_space<vmem_shared>>
        %dma_wait3A_54 = arith.constant 0 : i32
        %dma_wait3A_55 = tpu.memref_slice %arg13[%add3A_39, %dma_wait3A_54] : memref<10240x128xf32, #tpu.memory_space<vmem_shared>> -> memref<128x128xf32, #tpu.memory_space<vmem_shared>>
        tpu.wait_dma2 semaphore(%run_scoped3A_48 : memref<!tpu.dma_semaphore, #tpu.memory_space<semaphore_mem>>) src(%dma_wait3A_55 : memref<128x128xf32, #tpu.memory_space<vmem_shared>>) dst(%arg11 : memref<128x128xf32, #tpu.memory_space<vmem>>)
        tpu.yield
      }) : () -> ()
      "tpu.region"() ({
        %run_scoped3A_48 = tpu.sem_alloc : memref<!tpu.dma_semaphore, #tpu.memory_space<semaphore_mem>>
        %dma_start3A_49 = arith.constant 0 : i32
        %dma_start3A_50 = tpu.memref_slice %arg5[%add3A_39, %dma_start3A_49] : memref<10240x128xf32, #tpu.memory_space<hbm>> -> memref<128x128xf32, #tpu.memory_space<hbm>>
        %dma_start3A_51 = arith.constant 0 : i32
        %dma_start3A_52 = tpu.memref_slice %arg5[%add3A_39, %dma_start3A_51] : memref<10240x128xf32, #tpu.memory_space<hbm>> -> memref<128x128xf32, #tpu.memory_space<hbm>>
        tpu.enqueue_dma source(%arg11 : memref<128x128xf32, #tpu.memory_space<vmem>>) target(%dma_start3A_52 : memref<128x128xf32, #tpu.memory_space<hbm>>) target_semaphore(%run_scoped3A_48 : memref<!tpu.dma_semaphore, #tpu.memory_space<semaphore_mem>>)
        %dma_wait3A = arith.constant 0 : i32
        %dma_wait3A_53 = tpu.memref_slice %arg5[%add3A_39, %dma_wait3A] : memref<10240x128xf32, #tpu.memory_space<hbm>> -> memref<128x128xf32, #tpu.memory_space<hbm>>
        %dma_wait3A_54 = arith.constant 0 : i32
        %dma_wait3A_55 = tpu.memref_slice %arg5[%add3A_39, %dma_wait3A_54] : memref<10240x128xf32, #tpu.memory_space<hbm>> -> memref<128x128xf32, #tpu.memory_space<hbm>>
        tpu.wait_dma2 semaphore(%run_scoped3A_48 : memref<!tpu.dma_semaphore, #tpu.memory_space<semaphore_mem>>) src(%arg11 : memref<128x128xf32, #tpu.memory_space<vmem>>) dst(%dma_wait3A_55 : memref<128x128xf32, #tpu.memory_space<hbm>>)
        tpu.yield
      }) : () -> ()
      %add3A_40 = arith.constant 128 : i32
      %add3A_41 = arith.addi %mul3A_2, %add3A_40 : i32
      "tpu.region"() ({
        %run_scoped3A_48 = tpu.sem_alloc : memref<!tpu.dma_semaphore, #tpu.memory_space<semaphore_mem>>
        %dma_start3A_49 = arith.constant 0 : i32
        %dma_start3A_50 = tpu.memref_slice %arg13[%add3A_41, %dma_start3A_49] : memref<10240x128xf32, #tpu.memory_space<vmem_shared>> -> memref<128x128xf32, #tpu.memory_space<vmem_shared>>
        %dma_start3A_51 = arith.constant 0 : i32
        %dma_start3A_52 = tpu.memref_slice %arg13[%add3A_41, %dma_start3A_51] : memref<10240x128xf32, #tpu.memory_space<vmem_shared>> -> memref<128x128xf32, #tpu.memory_space<vmem_shared>>
        tpu.enqueue_dma source(%dma_start3A_52 : memref<128x128xf32, #tpu.memory_space<vmem_shared>>) target(%arg11 : memref<128x128xf32, #tpu.memory_space<vmem>>) target_semaphore(%run_scoped3A_48 : memref<!tpu.dma_semaphore, #tpu.memory_space<semaphore_mem>>)
        %dma_wait3A = arith.constant 0 : i32
        %dma_wait3A_53 = tpu.memref_slice %arg13[%add3A_41, %dma_wait3A] : memref<10240x128xf32, #tpu.memory_space<vmem_shared>> -> memref<128x128xf32, #tpu.memory_space<vmem_shared>>
        %dma_wait3A_54 = arith.constant 0 : i32
        %dma_wait3A_55 = tpu.memref_slice %arg13[%add3A_41, %dma_wait3A_54] : memref<10240x128xf32, #tpu.memory_space<vmem_shared>> -> memref<128x128xf32, #tpu.memory_space<vmem_shared>>
        tpu.wait_dma2 semaphore(%run_scoped3A_48 : memref<!tpu.dma_semaphore, #tpu.memory_space<semaphore_mem>>) src(%dma_wait3A_55 : memref<128x128xf32, #tpu.memory_space<vmem_shared>>) dst(%arg11 : memref<128x128xf32, #tpu.memory_space<vmem>>)
        tpu.yield
      }) : () -> ()
      "tpu.region"() ({
        %run_scoped3A_48 = tpu.sem_alloc : memref<!tpu.dma_semaphore, #tpu.memory_space<semaphore_mem>>
        %dma_start3A_49 = arith.constant 0 : i32
        %dma_start3A_50 = tpu.memref_slice %arg5[%add3A_41, %dma_start3A_49] : memref<10240x128xf32, #tpu.memory_space<hbm>> -> memref<128x128xf32, #tpu.memory_space<hbm>>
        %dma_start3A_51 = arith.constant 0 : i32
        %dma_start3A_52 = tpu.memref_slice %arg5[%add3A_41, %dma_start3A_51] : memref<10240x128xf32, #tpu.memory_space<hbm>> -> memref<128x128xf32, #tpu.memory_space<hbm>>
        tpu.enqueue_dma source(%arg11 : memref<128x128xf32, #tpu.memory_space<vmem>>) target(%dma_start3A_52 : memref<128x128xf32, #tpu.memory_space<hbm>>) target_semaphore(%run_scoped3A_48 : memref<!tpu.dma_semaphore, #tpu.memory_space<semaphore_mem>>)
        %dma_wait3A = arith.constant 0 : i32
        %dma_wait3A_53 = tpu.memref_slice %arg5[%add3A_41, %dma_wait3A] : memref<10240x128xf32, #tpu.memory_space<hbm>> -> memref<128x128xf32, #tpu.memory_space<hbm>>
        %dma_wait3A_54 = arith.constant 0 : i32
        %dma_wait3A_55 = tpu.memref_slice %arg5[%add3A_41, %dma_wait3A_54] : memref<10240x128xf32, #tpu.memory_space<hbm>> -> memref<128x128xf32, #tpu.memory_space<hbm>>
        tpu.wait_dma2 semaphore(%run_scoped3A_48 : memref<!tpu.dma_semaphore, #tpu.memory_space<semaphore_mem>>) src(%arg11 : memref<128x128xf32, #tpu.memory_space<vmem>>) dst(%dma_wait3A_55 : memref<128x128xf32, #tpu.memory_space<hbm>>)
        tpu.yield
      }) : () -> ()
      %add3A_42 = arith.constant 256 : i32
      %add3A_43 = arith.addi %mul3A_2, %add3A_42 : i32
      "tpu.region"() ({
        %run_scoped3A_48 = tpu.sem_alloc : memref<!tpu.dma_semaphore, #tpu.memory_space<semaphore_mem>>
        %dma_start3A_49 = arith.constant 0 : i32
        %dma_start3A_50 = tpu.memref_slice %arg13[%add3A_43, %dma_start3A_49] : memref<10240x128xf32, #tpu.memory_space<vmem_shared>> -> memref<128x128xf32, #tpu.memory_space<vmem_shared>>
        %dma_start3A_51 = arith.constant 0 : i32
        %dma_start3A_52 = tpu.memref_slice %arg13[%add3A_43, %dma_start3A_51] : memref<10240x128xf32, #tpu.memory_space<vmem_shared>> -> memref<128x128xf32, #tpu.memory_space<vmem_shared>>
        tpu.enqueue_dma source(%dma_start3A_52 : memref<128x128xf32, #tpu.memory_space<vmem_shared>>) target(%arg11 : memref<128x128xf32, #tpu.memory_space<vmem>>) target_semaphore(%run_scoped3A_48 : memref<!tpu.dma_semaphore, #tpu.memory_space<semaphore_mem>>)
        %dma_wait3A = arith.constant 0 : i32
        %dma_wait3A_53 = tpu.memref_slice %arg13[%add3A_43, %dma_wait3A] : memref<10240x128xf32, #tpu.memory_space<vmem_shared>> -> memref<128x128xf32, #tpu.memory_space<vmem_shared>>
        %dma_wait3A_54 = arith.constant 0 : i32
        %dma_wait3A_55 = tpu.memref_slice %arg13[%add3A_43, %dma_wait3A_54] : memref<10240x128xf32, #tpu.memory_space<vmem_shared>> -> memref<128x128xf32, #tpu.memory_space<vmem_shared>>
        tpu.wait_dma2 semaphore(%run_scoped3A_48 : memref<!tpu.dma_semaphore, #tpu.memory_space<semaphore_mem>>) src(%dma_wait3A_55 : memref<128x128xf32, #tpu.memory_space<vmem_shared>>) dst(%arg11 : memref<128x128xf32, #tpu.memory_space<vmem>>)
        tpu.yield
      }) : () -> ()
      "tpu.region"() ({
        %run_scoped3A_48 = tpu.sem_alloc : memref<!tpu.dma_semaphore, #tpu.memory_space<semaphore_mem>>
        %dma_start3A_49 = arith.constant 0 : i32
        %dma_start3A_50 = tpu.memref_slice %arg5[%add3A_43, %dma_start3A_49] : memref<10240x128xf32, #tpu.memory_space<hbm>> -> memref<128x128xf32, #tpu.memory_space<hbm>>
        %dma_start3A_51 = arith.constant 0 : i32
        %dma_start3A_52 = tpu.memref_slice %arg5[%add3A_43, %dma_start3A_51] : memref<10240x128xf32, #tpu.memory_space<hbm>> -> memref<128x128xf32, #tpu.memory_space<hbm>>
        tpu.enqueue_dma source(%arg11 : memref<128x128xf32, #tpu.memory_space<vmem>>) target(%dma_start3A_52 : memref<128x128xf32, #tpu.memory_space<hbm>>) target_semaphore(%run_scoped3A_48 : memref<!tpu.dma_semaphore, #tpu.memory_space<semaphore_mem>>)
        %dma_wait3A = arith.constant 0 : i32
        %dma_wait3A_53 = tpu.memref_slice %arg5[%add3A_43, %dma_wait3A] : memref<10240x128xf32, #tpu.memory_space<hbm>> -> memref<128x128xf32, #tpu.memory_space<hbm>>
        %dma_wait3A_54 = arith.constant 0 : i32
        %dma_wait3A_55 = tpu.memref_slice %arg5[%add3A_43, %dma_wait3A_54] : memref<10240x128xf32, #tpu.memory_space<hbm>> -> memref<128x128xf32, #tpu.memory_space<hbm>>
        tpu.wait_dma2 semaphore(%run_scoped3A_48 : memref<!tpu.dma_semaphore, #tpu.memory_space<semaphore_mem>>) src(%arg11 : memref<128x128xf32, #tpu.memory_space<vmem>>) dst(%dma_wait3A_55 : memref<128x128xf32, #tpu.memory_space<hbm>>)
        tpu.yield
      }) : () -> ()
      %add3A_44 = arith.constant 384 : i32
      %add3A_45 = arith.addi %mul3A_2, %add3A_44 : i32
      "tpu.region"() ({
        %run_scoped3A_48 = tpu.sem_alloc : memref<!tpu.dma_semaphore, #tpu.memory_space<semaphore_mem>>
        %dma_start3A_49 = arith.constant 0 : i32
        %dma_start3A_50 = tpu.memref_slice %arg13[%add3A_45, %dma_start3A_49] : memref<10240x128xf32, #tpu.memory_space<vmem_shared>> -> memref<128x128xf32, #tpu.memory_space<vmem_shared>>
        %dma_start3A_51 = arith.constant 0 : i32
        %dma_start3A_52 = tpu.memref_slice %arg13[%add3A_45, %dma_start3A_51] : memref<10240x128xf32, #tpu.memory_space<vmem_shared>> -> memref<128x128xf32, #tpu.memory_space<vmem_shared>>
        tpu.enqueue_dma source(%dma_start3A_52 : memref<128x128xf32, #tpu.memory_space<vmem_shared>>) target(%arg11 : memref<128x128xf32, #tpu.memory_space<vmem>>) target_semaphore(%run_scoped3A_48 : memref<!tpu.dma_semaphore, #tpu.memory_space<semaphore_mem>>)
        %dma_wait3A = arith.constant 0 : i32
        %dma_wait3A_53 = tpu.memref_slice %arg13[%add3A_45, %dma_wait3A] : memref<10240x128xf32, #tpu.memory_space<vmem_shared>> -> memref<128x128xf32, #tpu.memory_space<vmem_shared>>
        %dma_wait3A_54 = arith.constant 0 : i32
        %dma_wait3A_55 = tpu.memref_slice %arg13[%add3A_45, %dma_wait3A_54] : memref<10240x128xf32, #tpu.memory_space<vmem_shared>> -> memref<128x128xf32, #tpu.memory_space<vmem_shared>>
        tpu.wait_dma2 semaphore(%run_scoped3A_48 : memref<!tpu.dma_semaphore, #tpu.memory_space<semaphore_mem>>) src(%dma_wait3A_55 : memref<128x128xf32, #tpu.memory_space<vmem_shared>>) dst(%arg11 : memref<128x128xf32, #tpu.memory_space<vmem>>)
        tpu.yield
      }) : () -> ()
      "tpu.region"() ({
        %run_scoped3A_48 = tpu.sem_alloc : memref<!tpu.dma_semaphore, #tpu.memory_space<semaphore_mem>>
        %dma_start3A_49 = arith.constant 0 : i32
        %dma_start3A_50 = tpu.memref_slice %arg5[%add3A_45, %dma_start3A_49] : memref<10240x128xf32, #tpu.memory_space<hbm>> -> memref<128x128xf32, #tpu.memory_space<hbm>>
        %dma_start3A_51 = arith.constant 0 : i32
        %dma_start3A_52 = tpu.memref_slice %arg5[%add3A_45, %dma_start3A_51] : memref<10240x128xf32, #tpu.memory_space<hbm>> -> memref<128x128xf32, #tpu.memory_space<hbm>>
        tpu.enqueue_dma source(%arg11 : memref<128x128xf32, #tpu.memory_space<vmem>>) target(%dma_start3A_52 : memref<128x128xf32, #tpu.memory_space<hbm>>) target_semaphore(%run_scoped3A_48 : memref<!tpu.dma_semaphore, #tpu.memory_space<semaphore_mem>>)
        %dma_wait3A = arith.constant 0 : i32
        %dma_wait3A_53 = tpu.memref_slice %arg5[%add3A_45, %dma_wait3A] : memref<10240x128xf32, #tpu.memory_space<hbm>> -> memref<128x128xf32, #tpu.memory_space<hbm>>
        %dma_wait3A_54 = arith.constant 0 : i32
        %dma_wait3A_55 = tpu.memref_slice %arg5[%add3A_45, %dma_wait3A_54] : memref<10240x128xf32, #tpu.memory_space<hbm>> -> memref<128x128xf32, #tpu.memory_space<hbm>>
        tpu.wait_dma2 semaphore(%run_scoped3A_48 : memref<!tpu.dma_semaphore, #tpu.memory_space<semaphore_mem>>) src(%arg11 : memref<128x128xf32, #tpu.memory_space<vmem>>) dst(%dma_wait3A_55 : memref<128x128xf32, #tpu.memory_space<hbm>>)
        tpu.yield
      }) : () -> ()
      %add3A_46 = arith.constant 512 : i32
      %add3A_47 = arith.addi %mul3A_2, %add3A_46 : i32
      "tpu.region"() ({
        %run_scoped3A_48 = tpu.sem_alloc : memref<!tpu.dma_semaphore, #tpu.memory_space<semaphore_mem>>
        %dma_start3A_49 = arith.constant 0 : i32
        %dma_start3A_50 = tpu.memref_slice %arg13[%add3A_47, %dma_start3A_49] : memref<10240x128xf32, #tpu.memory_space<vmem_shared>> -> memref<128x128xf32, #tpu.memory_space<vmem_shared>>
        %dma_start3A_51 = arith.constant 0 : i32
        %dma_start3A_52 = tpu.memref_slice %arg13[%add3A_47, %dma_start3A_51] : memref<10240x128xf32, #tpu.memory_space<vmem_shared>> -> memref<128x128xf32, #tpu.memory_space<vmem_shared>>
        tpu.enqueue_dma source(%dma_start3A_52 : memref<128x128xf32, #tpu.memory_space<vmem_shared>>) target(%arg11 : memref<128x128xf32, #tpu.memory_space<vmem>>) target_semaphore(%run_scoped3A_48 : memref<!tpu.dma_semaphore, #tpu.memory_space<semaphore_mem>>)
        %dma_wait3A = arith.constant 0 : i32
        %dma_wait3A_53 = tpu.memref_slice %arg13[%add3A_47, %dma_wait3A] : memref<10240x128xf32, #tpu.memory_space<vmem_shared>> -> memref<128x128xf32, #tpu.memory_space<vmem_shared>>
        %dma_wait3A_54 = arith.constant 0 : i32
        %dma_wait3A_55 = tpu.memref_slice %arg13[%add3A_47, %dma_wait3A_54] : memref<10240x128xf32, #tpu.memory_space<vmem_shared>> -> memref<128x128xf32, #tpu.memory_space<vmem_shared>>
        tpu.wait_dma2 semaphore(%run_scoped3A_48 : memref<!tpu.dma_semaphore, #tpu.memory_space<semaphore_mem>>) src(%dma_wait3A_55 : memref<128x128xf32, #tpu.memory_space<vmem_shared>>) dst(%arg11 : memref<128x128xf32, #tpu.memory_space<vmem>>)
        tpu.yield
      }) : () -> ()
      "tpu.region"() ({
        %run_scoped3A_48 = tpu.sem_alloc : memref<!tpu.dma_semaphore, #tpu.memory_space<semaphore_mem>>
        %dma_start3A_49 = arith.constant 0 : i32
        %dma_start3A_50 = tpu.memref_slice %arg5[%add3A_47, %dma_start3A_49] : memref<10240x128xf32, #tpu.memory_space<hbm>> -> memref<128x128xf32, #tpu.memory_space<hbm>>
        %dma_start3A_51 = arith.constant 0 : i32
        %dma_start3A_52 = tpu.memref_slice %arg5[%add3A_47, %dma_start3A_51] : memref<10240x128xf32, #tpu.memory_space<hbm>> -> memref<128x128xf32, #tpu.memory_space<hbm>>
        tpu.enqueue_dma source(%arg11 : memref<128x128xf32, #tpu.memory_space<vmem>>) target(%dma_start3A_52 : memref<128x128xf32, #tpu.memory_space<hbm>>) target_semaphore(%run_scoped3A_48 : memref<!tpu.dma_semaphore, #tpu.memory_space<semaphore_mem>>)
        %dma_wait3A = arith.constant 0 : i32
        %dma_wait3A_53 = tpu.memref_slice %arg5[%add3A_47, %dma_wait3A] : memref<10240x128xf32, #tpu.memory_space<hbm>> -> memref<128x128xf32, #tpu.memory_space<hbm>>
        %dma_wait3A_54 = arith.constant 0 : i32
        %dma_wait3A_55 = tpu.memref_slice %arg5[%add3A_47, %dma_wait3A_54] : memref<10240x128xf32, #tpu.memory_space<hbm>> -> memref<128x128xf32, #tpu.memory_space<hbm>>
        tpu.wait_dma2 semaphore(%run_scoped3A_48 : memref<!tpu.dma_semaphore, #tpu.memory_space<semaphore_mem>>) src(%arg11 : memref<128x128xf32, #tpu.memory_space<vmem>>) dst(%dma_wait3A_55 : memref<128x128xf32, #tpu.memory_space<hbm>>)
        tpu.yield
      }) : () -> ()
    } else {
    }
    %eq3A_33 = arith.constant 1 : i32
    %eq3A_34 = arith.cmpi eq, %arg0, %eq3A_33 : i32
    %convert_element_type3A_35 = arith.extui %eq3A_34 : i1 to i32
    %cond3A_36 = arith.constant 0 : i32
    %cond3A_37 = arith.cmpi ne, %convert_element_type3A_35, %cond3A_36 : i32
    scf.if %cond3A_37 {
      %add3A_38 = arith.constant 0 : i32
      %add3A_39 = arith.addi %mul3A_2, %add3A_38 : i32
      "tpu.region"() ({
        %run_scoped3A_48 = tpu.sem_alloc : memref<!tpu.dma_semaphore, #tpu.memory_space<semaphore_mem>>
        %dma_start3A_49 = arith.constant 0 : i32
        %dma_start3A_50 = tpu.memref_slice %arg13[%add3A_39, %dma_start3A_49] : memref<10240x128xf32, #tpu.memory_space<vmem_shared>> -> memref<128x128xf32, #tpu.memory_space<vmem_shared>>
        %dma_start3A_51 = arith.constant 0 : i32
        %dma_start3A_52 = tpu.memref_slice %arg13[%add3A_39, %dma_start3A_51] : memref<10240x128xf32, #tpu.memory_space<vmem_shared>> -> memref<128x128xf32, #tpu.memory_space<vmem_shared>>
        tpu.enqueue_dma source(%dma_start3A_52 : memref<128x128xf32, #tpu.memory_space<vmem_shared>>) target(%arg11 : memref<128x128xf32, #tpu.memory_space<vmem>>) target_semaphore(%run_scoped3A_48 : memref<!tpu.dma_semaphore, #tpu.memory_space<semaphore_mem>>)
        %dma_wait3A = arith.constant 0 : i32
        %dma_wait3A_53 = tpu.memref_slice %arg13[%add3A_39, %dma_wait3A] : memref<10240x128xf32, #tpu.memory_space<vmem_shared>> -> memref<128x128xf32, #tpu.memory_space<vmem_shared>>
        %dma_wait3A_54 = arith.constant 0 : i32
        %dma_wait3A_55 = tpu.memref_slice %arg13[%add3A_39, %dma_wait3A_54] : memref<10240x128xf32, #tpu.memory_space<vmem_shared>> -> memref<128x128xf32, #tpu.memory_space<vmem_shared>>
        tpu.wait_dma2 semaphore(%run_scoped3A_48 : memref<!tpu.dma_semaphore, #tpu.memory_space<semaphore_mem>>) src(%dma_wait3A_55 : memref<128x128xf32, #tpu.memory_space<vmem_shared>>) dst(%arg11 : memref<128x128xf32, #tpu.memory_space<vmem>>)
        tpu.yield
      }) : () -> ()
      "tpu.region"() ({
        %run_scoped3A_48 = tpu.sem_alloc : memref<!tpu.dma_semaphore, #tpu.memory_space<semaphore_mem>>
        %dma_start3A_49 = arith.constant 0 : i32
        %dma_start3A_50 = tpu.memref_slice %arg6[%add3A_39, %dma_start3A_49] : memref<10240x128xf32, #tpu.memory_space<hbm>> -> memref<128x128xf32, #tpu.memory_space<hbm>>
        %dma_start3A_51 = arith.constant 0 : i32
        %dma_start3A_52 = tpu.memref_slice %arg6[%add3A_39, %dma_start3A_51] : memref<10240x128xf32, #tpu.memory_space<hbm>> -> memref<128x128xf32, #tpu.memory_space<hbm>>
        tpu.enqueue_dma source(%arg11 : memref<128x128xf32, #tpu.memory_space<vmem>>) target(%dma_start3A_52 : memref<128x128xf32, #tpu.memory_space<hbm>>) target_semaphore(%run_scoped3A_48 : memref<!tpu.dma_semaphore, #tpu.memory_space<semaphore_mem>>)
        %dma_wait3A = arith.constant 0 : i32
        %dma_wait3A_53 = tpu.memref_slice %arg6[%add3A_39, %dma_wait3A] : memref<10240x128xf32, #tpu.memory_space<hbm>> -> memref<128x128xf32, #tpu.memory_space<hbm>>
        %dma_wait3A_54 = arith.constant 0 : i32
        %dma_wait3A_55 = tpu.memref_slice %arg6[%add3A_39, %dma_wait3A_54] : memref<10240x128xf32, #tpu.memory_space<hbm>> -> memref<128x128xf32, #tpu.memory_space<hbm>>
        tpu.wait_dma2 semaphore(%run_scoped3A_48 : memref<!tpu.dma_semaphore, #tpu.memory_space<semaphore_mem>>) src(%arg11 : memref<128x128xf32, #tpu.memory_space<vmem>>) dst(%dma_wait3A_55 : memref<128x128xf32, #tpu.memory_space<hbm>>)
        tpu.yield
      }) : () -> ()
      %add3A_40 = arith.constant 128 : i32
      %add3A_41 = arith.addi %mul3A_2, %add3A_40 : i32
      "tpu.region"() ({
        %run_scoped3A_48 = tpu.sem_alloc : memref<!tpu.dma_semaphore, #tpu.memory_space<semaphore_mem>>
        %dma_start3A_49 = arith.constant 0 : i32
        %dma_start3A_50 = tpu.memref_slice %arg13[%add3A_41, %dma_start3A_49] : memref<10240x128xf32, #tpu.memory_space<vmem_shared>> -> memref<128x128xf32, #tpu.memory_space<vmem_shared>>
        %dma_start3A_51 = arith.constant 0 : i32
        %dma_start3A_52 = tpu.memref_slice %arg13[%add3A_41, %dma_start3A_51] : memref<10240x128xf32, #tpu.memory_space<vmem_shared>> -> memref<128x128xf32, #tpu.memory_space<vmem_shared>>
        tpu.enqueue_dma source(%dma_start3A_52 : memref<128x128xf32, #tpu.memory_space<vmem_shared>>) target(%arg11 : memref<128x128xf32, #tpu.memory_space<vmem>>) target_semaphore(%run_scoped3A_48 : memref<!tpu.dma_semaphore, #tpu.memory_space<semaphore_mem>>)
        %dma_wait3A = arith.constant 0 : i32
        %dma_wait3A_53 = tpu.memref_slice %arg13[%add3A_41, %dma_wait3A] : memref<10240x128xf32, #tpu.memory_space<vmem_shared>> -> memref<128x128xf32, #tpu.memory_space<vmem_shared>>
        %dma_wait3A_54 = arith.constant 0 : i32
        %dma_wait3A_55 = tpu.memref_slice %arg13[%add3A_41, %dma_wait3A_54] : memref<10240x128xf32, #tpu.memory_space<vmem_shared>> -> memref<128x128xf32, #tpu.memory_space<vmem_shared>>
        tpu.wait_dma2 semaphore(%run_scoped3A_48 : memref<!tpu.dma_semaphore, #tpu.memory_space<semaphore_mem>>) src(%dma_wait3A_55 : memref<128x128xf32, #tpu.memory_space<vmem_shared>>) dst(%arg11 : memref<128x128xf32, #tpu.memory_space<vmem>>)
        tpu.yield
      }) : () -> ()
      "tpu.region"() ({
        %run_scoped3A_48 = tpu.sem_alloc : memref<!tpu.dma_semaphore, #tpu.memory_space<semaphore_mem>>
        %dma_start3A_49 = arith.constant 0 : i32
        %dma_start3A_50 = tpu.memref_slice %arg6[%add3A_41, %dma_start3A_49] : memref<10240x128xf32, #tpu.memory_space<hbm>> -> memref<128x128xf32, #tpu.memory_space<hbm>>
        %dma_start3A_51 = arith.constant 0 : i32
        %dma_start3A_52 = tpu.memref_slice %arg6[%add3A_41, %dma_start3A_51] : memref<10240x128xf32, #tpu.memory_space<hbm>> -> memref<128x128xf32, #tpu.memory_space<hbm>>
        tpu.enqueue_dma source(%arg11 : memref<128x128xf32, #tpu.memory_space<vmem>>) target(%dma_start3A_52 : memref<128x128xf32, #tpu.memory_space<hbm>>) target_semaphore(%run_scoped3A_48 : memref<!tpu.dma_semaphore, #tpu.memory_space<semaphore_mem>>)
        %dma_wait3A = arith.constant 0 : i32
        %dma_wait3A_53 = tpu.memref_slice %arg6[%add3A_41, %dma_wait3A] : memref<10240x128xf32, #tpu.memory_space<hbm>> -> memref<128x128xf32, #tpu.memory_space<hbm>>
        %dma_wait3A_54 = arith.constant 0 : i32
        %dma_wait3A_55 = tpu.memref_slice %arg6[%add3A_41, %dma_wait3A_54] : memref<10240x128xf32, #tpu.memory_space<hbm>> -> memref<128x128xf32, #tpu.memory_space<hbm>>
        tpu.wait_dma2 semaphore(%run_scoped3A_48 : memref<!tpu.dma_semaphore, #tpu.memory_space<semaphore_mem>>) src(%arg11 : memref<128x128xf32, #tpu.memory_space<vmem>>) dst(%dma_wait3A_55 : memref<128x128xf32, #tpu.memory_space<hbm>>)
        tpu.yield
      }) : () -> ()
      %add3A_42 = arith.constant 256 : i32
      %add3A_43 = arith.addi %mul3A_2, %add3A_42 : i32
      "tpu.region"() ({
        %run_scoped3A_48 = tpu.sem_alloc : memref<!tpu.dma_semaphore, #tpu.memory_space<semaphore_mem>>
        %dma_start3A_49 = arith.constant 0 : i32
        %dma_start3A_50 = tpu.memref_slice %arg13[%add3A_43, %dma_start3A_49] : memref<10240x128xf32, #tpu.memory_space<vmem_shared>> -> memref<128x128xf32, #tpu.memory_space<vmem_shared>>
        %dma_start3A_51 = arith.constant 0 : i32
        %dma_start3A_52 = tpu.memref_slice %arg13[%add3A_43, %dma_start3A_51] : memref<10240x128xf32, #tpu.memory_space<vmem_shared>> -> memref<128x128xf32, #tpu.memory_space<vmem_shared>>
        tpu.enqueue_dma source(%dma_start3A_52 : memref<128x128xf32, #tpu.memory_space<vmem_shared>>) target(%arg11 : memref<128x128xf32, #tpu.memory_space<vmem>>) target_semaphore(%run_scoped3A_48 : memref<!tpu.dma_semaphore, #tpu.memory_space<semaphore_mem>>)
        %dma_wait3A = arith.constant 0 : i32
        %dma_wait3A_53 = tpu.memref_slice %arg13[%add3A_43, %dma_wait3A] : memref<10240x128xf32, #tpu.memory_space<vmem_shared>> -> memref<128x128xf32, #tpu.memory_space<vmem_shared>>
        %dma_wait3A_54 = arith.constant 0 : i32
        %dma_wait3A_55 = tpu.memref_slice %arg13[%add3A_43, %dma_wait3A_54] : memref<10240x128xf32, #tpu.memory_space<vmem_shared>> -> memref<128x128xf32, #tpu.memory_space<vmem_shared>>
        tpu.wait_dma2 semaphore(%run_scoped3A_48 : memref<!tpu.dma_semaphore, #tpu.memory_space<semaphore_mem>>) src(%dma_wait3A_55 : memref<128x128xf32, #tpu.memory_space<vmem_shared>>) dst(%arg11 : memref<128x128xf32, #tpu.memory_space<vmem>>)
        tpu.yield
      }) : () -> ()
      "tpu.region"() ({
        %run_scoped3A_48 = tpu.sem_alloc : memref<!tpu.dma_semaphore, #tpu.memory_space<semaphore_mem>>
        %dma_start3A_49 = arith.constant 0 : i32
        %dma_start3A_50 = tpu.memref_slice %arg6[%add3A_43, %dma_start3A_49] : memref<10240x128xf32, #tpu.memory_space<hbm>> -> memref<128x128xf32, #tpu.memory_space<hbm>>
        %dma_start3A_51 = arith.constant 0 : i32
        %dma_start3A_52 = tpu.memref_slice %arg6[%add3A_43, %dma_start3A_51] : memref<10240x128xf32, #tpu.memory_space<hbm>> -> memref<128x128xf32, #tpu.memory_space<hbm>>
        tpu.enqueue_dma source(%arg11 : memref<128x128xf32, #tpu.memory_space<vmem>>) target(%dma_start3A_52 : memref<128x128xf32, #tpu.memory_space<hbm>>) target_semaphore(%run_scoped3A_48 : memref<!tpu.dma_semaphore, #tpu.memory_space<semaphore_mem>>)
        %dma_wait3A = arith.constant 0 : i32
        %dma_wait3A_53 = tpu.memref_slice %arg6[%add3A_43, %dma_wait3A] : memref<10240x128xf32, #tpu.memory_space<hbm>> -> memref<128x128xf32, #tpu.memory_space<hbm>>
        %dma_wait3A_54 = arith.constant 0 : i32
        %dma_wait3A_55 = tpu.memref_slice %arg6[%add3A_43, %dma_wait3A_54] : memref<10240x128xf32, #tpu.memory_space<hbm>> -> memref<128x128xf32, #tpu.memory_space<hbm>>
        tpu.wait_dma2 semaphore(%run_scoped3A_48 : memref<!tpu.dma_semaphore, #tpu.memory_space<semaphore_mem>>) src(%arg11 : memref<128x128xf32, #tpu.memory_space<vmem>>) dst(%dma_wait3A_55 : memref<128x128xf32, #tpu.memory_space<hbm>>)
        tpu.yield
      }) : () -> ()
      %add3A_44 = arith.constant 384 : i32
      %add3A_45 = arith.addi %mul3A_2, %add3A_44 : i32
      "tpu.region"() ({
        %run_scoped3A_48 = tpu.sem_alloc : memref<!tpu.dma_semaphore, #tpu.memory_space<semaphore_mem>>
        %dma_start3A_49 = arith.constant 0 : i32
        %dma_start3A_50 = tpu.memref_slice %arg13[%add3A_45, %dma_start3A_49] : memref<10240x128xf32, #tpu.memory_space<vmem_shared>> -> memref<128x128xf32, #tpu.memory_space<vmem_shared>>
        %dma_start3A_51 = arith.constant 0 : i32
        %dma_start3A_52 = tpu.memref_slice %arg13[%add3A_45, %dma_start3A_51] : memref<10240x128xf32, #tpu.memory_space<vmem_shared>> -> memref<128x128xf32, #tpu.memory_space<vmem_shared>>
        tpu.enqueue_dma source(%dma_start3A_52 : memref<128x128xf32, #tpu.memory_space<vmem_shared>>) target(%arg11 : memref<128x128xf32, #tpu.memory_space<vmem>>) target_semaphore(%run_scoped3A_48 : memref<!tpu.dma_semaphore, #tpu.memory_space<semaphore_mem>>)
        %dma_wait3A = arith.constant 0 : i32
        %dma_wait3A_53 = tpu.memref_slice %arg13[%add3A_45, %dma_wait3A] : memref<10240x128xf32, #tpu.memory_space<vmem_shared>> -> memref<128x128xf32, #tpu.memory_space<vmem_shared>>
        %dma_wait3A_54 = arith.constant 0 : i32
        %dma_wait3A_55 = tpu.memref_slice %arg13[%add3A_45, %dma_wait3A_54] : memref<10240x128xf32, #tpu.memory_space<vmem_shared>> -> memref<128x128xf32, #tpu.memory_space<vmem_shared>>
        tpu.wait_dma2 semaphore(%run_scoped3A_48 : memref<!tpu.dma_semaphore, #tpu.memory_space<semaphore_mem>>) src(%dma_wait3A_55 : memref<128x128xf32, #tpu.memory_space<vmem_shared>>) dst(%arg11 : memref<128x128xf32, #tpu.memory_space<vmem>>)
        tpu.yield
      }) : () -> ()
      "tpu.region"() ({
        %run_scoped3A_48 = tpu.sem_alloc : memref<!tpu.dma_semaphore, #tpu.memory_space<semaphore_mem>>
        %dma_start3A_49 = arith.constant 0 : i32
        %dma_start3A_50 = tpu.memref_slice %arg6[%add3A_45, %dma_start3A_49] : memref<10240x128xf32, #tpu.memory_space<hbm>> -> memref<128x128xf32, #tpu.memory_space<hbm>>
        %dma_start3A_51 = arith.constant 0 : i32
        %dma_start3A_52 = tpu.memref_slice %arg6[%add3A_45, %dma_start3A_51] : memref<10240x128xf32, #tpu.memory_space<hbm>> -> memref<128x128xf32, #tpu.memory_space<hbm>>
        tpu.enqueue_dma source(%arg11 : memref<128x128xf32, #tpu.memory_space<vmem>>) target(%dma_start3A_52 : memref<128x128xf32, #tpu.memory_space<hbm>>) target_semaphore(%run_scoped3A_48 : memref<!tpu.dma_semaphore, #tpu.memory_space<semaphore_mem>>)
        %dma_wait3A = arith.constant 0 : i32
        %dma_wait3A_53 = tpu.memref_slice %arg6[%add3A_45, %dma_wait3A] : memref<10240x128xf32, #tpu.memory_space<hbm>> -> memref<128x128xf32, #tpu.memory_space<hbm>>
        %dma_wait3A_54 = arith.constant 0 : i32
        %dma_wait3A_55 = tpu.memref_slice %arg6[%add3A_45, %dma_wait3A_54] : memref<10240x128xf32, #tpu.memory_space<hbm>> -> memref<128x128xf32, #tpu.memory_space<hbm>>
        tpu.wait_dma2 semaphore(%run_scoped3A_48 : memref<!tpu.dma_semaphore, #tpu.memory_space<semaphore_mem>>) src(%arg11 : memref<128x128xf32, #tpu.memory_space<vmem>>) dst(%dma_wait3A_55 : memref<128x128xf32, #tpu.memory_space<hbm>>)
        tpu.yield
      }) : () -> ()
      %add3A_46 = arith.constant 512 : i32
      %add3A_47 = arith.addi %mul3A_2, %add3A_46 : i32
      "tpu.region"() ({
        %run_scoped3A_48 = tpu.sem_alloc : memref<!tpu.dma_semaphore, #tpu.memory_space<semaphore_mem>>
        %dma_start3A_49 = arith.constant 0 : i32
        %dma_start3A_50 = tpu.memref_slice %arg13[%add3A_47, %dma_start3A_49] : memref<10240x128xf32, #tpu.memory_space<vmem_shared>> -> memref<128x128xf32, #tpu.memory_space<vmem_shared>>
        %dma_start3A_51 = arith.constant 0 : i32
        %dma_start3A_52 = tpu.memref_slice %arg13[%add3A_47, %dma_start3A_51] : memref<10240x128xf32, #tpu.memory_space<vmem_shared>> -> memref<128x128xf32, #tpu.memory_space<vmem_shared>>
        tpu.enqueue_dma source(%dma_start3A_52 : memref<128x128xf32, #tpu.memory_space<vmem_shared>>) target(%arg11 : memref<128x128xf32, #tpu.memory_space<vmem>>) target_semaphore(%run_scoped3A_48 : memref<!tpu.dma_semaphore, #tpu.memory_space<semaphore_mem>>)
        %dma_wait3A = arith.constant 0 : i32
        %dma_wait3A_53 = tpu.memref_slice %arg13[%add3A_47, %dma_wait3A] : memref<10240x128xf32, #tpu.memory_space<vmem_shared>> -> memref<128x128xf32, #tpu.memory_space<vmem_shared>>
        %dma_wait3A_54 = arith.constant 0 : i32
        %dma_wait3A_55 = tpu.memref_slice %arg13[%add3A_47, %dma_wait3A_54] : memref<10240x128xf32, #tpu.memory_space<vmem_shared>> -> memref<128x128xf32, #tpu.memory_space<vmem_shared>>
        tpu.wait_dma2 semaphore(%run_scoped3A_48 : memref<!tpu.dma_semaphore, #tpu.memory_space<semaphore_mem>>) src(%dma_wait3A_55 : memref<128x128xf32, #tpu.memory_space<vmem_shared>>) dst(%arg11 : memref<128x128xf32, #tpu.memory_space<vmem>>)
        tpu.yield
      }) : () -> ()
      "tpu.region"() ({
        %run_scoped3A_48 = tpu.sem_alloc : memref<!tpu.dma_semaphore, #tpu.memory_space<semaphore_mem>>
        %dma_start3A_49 = arith.constant 0 : i32
        %dma_start3A_50 = tpu.memref_slice %arg6[%add3A_47, %dma_start3A_49] : memref<10240x128xf32, #tpu.memory_space<hbm>> -> memref<128x128xf32, #tpu.memory_space<hbm>>
        %dma_start3A_51 = arith.constant 0 : i32
        %dma_start3A_52 = tpu.memref_slice %arg6[%add3A_47, %dma_start3A_51] : memref<10240x128xf32, #tpu.memory_space<hbm>> -> memref<128x128xf32, #tpu.memory_space<hbm>>
        tpu.enqueue_dma source(%arg11 : memref<128x128xf32, #tpu.memory_space<vmem>>) target(%dma_start3A_52 : memref<128x128xf32, #tpu.memory_space<hbm>>) target_semaphore(%run_scoped3A_48 : memref<!tpu.dma_semaphore, #tpu.memory_space<semaphore_mem>>)
        %dma_wait3A = arith.constant 0 : i32
        %dma_wait3A_53 = tpu.memref_slice %arg6[%add3A_47, %dma_wait3A] : memref<10240x128xf32, #tpu.memory_space<hbm>> -> memref<128x128xf32, #tpu.memory_space<hbm>>
        %dma_wait3A_54 = arith.constant 0 : i32
        %dma_wait3A_55 = tpu.memref_slice %arg6[%add3A_47, %dma_wait3A_54] : memref<10240x128xf32, #tpu.memory_space<hbm>> -> memref<128x128xf32, #tpu.memory_space<hbm>>
        tpu.wait_dma2 semaphore(%run_scoped3A_48 : memref<!tpu.dma_semaphore, #tpu.memory_space<semaphore_mem>>) src(%arg11 : memref<128x128xf32, #tpu.memory_space<vmem>>) dst(%dma_wait3A_55 : memref<128x128xf32, #tpu.memory_space<hbm>>)
        tpu.yield
      }) : () -> ()
    } else {
    }
    return
  }
}

#map = affine_map<(d0, d1) -> (0, 0)>
#map1 = affine_map<(d0, d1) -> (0, 0, 0)>
module attributes {stable_mosaic.version = 14 : i64} {
  func.func @k(%arg0: i32, %arg1: i32, %arg2: memref<10000x128xf32, #tpu.memory_space<hbm>>, %arg3: memref<10000x128xf32, #tpu.memory_space<hbm>>, %arg4: memref<16x160x128xi32, #tpu.memory_space<hbm>>, %arg5: memref<16x160x128xi32, #tpu.memory_space<hbm>>, %arg6: memref<10240x128xf32, #tpu.memory_space<hbm>>, %arg7: memref<10240x128xf32, #tpu.memory_space<hbm>>, %arg8: memref<128xi32, #tpu.memory_space<vmem>>, %arg9: memref<128xi32, #tpu.memory_space<vmem>>, %arg10: memref<128xi32, #tpu.memory_space<vmem>>, %arg11: memref<128xi32, #tpu.memory_space<vmem>>, %arg12: memref<128x128xf32, #tpu.memory_space<vmem>>, %arg13: memref<128x128xf32, #tpu.memory_space<vmem>>, %arg14: memref<10240x128xf32, #tpu.memory_space<vmem_shared>>, %arg15: memref<!tpu.dma_semaphore, #tpu.memory_space<semaphore_mem>>, %arg16: memref<!tpu.dma_semaphore, #tpu.memory_space<semaphore_mem>>) attributes {dimension_semantics = [#tpu.dimension_semantics<core_parallel>, #tpu.dimension_semantics<subcore_parallel>], iteration_bounds = array<i64: 2, 16>, scalar_prefetch = 0 : i64, scratch_operands = 9 : i64, tpu.core_type = #tpu.core_type<sc_vector_subcore>, window_params = [{transform_indices = #map}, {transform_indices = #map}, {transform_indices = #map1}, {transform_indices = #map1}, {transform_indices = #map}, {transform_indices = #map}]} {
    %mul3A = arith.constant 640 : i32
    %mul3A_0 = arith.muli %arg1, %mul3A : i32
    %broadcast_in_dim3A = arith.constant 0.000000e+00 : f32
    %broadcast_in_dim3A_1 = vector.broadcast %broadcast_in_dim3A : f32 to vector<16xf32>
    %scan3A = arith.constant 0 : i32
    %scan3A_2 = arith.constant 0 : i32
    %scan3A_3 = arith.constant 1024 : i32
    %scan3A_4 = arith.addi %scan3A_2, %scan3A_3 : i32
    %scan3A_5 = arith.constant 1 : i32
    %scan3A_6 = scf.for %scan3A_24 = %scan3A_2 to %scan3A_4 step %scan3A_5 iter_args(%scan3A_25 = %scan3A) -> (i32)  : i32 {
      %jit3A = arith.constant 8 : i32
      %div3A = arith.divsi %scan3A_24, %jit3A : i32
      %sign3A = arith.constant 0 : i32
      %sign3A_26 = arith.cmpi sgt, %scan3A_24, %sign3A : i32
      %sign3A_27 = arith.extui %sign3A_26 : i1 to i32
      %sign3A_28 = arith.constant 0 : i32
      %sign3A_29 = arith.cmpi slt, %scan3A_24, %sign3A_28 : i32
      %sign3A_30 = arith.extui %sign3A_29 : i1 to i32
      %sign3A_31 = arith.subi %sign3A_27, %sign3A_30 : i32
      %sign3A_32 = arith.constant 0 : i32
      %sign3A_33 = arith.cmpi sgt, %jit3A, %sign3A_32 : i32
      %sign3A_34 = arith.extui %sign3A_33 : i1 to i32
      %sign3A_35 = arith.constant 0 : i32
      %sign3A_36 = arith.cmpi slt, %jit3A, %sign3A_35 : i32
      %sign3A_37 = arith.extui %sign3A_36 : i1 to i32
      %sign3A_38 = arith.subi %sign3A_34, %sign3A_37 : i32
      %ne3A = arith.cmpi ne, %sign3A_31, %sign3A_38 : i32
      %rem3A = arith.remsi %scan3A_24, %jit3A : i32
      %ne3A_39 = arith.constant 0 : i32
      %ne3A_40 = arith.cmpi ne, %rem3A, %ne3A_39 : i32
      %and3A = arith.andi %ne3A, %ne3A_40 : i1
      %sub3A = arith.constant 1 : i32
      %sub3A_41 = arith.subi %div3A, %sub3A : i32
      %select_n3A = arith.select %and3A, %sub3A_41, %div3A : i32
      %jit3A_42 = arith.constant 8 : i32
      %eq3A_43 = arith.constant 0 : i32
      %eq3A_44 = arith.cmpi eq, %jit3A_42, %eq3A_43 : i32
      %jit3A_45 = arith.constant 1 : i32
      %select_n3A_46 = arith.select %eq3A_44, %jit3A_45, %jit3A_42 : i32
      %rem3A_47 = arith.remsi %scan3A_24, %select_n3A_46 : i32
      %ne3A_48 = arith.constant 0 : i32
      %ne3A_49 = arith.cmpi ne, %rem3A_47, %ne3A_48 : i32
      %lt3A = arith.constant 0 : i32
      %lt3A_50 = arith.cmpi slt, %rem3A_47, %lt3A : i32
      %lt3A_51 = arith.constant 0 : i32
      %lt3A_52 = arith.cmpi slt, %select_n3A_46, %lt3A_51 : i32
      %ne3A_53 = arith.xori %lt3A_50, %lt3A_52 : i1
      %and3A_54 = arith.andi %ne3A_53, %ne3A_49 : i1
      %add3A_55 = arith.addi %rem3A_47, %select_n3A_46 : i32
      %select_n3A_56 = arith.select %and3A_54, %add3A_55, %rem3A_47 : i32
      %mul3A_57 = arith.constant 16 : i32
      %mul3A_58 = arith.muli %select_n3A_56, %mul3A_57 : i32
      %swap3A = arith.index_cast %select_n3A : i32 to index
      %swap3A_59 = arith.index_cast %mul3A_58 : i32 to index
      %swap3A_60 = tpu.vector_load %arg13[%swap3A, %swap3A_59] {strides = array<i32>} : memref<128x128xf32, #tpu.memory_space<vmem>>, vector<1x16xf32>,
      %swap3A_61 = vector.shape_cast %swap3A_60 : vector<1x16xf32> to vector<16xf32>
      %swap3A_62 = vector.shape_cast %broadcast_in_dim3A_1 : vector<16xf32> to vector<1x16xf32>
      tpu.vector_store %arg13[%swap3A, %swap3A_59], %swap3A_62 {strides = array<i32>} : memref<128x128xf32, #tpu.memory_space<vmem>>, vector<1x16xf32>,
      %scan3A_63 = arith.constant 0 : i32
      scf.yield %scan3A_63 : i32
    }
    %scan3A_7 = arith.constant 1024 : i32
    %add3A = arith.constant 0 : i32
    %add3A_8 = arith.addi %mul3A_0, %add3A : i32
    "tpu.region"() ({
      %run_scoped3A = tpu.sem_alloc : memref<!tpu.dma_semaphore, #tpu.memory_space<semaphore_mem>>
      %dma_start3A = arith.constant 0 : i32
      %dma_start3A_24 = tpu.memref_slice %arg14[%add3A_8, %dma_start3A] : memref<10240x128xf32, #tpu.memory_space<vmem_shared>> -> memref<128x128xf32, #tpu.memory_space<vmem_shared>>
      %dma_start3A_25 = arith.constant 0 : i32
      %dma_start3A_26 = tpu.memref_slice %arg14[%add3A_8, %dma_start3A_25] : memref<10240x128xf32, #tpu.memory_space<vmem_shared>> -> memref<128x128xf32, #tpu.memory_space<vmem_shared>>
      tpu.enqueue_dma source(%arg13 : memref<128x128xf32, #tpu.memory_space<vmem>>) target(%dma_start3A_26 : memref<128x128xf32, #tpu.memory_space<vmem_shared>>) target_semaphore(%run_scoped3A : memref<!tpu.dma_semaphore, #tpu.memory_space<semaphore_mem>>)
      %dma_wait3A = arith.constant 0 : i32
      %dma_wait3A_27 = tpu.memref_slice %arg14[%add3A_8, %dma_wait3A] : memref<10240x128xf32, #tpu.memory_space<vmem_shared>> -> memref<128x128xf32, #tpu.memory_space<vmem_shared>>
      %dma_wait3A_28 = arith.constant 0 : i32
      %dma_wait3A_29 = tpu.memref_slice %arg14[%add3A_8, %dma_wait3A_28] : memref<10240x128xf32, #tpu.memory_space<vmem_shared>> -> memref<128x128xf32, #tpu.memory_space<vmem_shared>>
      tpu.wait_dma2 semaphore(%run_scoped3A : memref<!tpu.dma_semaphore, #tpu.memory_space<semaphore_mem>>) src(%arg13 : memref<128x128xf32, #tpu.memory_space<vmem>>) dst(%dma_wait3A_29 : memref<128x128xf32, #tpu.memory_space<vmem_shared>>)
      tpu.yield
    }) : () -> ()
    %add3A_9 = arith.constant 128 : i32
    %add3A_10 = arith.addi %mul3A_0, %add3A_9 : i32
    "tpu.region"() ({
      %run_scoped3A = tpu.sem_alloc : memref<!tpu.dma_semaphore, #tpu.memory_space<semaphore_mem>>
      %dma_start3A = arith.constant 0 : i32
      %dma_start3A_24 = tpu.memref_slice %arg14[%add3A_10, %dma_start3A] : memref<10240x128xf32, #tpu.memory_space<vmem_shared>> -> memref<128x128xf32, #tpu.memory_space<vmem_shared>>
      %dma_start3A_25 = arith.constant 0 : i32
      %dma_start3A_26 = tpu.memref_slice %arg14[%add3A_10, %dma_start3A_25] : memref<10240x128xf32, #tpu.memory_space<vmem_shared>> -> memref<128x128xf32, #tpu.memory_space<vmem_shared>>
      tpu.enqueue_dma source(%arg13 : memref<128x128xf32, #tpu.memory_space<vmem>>) target(%dma_start3A_26 : memref<128x128xf32, #tpu.memory_space<vmem_shared>>) target_semaphore(%run_scoped3A : memref<!tpu.dma_semaphore, #tpu.memory_space<semaphore_mem>>)
      %dma_wait3A = arith.constant 0 : i32
      %dma_wait3A_27 = tpu.memref_slice %arg14[%add3A_10, %dma_wait3A] : memref<10240x128xf32, #tpu.memory_space<vmem_shared>> -> memref<128x128xf32, #tpu.memory_space<vmem_shared>>
      %dma_wait3A_28 = arith.constant 0 : i32
      %dma_wait3A_29 = tpu.memref_slice %arg14[%add3A_10, %dma_wait3A_28] : memref<10240x128xf32, #tpu.memory_space<vmem_shared>> -> memref<128x128xf32, #tpu.memory_space<vmem_shared>>
      tpu.wait_dma2 semaphore(%run_scoped3A : memref<!tpu.dma_semaphore, #tpu.memory_space<semaphore_mem>>) src(%arg13 : memref<128x128xf32, #tpu.memory_space<vmem>>) dst(%dma_wait3A_29 : memref<128x128xf32, #tpu.memory_space<vmem_shared>>)
      tpu.yield
    }) : () -> ()
    %add3A_11 = arith.constant 256 : i32
    %add3A_12 = arith.addi %mul3A_0, %add3A_11 : i32
    "tpu.region"() ({
      %run_scoped3A = tpu.sem_alloc : memref<!tpu.dma_semaphore, #tpu.memory_space<semaphore_mem>>
      %dma_start3A = arith.constant 0 : i32
      %dma_start3A_24 = tpu.memref_slice %arg14[%add3A_12, %dma_start3A] : memref<10240x128xf32, #tpu.memory_space<vmem_shared>> -> memref<128x128xf32, #tpu.memory_space<vmem_shared>>
      %dma_start3A_25 = arith.constant 0 : i32
      %dma_start3A_26 = tpu.memref_slice %arg14[%add3A_12, %dma_start3A_25] : memref<10240x128xf32, #tpu.memory_space<vmem_shared>> -> memref<128x128xf32, #tpu.memory_space<vmem_shared>>
      tpu.enqueue_dma source(%arg13 : memref<128x128xf32, #tpu.memory_space<vmem>>) target(%dma_start3A_26 : memref<128x128xf32, #tpu.memory_space<vmem_shared>>) target_semaphore(%run_scoped3A : memref<!tpu.dma_semaphore, #tpu.memory_space<semaphore_mem>>)
      %dma_wait3A = arith.constant 0 : i32
      %dma_wait3A_27 = tpu.memref_slice %arg14[%add3A_12, %dma_wait3A] : memref<10240x128xf32, #tpu.memory_space<vmem_shared>> -> memref<128x128xf32, #tpu.memory_space<vmem_shared>>
      %dma_wait3A_28 = arith.constant 0 : i32
      %dma_wait3A_29 = tpu.memref_slice %arg14[%add3A_12, %dma_wait3A_28] : memref<10240x128xf32, #tpu.memory_space<vmem_shared>> -> memref<128x128xf32, #tpu.memory_space<vmem_shared>>
      tpu.wait_dma2 semaphore(%run_scoped3A : memref<!tpu.dma_semaphore, #tpu.memory_space<semaphore_mem>>) src(%arg13 : memref<128x128xf32, #tpu.memory_space<vmem>>) dst(%dma_wait3A_29 : memref<128x128xf32, #tpu.memory_space<vmem_shared>>)
      tpu.yield
    }) : () -> ()
    %add3A_13 = arith.constant 384 : i32
    %add3A_14 = arith.addi %mul3A_0, %add3A_13 : i32
    "tpu.region"() ({
      %run_scoped3A = tpu.sem_alloc : memref<!tpu.dma_semaphore, #tpu.memory_space<semaphore_mem>>
      %dma_start3A = arith.constant 0 : i32
      %dma_start3A_24 = tpu.memref_slice %arg14[%add3A_14, %dma_start3A] : memref<10240x128xf32, #tpu.memory_space<vmem_shared>> -> memref<128x128xf32, #tpu.memory_space<vmem_shared>>
      %dma_start3A_25 = arith.constant 0 : i32
      %dma_start3A_26 = tpu.memref_slice %arg14[%add3A_14, %dma_start3A_25] : memref<10240x128xf32, #tpu.memory_space<vmem_shared>> -> memref<128x128xf32, #tpu.memory_space<vmem_shared>>
      tpu.enqueue_dma source(%arg13 : memref<128x128xf32, #tpu.memory_space<vmem>>) target(%dma_start3A_26 : memref<128x128xf32, #tpu.memory_space<vmem_shared>>) target_semaphore(%run_scoped3A : memref<!tpu.dma_semaphore, #tpu.memory_space<semaphore_mem>>)
      %dma_wait3A = arith.constant 0 : i32
      %dma_wait3A_27 = tpu.memref_slice %arg14[%add3A_14, %dma_wait3A] : memref<10240x128xf32, #tpu.memory_space<vmem_shared>> -> memref<128x128xf32, #tpu.memory_space<vmem_shared>>
      %dma_wait3A_28 = arith.constant 0 : i32
      %dma_wait3A_29 = tpu.memref_slice %arg14[%add3A_14, %dma_wait3A_28] : memref<10240x128xf32, #tpu.memory_space<vmem_shared>> -> memref<128x128xf32, #tpu.memory_space<vmem_shared>>
      tpu.wait_dma2 semaphore(%run_scoped3A : memref<!tpu.dma_semaphore, #tpu.memory_space<semaphore_mem>>) src(%arg13 : memref<128x128xf32, #tpu.memory_space<vmem>>) dst(%dma_wait3A_29 : memref<128x128xf32, #tpu.memory_space<vmem_shared>>)
      tpu.yield
    }) : () -> ()
    %add3A_15 = arith.constant 512 : i32
    %add3A_16 = arith.addi %mul3A_0, %add3A_15 : i32
    "tpu.region"() ({
      %run_scoped3A = tpu.sem_alloc : memref<!tpu.dma_semaphore, #tpu.memory_space<semaphore_mem>>
      %dma_start3A = arith.constant 0 : i32
      %dma_start3A_24 = tpu.memref_slice %arg14[%add3A_16, %dma_start3A] : memref<10240x128xf32, #tpu.memory_space<vmem_shared>> -> memref<128x128xf32, #tpu.memory_space<vmem_shared>>
      %dma_start3A_25 = arith.constant 0 : i32
      %dma_start3A_26 = tpu.memref_slice %arg14[%add3A_16, %dma_start3A_25] : memref<10240x128xf32, #tpu.memory_space<vmem_shared>> -> memref<128x128xf32, #tpu.memory_space<vmem_shared>>
      tpu.enqueue_dma source(%arg13 : memref<128x128xf32, #tpu.memory_space<vmem>>) target(%dma_start3A_26 : memref<128x128xf32, #tpu.memory_space<vmem_shared>>) target_semaphore(%run_scoped3A : memref<!tpu.dma_semaphore, #tpu.memory_space<semaphore_mem>>)
      %dma_wait3A = arith.constant 0 : i32
      %dma_wait3A_27 = tpu.memref_slice %arg14[%add3A_16, %dma_wait3A] : memref<10240x128xf32, #tpu.memory_space<vmem_shared>> -> memref<128x128xf32, #tpu.memory_space<vmem_shared>>
      %dma_wait3A_28 = arith.constant 0 : i32
      %dma_wait3A_29 = tpu.memref_slice %arg14[%add3A_16, %dma_wait3A_28] : memref<10240x128xf32, #tpu.memory_space<vmem_shared>> -> memref<128x128xf32, #tpu.memory_space<vmem_shared>>
      tpu.wait_dma2 semaphore(%run_scoped3A : memref<!tpu.dma_semaphore, #tpu.memory_space<semaphore_mem>>) src(%arg13 : memref<128x128xf32, #tpu.memory_space<vmem>>) dst(%dma_wait3A_29 : memref<128x128xf32, #tpu.memory_space<vmem_shared>>)
      tpu.yield
    }) : () -> ()
    %barrier3A = arith.constant 0 : index
    tpu.barrier barrier_id(%barrier3A)
    %eq3A = arith.constant 0 : i32
    %eq3A_17 = arith.cmpi eq, %arg0, %eq3A : i32
    %convert_element_type3A = arith.extui %eq3A_17 : i1 to i32
    %cond3A = arith.constant 0 : i32
    %cond3A_18 = arith.cmpi ne, %convert_element_type3A, %cond3A : i32
    scf.if %cond3A_18 {
      %run_scoped3A = arith.constant 0 : i32
      "tpu.region"() ({
        %run_scoped3A_45 = tpu.sem_alloc : memref<!tpu.dma_semaphore, #tpu.memory_space<semaphore_mem>>
        %dma_start3A_46 = arith.constant 0 : i32
        %dma_start3A_47 = tpu.memref_slice %arg4[%arg1, %run_scoped3A, %dma_start3A_46] : memref<16x160x128xi32, #tpu.memory_space<hbm>> -> memref<1x1x128xi32, #tpu.memory_space<hbm>>
        %dma_start3A_48 = tpu.memref_squeeze %dma_start3A_47 : memref<1x1x128xi32, #tpu.memory_space<hbm>> -> memref<128xi32, #tpu.memory_space<hbm>>
        %dma_start3A_49 = arith.constant 0 : i32
        %dma_start3A_50 = tpu.memref_slice %arg4[%arg1, %run_scoped3A, %dma_start3A_49] : memref<16x160x128xi32, #tpu.memory_space<hbm>> -> memref<1x1x128xi32, #tpu.memory_space<hbm>>
        %dma_start3A_51 = tpu.memref_squeeze %dma_start3A_50 : memref<1x1x128xi32, #tpu.memory_space<hbm>> -> memref<128xi32, #tpu.memory_space<hbm>>
        tpu.enqueue_dma source(%dma_start3A_51 : memref<128xi32, #tpu.memory_space<hbm>>) target(%arg8 : memref<128xi32, #tpu.memory_space<vmem>>) target_semaphore(%run_scoped3A_45 : memref<!tpu.dma_semaphore, #tpu.memory_space<semaphore_mem>>)
        %dma_wait3A = arith.constant 0 : i32
        %dma_wait3A_52 = tpu.memref_slice %arg4[%arg1, %run_scoped3A, %dma_wait3A] : memref<16x160x128xi32, #tpu.memory_space<hbm>> -> memref<1x1x128xi32, #tpu.memory_space<hbm>>
        %dma_wait3A_53 = tpu.memref_squeeze %dma_wait3A_52 : memref<1x1x128xi32, #tpu.memory_space<hbm>> -> memref<128xi32, #tpu.memory_space<hbm>>
        %dma_wait3A_54 = arith.constant 0 : i32
        %dma_wait3A_55 = tpu.memref_slice %arg4[%arg1, %run_scoped3A, %dma_wait3A_54] : memref<16x160x128xi32, #tpu.memory_space<hbm>> -> memref<1x1x128xi32, #tpu.memory_space<hbm>>
        %dma_wait3A_56 = tpu.memref_squeeze %dma_wait3A_55 : memref<1x1x128xi32, #tpu.memory_space<hbm>> -> memref<128xi32, #tpu.memory_space<hbm>>
        tpu.wait_dma2 semaphore(%run_scoped3A_45 : memref<!tpu.dma_semaphore, #tpu.memory_space<semaphore_mem>>) src(%dma_wait3A_56 : memref<128xi32, #tpu.memory_space<hbm>>) dst(%arg8 : memref<128xi32, #tpu.memory_space<vmem>>)
        tpu.yield
      }) : () -> ()
      %run_scoped3A_24 = arith.constant 0 : i32
      "tpu.region"() ({
        %run_scoped3A_45 = tpu.sem_alloc : memref<!tpu.dma_semaphore, #tpu.memory_space<semaphore_mem>>
        %dma_start3A_46 = arith.constant 0 : i32
        %dma_start3A_47 = tpu.memref_slice %arg5[%arg1, %run_scoped3A_24, %dma_start3A_46] : memref<16x160x128xi32, #tpu.memory_space<hbm>> -> memref<1x1x128xi32, #tpu.memory_space<hbm>>
        %dma_start3A_48 = tpu.memref_squeeze %dma_start3A_47 : memref<1x1x128xi32, #tpu.memory_space<hbm>> -> memref<128xi32, #tpu.memory_space<hbm>>
        %dma_start3A_49 = arith.constant 0 : i32
        %dma_start3A_50 = tpu.memref_slice %arg5[%arg1, %run_scoped3A_24, %dma_start3A_49] : memref<16x160x128xi32, #tpu.memory_space<hbm>> -> memref<1x1x128xi32, #tpu.memory_space<hbm>>
        %dma_start3A_51 = tpu.memref_squeeze %dma_start3A_50 : memref<1x1x128xi32, #tpu.memory_space<hbm>> -> memref<128xi32, #tpu.memory_space<hbm>>
        tpu.enqueue_dma source(%dma_start3A_51 : memref<128xi32, #tpu.memory_space<hbm>>) target(%arg10 : memref<128xi32, #tpu.memory_space<vmem>>) target_semaphore(%run_scoped3A_45 : memref<!tpu.dma_semaphore, #tpu.memory_space<semaphore_mem>>)
        %dma_wait3A = arith.constant 0 : i32
        %dma_wait3A_52 = tpu.memref_slice %arg5[%arg1, %run_scoped3A_24, %dma_wait3A] : memref<16x160x128xi32, #tpu.memory_space<hbm>> -> memref<1x1x128xi32, #tpu.memory_space<hbm>>
        %dma_wait3A_53 = tpu.memref_squeeze %dma_wait3A_52 : memref<1x1x128xi32, #tpu.memory_space<hbm>> -> memref<128xi32, #tpu.memory_space<hbm>>
        %dma_wait3A_54 = arith.constant 0 : i32
        %dma_wait3A_55 = tpu.memref_slice %arg5[%arg1, %run_scoped3A_24, %dma_wait3A_54] : memref<16x160x128xi32, #tpu.memory_space<hbm>> -> memref<1x1x128xi32, #tpu.memory_space<hbm>>
        %dma_wait3A_56 = tpu.memref_squeeze %dma_wait3A_55 : memref<1x1x128xi32, #tpu.memory_space<hbm>> -> memref<128xi32, #tpu.memory_space<hbm>>
        tpu.wait_dma2 semaphore(%run_scoped3A_45 : memref<!tpu.dma_semaphore, #tpu.memory_space<semaphore_mem>>) src(%dma_wait3A_56 : memref<128xi32, #tpu.memory_space<hbm>>) dst(%arg10 : memref<128xi32, #tpu.memory_space<vmem>>)
        tpu.yield
      }) : () -> ()
      %dma_start3A = arith.constant 0 : i32
      %dma_start3A_25 = arith.constant 0 : i32
      %dma_start3A_26 = tpu.memref_slice %arg2[%dma_start3A, %dma_start3A_25] : memref<10000x128xf32, #tpu.memory_space<hbm>> -> memref<10000x128xf32, #tpu.memory_space<hbm>>
      tpu.enqueue_indirect_dma source(%dma_start3A_26 : memref<10000x128xf32, #tpu.memory_space<hbm>>) target(%arg12 : memref<128x128xf32, #tpu.memory_space<vmem>>) offsets(%arg8 : memref<128xi32, #tpu.memory_space<vmem>>) semaphore(%arg15 : memref<!tpu.dma_semaphore, #tpu.memory_space<semaphore_mem>>)
      %scan3A_27 = arith.constant 0 : i32
      %scan3A_28 = arith.constant 0 : i32
      %scan3A_29 = arith.constant 80 : i32
      %scan3A_30 = arith.addi %scan3A_28, %scan3A_29 : i32
      %scan3A_31 = arith.constant 1 : i32
      %scan3A_32 = scf.for %scan3A_45 = %scan3A_28 to %scan3A_30 step %scan3A_31 iter_args(%scan3A_46 = %scan3A_27) -> (i32)  : i32 {
        %mul3A_47 = arith.constant 2 : i32
        %mul3A_48 = arith.muli %mul3A_47, %scan3A_45 : i32
        %mul3A_49 = arith.constant 2 : i32
        %mul3A_50 = arith.muli %mul3A_49, %scan3A_45 : i32
        %add3A_51 = arith.constant 1 : i32
        %add3A_52 = arith.addi %mul3A_50, %add3A_51 : i32
        %dma_start3A_53 = arith.constant 0 : i32
        %dma_start3A_54 = tpu.memref_slice %arg4[%arg1, %add3A_52, %dma_start3A_53] : memref<16x160x128xi32, #tpu.memory_space<hbm>> -> memref<1x1x128xi32, #tpu.memory_space<hbm>>
        %dma_start3A_55 = tpu.memref_squeeze %dma_start3A_54 : memref<1x1x128xi32, #tpu.memory_space<hbm>> -> memref<128xi32, #tpu.memory_space<hbm>>
        %dma_start3A_56 = arith.constant 0 : i32
        %dma_start3A_57 = tpu.memref_slice %arg4[%arg1, %add3A_52, %dma_start3A_56] : memref<16x160x128xi32, #tpu.memory_space<hbm>> -> memref<1x1x128xi32, #tpu.memory_space<hbm>>
        %dma_start3A_58 = tpu.memref_squeeze %dma_start3A_57 : memref<1x1x128xi32, #tpu.memory_space<hbm>> -> memref<128xi32, #tpu.memory_space<hbm>>
        tpu.enqueue_dma source(%dma_start3A_58 : memref<128xi32, #tpu.memory_space<hbm>>) target(%arg9 : memref<128xi32, #tpu.memory_space<vmem>>) target_semaphore(%arg16 : memref<!tpu.dma_semaphore, #tpu.memory_space<semaphore_mem>>)
        %dma_start3A_59 = arith.constant 0 : i32
        %dma_start3A_60 = tpu.memref_slice %arg5[%arg1, %add3A_52, %dma_start3A_59] : memref<16x160x128xi32, #tpu.memory_space<hbm>> -> memref<1x1x128xi32, #tpu.memory_space<hbm>>
        %dma_start3A_61 = tpu.memref_squeeze %dma_start3A_60 : memref<1x1x128xi32, #tpu.memory_space<hbm>> -> memref<128xi32, #tpu.memory_space<hbm>>
        %dma_start3A_62 = arith.constant 0 : i32
        %dma_start3A_63 = tpu.memref_slice %arg5[%arg1, %add3A_52, %dma_start3A_62] : memref<16x160x128xi32, #tpu.memory_space<hbm>> -> memref<1x1x128xi32, #tpu.memory_space<hbm>>
        %dma_start3A_64 = tpu.memref_squeeze %dma_start3A_63 : memref<1x1x128xi32, #tpu.memory_space<hbm>> -> memref<128xi32, #tpu.memory_space<hbm>>
        tpu.enqueue_dma source(%dma_start3A_64 : memref<128xi32, #tpu.memory_space<hbm>>) target(%arg11 : memref<128xi32, #tpu.memory_space<vmem>>) target_semaphore(%arg16 : memref<!tpu.dma_semaphore, #tpu.memory_space<semaphore_mem>>)
        %dma_wait3A = arith.constant 0 : i32
        %dma_wait3A_65 = tpu.memref_slice %arg4[%arg1, %add3A_52, %dma_wait3A] : memref<16x160x128xi32, #tpu.memory_space<hbm>> -> memref<1x1x128xi32, #tpu.memory_space<hbm>>
        %dma_wait3A_66 = tpu.memref_squeeze %dma_wait3A_65 : memref<1x1x128xi32, #tpu.memory_space<hbm>> -> memref<128xi32, #tpu.memory_space<hbm>>
        %dma_wait3A_67 = arith.constant 0 : i32
        %dma_wait3A_68 = tpu.memref_slice %arg4[%arg1, %add3A_52, %dma_wait3A_67] : memref<16x160x128xi32, #tpu.memory_space<hbm>> -> memref<1x1x128xi32, #tpu.memory_space<hbm>>
        %dma_wait3A_69 = tpu.memref_squeeze %dma_wait3A_68 : memref<1x1x128xi32, #tpu.memory_space<hbm>> -> memref<128xi32, #tpu.memory_space<hbm>>
        tpu.wait_dma2 semaphore(%arg16 : memref<!tpu.dma_semaphore, #tpu.memory_space<semaphore_mem>>) src(%dma_wait3A_69 : memref<128xi32, #tpu.memory_space<hbm>>) dst(%arg9 : memref<128xi32, #tpu.memory_space<vmem>>)
        %dma_wait3A_70 = arith.constant 0 : i32
        %dma_wait3A_71 = tpu.memref_slice %arg5[%arg1, %add3A_52, %dma_wait3A_70] : memref<16x160x128xi32, #tpu.memory_space<hbm>> -> memref<1x1x128xi32, #tpu.memory_space<hbm>>
        %dma_wait3A_72 = tpu.memref_squeeze %dma_wait3A_71 : memref<1x1x128xi32, #tpu.memory_space<hbm>> -> memref<128xi32, #tpu.memory_space<hbm>>
        %dma_wait3A_73 = arith.constant 0 : i32
        %dma_wait3A_74 = tpu.memref_slice %arg5[%arg1, %add3A_52, %dma_wait3A_73] : memref<16x160x128xi32, #tpu.memory_space<hbm>> -> memref<1x1x128xi32, #tpu.memory_space<hbm>>
        %dma_wait3A_75 = tpu.memref_squeeze %dma_wait3A_74 : memref<1x1x128xi32, #tpu.memory_space<hbm>> -> memref<128xi32, #tpu.memory_space<hbm>>
        tpu.wait_dma2 semaphore(%arg16 : memref<!tpu.dma_semaphore, #tpu.memory_space<semaphore_mem>>) src(%dma_wait3A_75 : memref<128xi32, #tpu.memory_space<hbm>>) dst(%arg11 : memref<128xi32, #tpu.memory_space<vmem>>)
        %dma_start3A_76 = arith.constant 0 : i32
        %dma_start3A_77 = arith.constant 0 : i32
        %dma_start3A_78 = tpu.memref_slice %arg2[%dma_start3A_76, %dma_start3A_77] : memref<10000x128xf32, #tpu.memory_space<hbm>> -> memref<10000x128xf32, #tpu.memory_space<hbm>>
        tpu.enqueue_indirect_dma source(%dma_start3A_78 : memref<10000x128xf32, #tpu.memory_space<hbm>>) target(%arg13 : memref<128x128xf32, #tpu.memory_space<vmem>>) offsets(%arg9 : memref<128xi32, #tpu.memory_space<vmem>>) semaphore(%arg15 : memref<!tpu.dma_semaphore, #tpu.memory_space<semaphore_mem>>)
        %dma_wait3A_79 = arith.constant 0 : i32
        %dma_wait3A_80 = arith.constant 0 : i32
        %dma_wait3A_81 = tpu.memref_slice %arg2[%dma_wait3A_79, %dma_wait3A_80] : memref<10000x128xf32, #tpu.memory_space<hbm>> -> memref<10000x128xf32, #tpu.memory_space<hbm>>
        tpu.wait_indirect_dma semaphore(%arg15 : memref<!tpu.dma_semaphore, #tpu.memory_space<semaphore_mem>>) src(%dma_wait3A_81 : memref<10000x128xf32, #tpu.memory_space<hbm>>) dst(%arg12 : memref<128x128xf32, #tpu.memory_space<vmem>>)
        "tpu.region"() ({
          %run_scoped3A_92 = tpu.sem_alloc : memref<!tpu.dma_semaphore, #tpu.memory_space<semaphore_mem>>
          %dma_start3A_93 = arith.constant 0 : i32
          %dma_start3A_94 = arith.constant 0 : i32
          %dma_start3A_95 = tpu.memref_slice %arg14[%dma_start3A_93, %dma_start3A_94] : memref<10240x128xf32, #tpu.memory_space<vmem_shared>> -> memref<10240x128xf32, #tpu.memory_space<vmem_shared>>
          tpu.enqueue_indirect_dma source(%arg12 : memref<128x128xf32, #tpu.memory_space<vmem>>) target(%dma_start3A_95 : memref<10240x128xf32, #tpu.memory_space<vmem_shared>>) offsets(%arg10 : memref<128xi32, #tpu.memory_space<vmem>>) semaphore(%run_scoped3A_92 : memref<!tpu.dma_semaphore, #tpu.memory_space<semaphore_mem>>) {add = true}
          %dma_wait3A_96 = arith.constant 0 : i32
          %dma_wait3A_97 = arith.constant 0 : i32
          %dma_wait3A_98 = tpu.memref_slice %arg14[%dma_wait3A_96, %dma_wait3A_97] : memref<10240x128xf32, #tpu.memory_space<vmem_shared>> -> memref<10240x128xf32, #tpu.memory_space<vmem_shared>>
          tpu.wait_indirect_dma semaphore(%run_scoped3A_92 : memref<!tpu.dma_semaphore, #tpu.memory_space<semaphore_mem>>) src(%arg12 : memref<128x128xf32, #tpu.memory_space<vmem>>) dst(%dma_wait3A_98 : memref<10240x128xf32, #tpu.memory_space<vmem_shared>>)
          tpu.yield
        }) : () -> ()
        %add3A_82 = arith.constant 1 : i32
        %add3A_83 = arith.addi %scan3A_45, %add3A_82 : i32
        %lt3A = arith.constant 80 : i32
        %lt3A_84 = arith.cmpi slt, %add3A_83, %lt3A : i32
        %convert_element_type3A_85 = arith.extui %lt3A_84 : i1 to i32
        %cond3A_86 = arith.constant 0 : i32
        %cond3A_87 = arith.cmpi ne, %convert_element_type3A_85, %cond3A_86 : i32
        scf.if %cond3A_87 {
          %add3A_92 = arith.constant 2 : i32
          %add3A_93 = arith.addi %mul3A_48, %add3A_92 : i32
          %dma_start3A_94 = arith.constant 0 : i32
          %dma_start3A_95 = tpu.memref_slice %arg4[%arg1, %add3A_93, %dma_start3A_94] : memref<16x160x128xi32, #tpu.memory_space<hbm>> -> memref<1x1x128xi32, #tpu.memory_space<hbm>>
          %dma_start3A_96 = tpu.memref_squeeze %dma_start3A_95 : memref<1x1x128xi32, #tpu.memory_space<hbm>> -> memref<128xi32, #tpu.memory_space<hbm>>
          %dma_start3A_97 = arith.constant 0 : i32
          %dma_start3A_98 = tpu.memref_slice %arg4[%arg1, %add3A_93, %dma_start3A_97] : memref<16x160x128xi32, #tpu.memory_space<hbm>> -> memref<1x1x128xi32, #tpu.memory_space<hbm>>
          %dma_start3A_99 = tpu.memref_squeeze %dma_start3A_98 : memref<1x1x128xi32, #tpu.memory_space<hbm>> -> memref<128xi32, #tpu.memory_space<hbm>>
          tpu.enqueue_dma source(%dma_start3A_99 : memref<128xi32, #tpu.memory_space<hbm>>) target(%arg8 : memref<128xi32, #tpu.memory_space<vmem>>) target_semaphore(%arg16 : memref<!tpu.dma_semaphore, #tpu.memory_space<semaphore_mem>>)
          %add3A_100 = arith.constant 2 : i32
          %add3A_101 = arith.addi %mul3A_48, %add3A_100 : i32
          %dma_start3A_102 = arith.constant 0 : i32
          %dma_start3A_103 = tpu.memref_slice %arg5[%arg1, %add3A_101, %dma_start3A_102] : memref<16x160x128xi32, #tpu.memory_space<hbm>> -> memref<1x1x128xi32, #tpu.memory_space<hbm>>
          %dma_start3A_104 = tpu.memref_squeeze %dma_start3A_103 : memref<1x1x128xi32, #tpu.memory_space<hbm>> -> memref<128xi32, #tpu.memory_space<hbm>>
          %dma_start3A_105 = arith.constant 0 : i32
          %dma_start3A_106 = tpu.memref_slice %arg5[%arg1, %add3A_101, %dma_start3A_105] : memref<16x160x128xi32, #tpu.memory_space<hbm>> -> memref<1x1x128xi32, #tpu.memory_space<hbm>>
          %dma_start3A_107 = tpu.memref_squeeze %dma_start3A_106 : memref<1x1x128xi32, #tpu.memory_space<hbm>> -> memref<128xi32, #tpu.memory_space<hbm>>
          tpu.enqueue_dma source(%dma_start3A_107 : memref<128xi32, #tpu.memory_space<hbm>>) target(%arg10 : memref<128xi32, #tpu.memory_space<vmem>>) target_semaphore(%arg16 : memref<!tpu.dma_semaphore, #tpu.memory_space<semaphore_mem>>)
          %add3A_108 = arith.constant 2 : i32
          %add3A_109 = arith.addi %mul3A_48, %add3A_108 : i32
          %dma_wait3A_110 = arith.constant 0 : i32
          %dma_wait3A_111 = tpu.memref_slice %arg4[%arg1, %add3A_109, %dma_wait3A_110] : memref<16x160x128xi32, #tpu.memory_space<hbm>> -> memref<1x1x128xi32, #tpu.memory_space<hbm>>
          %dma_wait3A_112 = tpu.memref_squeeze %dma_wait3A_111 : memref<1x1x128xi32, #tpu.memory_space<hbm>> -> memref<128xi32, #tpu.memory_space<hbm>>
          %dma_wait3A_113 = arith.constant 0 : i32
          %dma_wait3A_114 = tpu.memref_slice %arg4[%arg1, %add3A_109, %dma_wait3A_113] : memref<16x160x128xi32, #tpu.memory_space<hbm>> -> memref<1x1x128xi32, #tpu.memory_space<hbm>>
          %dma_wait3A_115 = tpu.memref_squeeze %dma_wait3A_114 : memref<1x1x128xi32, #tpu.memory_space<hbm>> -> memref<128xi32, #tpu.memory_space<hbm>>
          tpu.wait_dma2 semaphore(%arg16 : memref<!tpu.dma_semaphore, #tpu.memory_space<semaphore_mem>>) src(%dma_wait3A_115 : memref<128xi32, #tpu.memory_space<hbm>>) dst(%arg8 : memref<128xi32, #tpu.memory_space<vmem>>)
          %add3A_116 = arith.constant 2 : i32
          %add3A_117 = arith.addi %mul3A_48, %add3A_116 : i32
          %dma_wait3A_118 = arith.constant 0 : i32
          %dma_wait3A_119 = tpu.memref_slice %arg5[%arg1, %add3A_117, %dma_wait3A_118] : memref<16x160x128xi32, #tpu.memory_space<hbm>> -> memref<1x1x128xi32, #tpu.memory_space<hbm>>
          %dma_wait3A_120 = tpu.memref_squeeze %dma_wait3A_119 : memref<1x1x128xi32, #tpu.memory_space<hbm>> -> memref<128xi32, #tpu.memory_space<hbm>>
          %dma_wait3A_121 = arith.constant 0 : i32
          %dma_wait3A_122 = tpu.memref_slice %arg5[%arg1, %add3A_117, %dma_wait3A_121] : memref<16x160x128xi32, #tpu.memory_space<hbm>> -> memref<1x1x128xi32, #tpu.memory_space<hbm>>
          %dma_wait3A_123 = tpu.memref_squeeze %dma_wait3A_122 : memref<1x1x128xi32, #tpu.memory_space<hbm>> -> memref<128xi32, #tpu.memory_space<hbm>>
          tpu.wait_dma2 semaphore(%arg16 : memref<!tpu.dma_semaphore, #tpu.memory_space<semaphore_mem>>) src(%dma_wait3A_123 : memref<128xi32, #tpu.memory_space<hbm>>) dst(%arg10 : memref<128xi32, #tpu.memory_space<vmem>>)
          %dma_start3A_124 = arith.constant 0 : i32
          %dma_start3A_125 = arith.constant 0 : i32
          %dma_start3A_126 = tpu.memref_slice %arg2[%dma_start3A_124, %dma_start3A_125] : memref<10000x128xf32, #tpu.memory_space<hbm>> -> memref<10000x128xf32, #tpu.memory_space<hbm>>
          tpu.enqueue_indirect_dma source(%dma_start3A_126 : memref<10000x128xf32, #tpu.memory_space<hbm>>) target(%arg12 : memref<128x128xf32, #tpu.memory_space<vmem>>) offsets(%arg8 : memref<128xi32, #tpu.memory_space<vmem>>) semaphore(%arg15 : memref<!tpu.dma_semaphore, #tpu.memory_space<semaphore_mem>>)
        } else {
        }
        %dma_wait3A_88 = arith.constant 0 : i32
        %dma_wait3A_89 = arith.constant 0 : i32
        %dma_wait3A_90 = tpu.memref_slice %arg2[%dma_wait3A_88, %dma_wait3A_89] : memref<10000x128xf32, #tpu.memory_space<hbm>> -> memref<10000x128xf32, #tpu.memory_space<hbm>>
        tpu.wait_indirect_dma semaphore(%arg15 : memref<!tpu.dma_semaphore, #tpu.memory_space<semaphore_mem>>) src(%dma_wait3A_90 : memref<10000x128xf32, #tpu.memory_space<hbm>>) dst(%arg13 : memref<128x128xf32, #tpu.memory_space<vmem>>)
        "tpu.region"() ({
          %run_scoped3A_92 = tpu.sem_alloc : memref<!tpu.dma_semaphore, #tpu.memory_space<semaphore_mem>>
          %dma_start3A_93 = arith.constant 0 : i32
          %dma_start3A_94 = arith.constant 0 : i32
          %dma_start3A_95 = tpu.memref_slice %arg14[%dma_start3A_93, %dma_start3A_94] : memref<10240x128xf32, #tpu.memory_space<vmem_shared>> -> memref<10240x128xf32, #tpu.memory_space<vmem_shared>>
          tpu.enqueue_indirect_dma source(%arg13 : memref<128x128xf32, #tpu.memory_space<vmem>>) target(%dma_start3A_95 : memref<10240x128xf32, #tpu.memory_space<vmem_shared>>) offsets(%arg11 : memref<128xi32, #tpu.memory_space<vmem>>) semaphore(%run_scoped3A_92 : memref<!tpu.dma_semaphore, #tpu.memory_space<semaphore_mem>>) {add = true}
          %dma_wait3A_96 = arith.constant 0 : i32
          %dma_wait3A_97 = arith.constant 0 : i32
          %dma_wait3A_98 = tpu.memref_slice %arg14[%dma_wait3A_96, %dma_wait3A_97] : memref<10240x128xf32, #tpu.memory_space<vmem_shared>> -> memref<10240x128xf32, #tpu.memory_space<vmem_shared>>
          tpu.wait_indirect_dma semaphore(%run_scoped3A_92 : memref<!tpu.dma_semaphore, #tpu.memory_space<semaphore_mem>>) src(%arg13 : memref<128x128xf32, #tpu.memory_space<vmem>>) dst(%dma_wait3A_98 : memref<10240x128xf32, #tpu.memory_space<vmem_shared>>)
          tpu.yield
        }) : () -> ()
        %scan3A_91 = arith.constant 0 : i32
        scf.yield %scan3A_91 : i32
      }
      %scan3A_33 = arith.constant 80 : i32
      %barrier3A_34 = arith.constant 0 : index
      tpu.barrier barrier_id(%barrier3A_34)
      %add3A_35 = arith.constant 0 : i32
      %add3A_36 = arith.addi %mul3A_0, %add3A_35 : i32
      "tpu.region"() ({
        %run_scoped3A_45 = tpu.sem_alloc : memref<!tpu.dma_semaphore, #tpu.memory_space<semaphore_mem>>
        %dma_start3A_46 = arith.constant 0 : i32
        %dma_start3A_47 = tpu.memref_slice %arg14[%add3A_36, %dma_start3A_46] : memref<10240x128xf32, #tpu.memory_space<vmem_shared>> -> memref<128x128xf32, #tpu.memory_space<vmem_shared>>
        %dma_start3A_48 = arith.constant 0 : i32
        %dma_start3A_49 = tpu.memref_slice %arg14[%add3A_36, %dma_start3A_48] : memref<10240x128xf32, #tpu.memory_space<vmem_shared>> -> memref<128x128xf32, #tpu.memory_space<vmem_shared>>
        tpu.enqueue_dma source(%dma_start3A_49 : memref<128x128xf32, #tpu.memory_space<vmem_shared>>) target(%arg12 : memref<128x128xf32, #tpu.memory_space<vmem>>) target_semaphore(%run_scoped3A_45 : memref<!tpu.dma_semaphore, #tpu.memory_space<semaphore_mem>>)
        %dma_wait3A = arith.constant 0 : i32
        %dma_wait3A_50 = tpu.memref_slice %arg14[%add3A_36, %dma_wait3A] : memref<10240x128xf32, #tpu.memory_space<vmem_shared>> -> memref<128x128xf32, #tpu.memory_space<vmem_shared>>
        %dma_wait3A_51 = arith.constant 0 : i32
        %dma_wait3A_52 = tpu.memref_slice %arg14[%add3A_36, %dma_wait3A_51] : memref<10240x128xf32, #tpu.memory_space<vmem_shared>> -> memref<128x128xf32, #tpu.memory_space<vmem_shared>>
        tpu.wait_dma2 semaphore(%run_scoped3A_45 : memref<!tpu.dma_semaphore, #tpu.memory_space<semaphore_mem>>) src(%dma_wait3A_52 : memref<128x128xf32, #tpu.memory_space<vmem_shared>>) dst(%arg12 : memref<128x128xf32, #tpu.memory_space<vmem>>)
        tpu.yield
      }) : () -> ()
      "tpu.region"() ({
        %run_scoped3A_45 = tpu.sem_alloc : memref<!tpu.dma_semaphore, #tpu.memory_space<semaphore_mem>>
        %dma_start3A_46 = arith.constant 0 : i32
        %dma_start3A_47 = tpu.memref_slice %arg6[%add3A_36, %dma_start3A_46] : memref<10240x128xf32, #tpu.memory_space<hbm>> -> memref<128x128xf32, #tpu.memory_space<hbm>>
        %dma_start3A_48 = arith.constant 0 : i32
        %dma_start3A_49 = tpu.memref_slice %arg6[%add3A_36, %dma_start3A_48] : memref<10240x128xf32, #tpu.memory_space<hbm>> -> memref<128x128xf32, #tpu.memory_space<hbm>>
        tpu.enqueue_dma source(%arg12 : memref<128x128xf32, #tpu.memory_space<vmem>>) target(%dma_start3A_49 : memref<128x128xf32, #tpu.memory_space<hbm>>) target_semaphore(%run_scoped3A_45 : memref<!tpu.dma_semaphore, #tpu.memory_space<semaphore_mem>>)
        %dma_wait3A = arith.constant 0 : i32
        %dma_wait3A_50 = tpu.memref_slice %arg6[%add3A_36, %dma_wait3A] : memref<10240x128xf32, #tpu.memory_space<hbm>> -> memref<128x128xf32, #tpu.memory_space<hbm>>
        %dma_wait3A_51 = arith.constant 0 : i32
        %dma_wait3A_52 = tpu.memref_slice %arg6[%add3A_36, %dma_wait3A_51] : memref<10240x128xf32, #tpu.memory_space<hbm>> -> memref<128x128xf32, #tpu.memory_space<hbm>>
        tpu.wait_dma2 semaphore(%run_scoped3A_45 : memref<!tpu.dma_semaphore, #tpu.memory_space<semaphore_mem>>) src(%arg12 : memref<128x128xf32, #tpu.memory_space<vmem>>) dst(%dma_wait3A_52 : memref<128x128xf32, #tpu.memory_space<hbm>>)
        tpu.yield
      }) : () -> ()
      %add3A_37 = arith.constant 128 : i32
      %add3A_38 = arith.addi %mul3A_0, %add3A_37 : i32
      "tpu.region"() ({
        %run_scoped3A_45 = tpu.sem_alloc : memref<!tpu.dma_semaphore, #tpu.memory_space<semaphore_mem>>
        %dma_start3A_46 = arith.constant 0 : i32
        %dma_start3A_47 = tpu.memref_slice %arg14[%add3A_38, %dma_start3A_46] : memref<10240x128xf32, #tpu.memory_space<vmem_shared>> -> memref<128x128xf32, #tpu.memory_space<vmem_shared>>
        %dma_start3A_48 = arith.constant 0 : i32
        %dma_start3A_49 = tpu.memref_slice %arg14[%add3A_38, %dma_start3A_48] : memref<10240x128xf32, #tpu.memory_space<vmem_shared>> -> memref<128x128xf32, #tpu.memory_space<vmem_shared>>
        tpu.enqueue_dma source(%dma_start3A_49 : memref<128x128xf32, #tpu.memory_space<vmem_shared>>) target(%arg12 : memref<128x128xf32, #tpu.memory_space<vmem>>) target_semaphore(%run_scoped3A_45 : memref<!tpu.dma_semaphore, #tpu.memory_space<semaphore_mem>>)
        %dma_wait3A = arith.constant 0 : i32
        %dma_wait3A_50 = tpu.memref_slice %arg14[%add3A_38, %dma_wait3A] : memref<10240x128xf32, #tpu.memory_space<vmem_shared>> -> memref<128x128xf32, #tpu.memory_space<vmem_shared>>
        %dma_wait3A_51 = arith.constant 0 : i32
        %dma_wait3A_52 = tpu.memref_slice %arg14[%add3A_38, %dma_wait3A_51] : memref<10240x128xf32, #tpu.memory_space<vmem_shared>> -> memref<128x128xf32, #tpu.memory_space<vmem_shared>>
        tpu.wait_dma2 semaphore(%run_scoped3A_45 : memref<!tpu.dma_semaphore, #tpu.memory_space<semaphore_mem>>) src(%dma_wait3A_52 : memref<128x128xf32, #tpu.memory_space<vmem_shared>>) dst(%arg12 : memref<128x128xf32, #tpu.memory_space<vmem>>)
        tpu.yield
      }) : () -> ()
      "tpu.region"() ({
        %run_scoped3A_45 = tpu.sem_alloc : memref<!tpu.dma_semaphore, #tpu.memory_space<semaphore_mem>>
        %dma_start3A_46 = arith.constant 0 : i32
        %dma_start3A_47 = tpu.memref_slice %arg6[%add3A_38, %dma_start3A_46] : memref<10240x128xf32, #tpu.memory_space<hbm>> -> memref<128x128xf32, #tpu.memory_space<hbm>>
        %dma_start3A_48 = arith.constant 0 : i32
        %dma_start3A_49 = tpu.memref_slice %arg6[%add3A_38, %dma_start3A_48] : memref<10240x128xf32, #tpu.memory_space<hbm>> -> memref<128x128xf32, #tpu.memory_space<hbm>>
        tpu.enqueue_dma source(%arg12 : memref<128x128xf32, #tpu.memory_space<vmem>>) target(%dma_start3A_49 : memref<128x128xf32, #tpu.memory_space<hbm>>) target_semaphore(%run_scoped3A_45 : memref<!tpu.dma_semaphore, #tpu.memory_space<semaphore_mem>>)
        %dma_wait3A = arith.constant 0 : i32
        %dma_wait3A_50 = tpu.memref_slice %arg6[%add3A_38, %dma_wait3A] : memref<10240x128xf32, #tpu.memory_space<hbm>> -> memref<128x128xf32, #tpu.memory_space<hbm>>
        %dma_wait3A_51 = arith.constant 0 : i32
        %dma_wait3A_52 = tpu.memref_slice %arg6[%add3A_38, %dma_wait3A_51] : memref<10240x128xf32, #tpu.memory_space<hbm>> -> memref<128x128xf32, #tpu.memory_space<hbm>>
        tpu.wait_dma2 semaphore(%run_scoped3A_45 : memref<!tpu.dma_semaphore, #tpu.memory_space<semaphore_mem>>) src(%arg12 : memref<128x128xf32, #tpu.memory_space<vmem>>) dst(%dma_wait3A_52 : memref<128x128xf32, #tpu.memory_space<hbm>>)
        tpu.yield
      }) : () -> ()
      %add3A_39 = arith.constant 256 : i32
      %add3A_40 = arith.addi %mul3A_0, %add3A_39 : i32
      "tpu.region"() ({
        %run_scoped3A_45 = tpu.sem_alloc : memref<!tpu.dma_semaphore, #tpu.memory_space<semaphore_mem>>
        %dma_start3A_46 = arith.constant 0 : i32
        %dma_start3A_47 = tpu.memref_slice %arg14[%add3A_40, %dma_start3A_46] : memref<10240x128xf32, #tpu.memory_space<vmem_shared>> -> memref<128x128xf32, #tpu.memory_space<vmem_shared>>
        %dma_start3A_48 = arith.constant 0 : i32
        %dma_start3A_49 = tpu.memref_slice %arg14[%add3A_40, %dma_start3A_48] : memref<10240x128xf32, #tpu.memory_space<vmem_shared>> -> memref<128x128xf32, #tpu.memory_space<vmem_shared>>
        tpu.enqueue_dma source(%dma_start3A_49 : memref<128x128xf32, #tpu.memory_space<vmem_shared>>) target(%arg12 : memref<128x128xf32, #tpu.memory_space<vmem>>) target_semaphore(%run_scoped3A_45 : memref<!tpu.dma_semaphore, #tpu.memory_space<semaphore_mem>>)
        %dma_wait3A = arith.constant 0 : i32
        %dma_wait3A_50 = tpu.memref_slice %arg14[%add3A_40, %dma_wait3A] : memref<10240x128xf32, #tpu.memory_space<vmem_shared>> -> memref<128x128xf32, #tpu.memory_space<vmem_shared>>
        %dma_wait3A_51 = arith.constant 0 : i32
        %dma_wait3A_52 = tpu.memref_slice %arg14[%add3A_40, %dma_wait3A_51] : memref<10240x128xf32, #tpu.memory_space<vmem_shared>> -> memref<128x128xf32, #tpu.memory_space<vmem_shared>>
        tpu.wait_dma2 semaphore(%run_scoped3A_45 : memref<!tpu.dma_semaphore, #tpu.memory_space<semaphore_mem>>) src(%dma_wait3A_52 : memref<128x128xf32, #tpu.memory_space<vmem_shared>>) dst(%arg12 : memref<128x128xf32, #tpu.memory_space<vmem>>)
        tpu.yield
      }) : () -> ()
      "tpu.region"() ({
        %run_scoped3A_45 = tpu.sem_alloc : memref<!tpu.dma_semaphore, #tpu.memory_space<semaphore_mem>>
        %dma_start3A_46 = arith.constant 0 : i32
        %dma_start3A_47 = tpu.memref_slice %arg6[%add3A_40, %dma_start3A_46] : memref<10240x128xf32, #tpu.memory_space<hbm>> -> memref<128x128xf32, #tpu.memory_space<hbm>>
        %dma_start3A_48 = arith.constant 0 : i32
        %dma_start3A_49 = tpu.memref_slice %arg6[%add3A_40, %dma_start3A_48] : memref<10240x128xf32, #tpu.memory_space<hbm>> -> memref<128x128xf32, #tpu.memory_space<hbm>>
        tpu.enqueue_dma source(%arg12 : memref<128x128xf32, #tpu.memory_space<vmem>>) target(%dma_start3A_49 : memref<128x128xf32, #tpu.memory_space<hbm>>) target_semaphore(%run_scoped3A_45 : memref<!tpu.dma_semaphore, #tpu.memory_space<semaphore_mem>>)
        %dma_wait3A = arith.constant 0 : i32
        %dma_wait3A_50 = tpu.memref_slice %arg6[%add3A_40, %dma_wait3A] : memref<10240x128xf32, #tpu.memory_space<hbm>> -> memref<128x128xf32, #tpu.memory_space<hbm>>
        %dma_wait3A_51 = arith.constant 0 : i32
        %dma_wait3A_52 = tpu.memref_slice %arg6[%add3A_40, %dma_wait3A_51] : memref<10240x128xf32, #tpu.memory_space<hbm>> -> memref<128x128xf32, #tpu.memory_space<hbm>>
        tpu.wait_dma2 semaphore(%run_scoped3A_45 : memref<!tpu.dma_semaphore, #tpu.memory_space<semaphore_mem>>) src(%arg12 : memref<128x128xf32, #tpu.memory_space<vmem>>) dst(%dma_wait3A_52 : memref<128x128xf32, #tpu.memory_space<hbm>>)
        tpu.yield
      }) : () -> ()
      %add3A_41 = arith.constant 384 : i32
      %add3A_42 = arith.addi %mul3A_0, %add3A_41 : i32
      "tpu.region"() ({
        %run_scoped3A_45 = tpu.sem_alloc : memref<!tpu.dma_semaphore, #tpu.memory_space<semaphore_mem>>
        %dma_start3A_46 = arith.constant 0 : i32
        %dma_start3A_47 = tpu.memref_slice %arg14[%add3A_42, %dma_start3A_46] : memref<10240x128xf32, #tpu.memory_space<vmem_shared>> -> memref<128x128xf32, #tpu.memory_space<vmem_shared>>
        %dma_start3A_48 = arith.constant 0 : i32
        %dma_start3A_49 = tpu.memref_slice %arg14[%add3A_42, %dma_start3A_48] : memref<10240x128xf32, #tpu.memory_space<vmem_shared>> -> memref<128x128xf32, #tpu.memory_space<vmem_shared>>
        tpu.enqueue_dma source(%dma_start3A_49 : memref<128x128xf32, #tpu.memory_space<vmem_shared>>) target(%arg12 : memref<128x128xf32, #tpu.memory_space<vmem>>) target_semaphore(%run_scoped3A_45 : memref<!tpu.dma_semaphore, #tpu.memory_space<semaphore_mem>>)
        %dma_wait3A = arith.constant 0 : i32
        %dma_wait3A_50 = tpu.memref_slice %arg14[%add3A_42, %dma_wait3A] : memref<10240x128xf32, #tpu.memory_space<vmem_shared>> -> memref<128x128xf32, #tpu.memory_space<vmem_shared>>
        %dma_wait3A_51 = arith.constant 0 : i32
        %dma_wait3A_52 = tpu.memref_slice %arg14[%add3A_42, %dma_wait3A_51] : memref<10240x128xf32, #tpu.memory_space<vmem_shared>> -> memref<128x128xf32, #tpu.memory_space<vmem_shared>>
        tpu.wait_dma2 semaphore(%run_scoped3A_45 : memref<!tpu.dma_semaphore, #tpu.memory_space<semaphore_mem>>) src(%dma_wait3A_52 : memref<128x128xf32, #tpu.memory_space<vmem_shared>>) dst(%arg12 : memref<128x128xf32, #tpu.memory_space<vmem>>)
        tpu.yield
      }) : () -> ()
      "tpu.region"() ({
        %run_scoped3A_45 = tpu.sem_alloc : memref<!tpu.dma_semaphore, #tpu.memory_space<semaphore_mem>>
        %dma_start3A_46 = arith.constant 0 : i32
        %dma_start3A_47 = tpu.memref_slice %arg6[%add3A_42, %dma_start3A_46] : memref<10240x128xf32, #tpu.memory_space<hbm>> -> memref<128x128xf32, #tpu.memory_space<hbm>>
        %dma_start3A_48 = arith.constant 0 : i32
        %dma_start3A_49 = tpu.memref_slice %arg6[%add3A_42, %dma_start3A_48] : memref<10240x128xf32, #tpu.memory_space<hbm>> -> memref<128x128xf32, #tpu.memory_space<hbm>>
        tpu.enqueue_dma source(%arg12 : memref<128x128xf32, #tpu.memory_space<vmem>>) target(%dma_start3A_49 : memref<128x128xf32, #tpu.memory_space<hbm>>) target_semaphore(%run_scoped3A_45 : memref<!tpu.dma_semaphore, #tpu.memory_space<semaphore_mem>>)
        %dma_wait3A = arith.constant 0 : i32
        %dma_wait3A_50 = tpu.memref_slice %arg6[%add3A_42, %dma_wait3A] : memref<10240x128xf32, #tpu.memory_space<hbm>> -> memref<128x128xf32, #tpu.memory_space<hbm>>
        %dma_wait3A_51 = arith.constant 0 : i32
        %dma_wait3A_52 = tpu.memref_slice %arg6[%add3A_42, %dma_wait3A_51] : memref<10240x128xf32, #tpu.memory_space<hbm>> -> memref<128x128xf32, #tpu.memory_space<hbm>>
        tpu.wait_dma2 semaphore(%run_scoped3A_45 : memref<!tpu.dma_semaphore, #tpu.memory_space<semaphore_mem>>) src(%arg12 : memref<128x128xf32, #tpu.memory_space<vmem>>) dst(%dma_wait3A_52 : memref<128x128xf32, #tpu.memory_space<hbm>>)
        tpu.yield
      }) : () -> ()
      %add3A_43 = arith.constant 512 : i32
      %add3A_44 = arith.addi %mul3A_0, %add3A_43 : i32
      "tpu.region"() ({
        %run_scoped3A_45 = tpu.sem_alloc : memref<!tpu.dma_semaphore, #tpu.memory_space<semaphore_mem>>
        %dma_start3A_46 = arith.constant 0 : i32
        %dma_start3A_47 = tpu.memref_slice %arg14[%add3A_44, %dma_start3A_46] : memref<10240x128xf32, #tpu.memory_space<vmem_shared>> -> memref<128x128xf32, #tpu.memory_space<vmem_shared>>
        %dma_start3A_48 = arith.constant 0 : i32
        %dma_start3A_49 = tpu.memref_slice %arg14[%add3A_44, %dma_start3A_48] : memref<10240x128xf32, #tpu.memory_space<vmem_shared>> -> memref<128x128xf32, #tpu.memory_space<vmem_shared>>
        tpu.enqueue_dma source(%dma_start3A_49 : memref<128x128xf32, #tpu.memory_space<vmem_shared>>) target(%arg12 : memref<128x128xf32, #tpu.memory_space<vmem>>) target_semaphore(%run_scoped3A_45 : memref<!tpu.dma_semaphore, #tpu.memory_space<semaphore_mem>>)
        %dma_wait3A = arith.constant 0 : i32
        %dma_wait3A_50 = tpu.memref_slice %arg14[%add3A_44, %dma_wait3A] : memref<10240x128xf32, #tpu.memory_space<vmem_shared>> -> memref<128x128xf32, #tpu.memory_space<vmem_shared>>
        %dma_wait3A_51 = arith.constant 0 : i32
        %dma_wait3A_52 = tpu.memref_slice %arg14[%add3A_44, %dma_wait3A_51] : memref<10240x128xf32, #tpu.memory_space<vmem_shared>> -> memref<128x128xf32, #tpu.memory_space<vmem_shared>>
        tpu.wait_dma2 semaphore(%run_scoped3A_45 : memref<!tpu.dma_semaphore, #tpu.memory_space<semaphore_mem>>) src(%dma_wait3A_52 : memref<128x128xf32, #tpu.memory_space<vmem_shared>>) dst(%arg12 : memref<128x128xf32, #tpu.memory_space<vmem>>)
        tpu.yield
      }) : () -> ()
      "tpu.region"() ({
        %run_scoped3A_45 = tpu.sem_alloc : memref<!tpu.dma_semaphore, #tpu.memory_space<semaphore_mem>>
        %dma_start3A_46 = arith.constant 0 : i32
        %dma_start3A_47 = tpu.memref_slice %arg6[%add3A_44, %dma_start3A_46] : memref<10240x128xf32, #tpu.memory_space<hbm>> -> memref<128x128xf32, #tpu.memory_space<hbm>>
        %dma_start3A_48 = arith.constant 0 : i32
        %dma_start3A_49 = tpu.memref_slice %arg6[%add3A_44, %dma_start3A_48] : memref<10240x128xf32, #tpu.memory_space<hbm>> -> memref<128x128xf32, #tpu.memory_space<hbm>>
        tpu.enqueue_dma source(%arg12 : memref<128x128xf32, #tpu.memory_space<vmem>>) target(%dma_start3A_49 : memref<128x128xf32, #tpu.memory_space<hbm>>) target_semaphore(%run_scoped3A_45 : memref<!tpu.dma_semaphore, #tpu.memory_space<semaphore_mem>>)
        %dma_wait3A = arith.constant 0 : i32
        %dma_wait3A_50 = tpu.memref_slice %arg6[%add3A_44, %dma_wait3A] : memref<10240x128xf32, #tpu.memory_space<hbm>> -> memref<128x128xf32, #tpu.memory_space<hbm>>
        %dma_wait3A_51 = arith.constant 0 : i32
        %dma_wait3A_52 = tpu.memref_slice %arg6[%add3A_44, %dma_wait3A_51] : memref<10240x128xf32, #tpu.memory_space<hbm>> -> memref<128x128xf32, #tpu.memory_space<hbm>>
        tpu.wait_dma2 semaphore(%run_scoped3A_45 : memref<!tpu.dma_semaphore, #tpu.memory_space<semaphore_mem>>) src(%arg12 : memref<128x128xf32, #tpu.memory_space<vmem>>) dst(%dma_wait3A_52 : memref<128x128xf32, #tpu.memory_space<hbm>>)
        tpu.yield
      }) : () -> ()
    } else {
    }
    %eq3A_19 = arith.constant 1 : i32
    %eq3A_20 = arith.cmpi eq, %arg0, %eq3A_19 : i32
    %convert_element_type3A_21 = arith.extui %eq3A_20 : i1 to i32
    %cond3A_22 = arith.constant 0 : i32
    %cond3A_23 = arith.cmpi ne, %convert_element_type3A_21, %cond3A_22 : i32
    scf.if %cond3A_23 {
      %run_scoped3A = arith.constant 0 : i32
      "tpu.region"() ({
        %run_scoped3A_45 = tpu.sem_alloc : memref<!tpu.dma_semaphore, #tpu.memory_space<semaphore_mem>>
        %dma_start3A_46 = arith.constant 0 : i32
        %dma_start3A_47 = tpu.memref_slice %arg4[%arg1, %run_scoped3A, %dma_start3A_46] : memref<16x160x128xi32, #tpu.memory_space<hbm>> -> memref<1x1x128xi32, #tpu.memory_space<hbm>>
        %dma_start3A_48 = tpu.memref_squeeze %dma_start3A_47 : memref<1x1x128xi32, #tpu.memory_space<hbm>> -> memref<128xi32, #tpu.memory_space<hbm>>
        %dma_start3A_49 = arith.constant 0 : i32
        %dma_start3A_50 = tpu.memref_slice %arg4[%arg1, %run_scoped3A, %dma_start3A_49] : memref<16x160x128xi32, #tpu.memory_space<hbm>> -> memref<1x1x128xi32, #tpu.memory_space<hbm>>
        %dma_start3A_51 = tpu.memref_squeeze %dma_start3A_50 : memref<1x1x128xi32, #tpu.memory_space<hbm>> -> memref<128xi32, #tpu.memory_space<hbm>>
        tpu.enqueue_dma source(%dma_start3A_51 : memref<128xi32, #tpu.memory_space<hbm>>) target(%arg8 : memref<128xi32, #tpu.memory_space<vmem>>) target_semaphore(%run_scoped3A_45 : memref<!tpu.dma_semaphore, #tpu.memory_space<semaphore_mem>>)
        %dma_wait3A = arith.constant 0 : i32
        %dma_wait3A_52 = tpu.memref_slice %arg4[%arg1, %run_scoped3A, %dma_wait3A] : memref<16x160x128xi32, #tpu.memory_space<hbm>> -> memref<1x1x128xi32, #tpu.memory_space<hbm>>
        %dma_wait3A_53 = tpu.memref_squeeze %dma_wait3A_52 : memref<1x1x128xi32, #tpu.memory_space<hbm>> -> memref<128xi32, #tpu.memory_space<hbm>>
        %dma_wait3A_54 = arith.constant 0 : i32
        %dma_wait3A_55 = tpu.memref_slice %arg4[%arg1, %run_scoped3A, %dma_wait3A_54] : memref<16x160x128xi32, #tpu.memory_space<hbm>> -> memref<1x1x128xi32, #tpu.memory_space<hbm>>
        %dma_wait3A_56 = tpu.memref_squeeze %dma_wait3A_55 : memref<1x1x128xi32, #tpu.memory_space<hbm>> -> memref<128xi32, #tpu.memory_space<hbm>>
        tpu.wait_dma2 semaphore(%run_scoped3A_45 : memref<!tpu.dma_semaphore, #tpu.memory_space<semaphore_mem>>) src(%dma_wait3A_56 : memref<128xi32, #tpu.memory_space<hbm>>) dst(%arg8 : memref<128xi32, #tpu.memory_space<vmem>>)
        tpu.yield
      }) : () -> ()
      %run_scoped3A_24 = arith.constant 0 : i32
      "tpu.region"() ({
        %run_scoped3A_45 = tpu.sem_alloc : memref<!tpu.dma_semaphore, #tpu.memory_space<semaphore_mem>>
        %dma_start3A_46 = arith.constant 0 : i32
        %dma_start3A_47 = tpu.memref_slice %arg5[%arg1, %run_scoped3A_24, %dma_start3A_46] : memref<16x160x128xi32, #tpu.memory_space<hbm>> -> memref<1x1x128xi32, #tpu.memory_space<hbm>>
        %dma_start3A_48 = tpu.memref_squeeze %dma_start3A_47 : memref<1x1x128xi32, #tpu.memory_space<hbm>> -> memref<128xi32, #tpu.memory_space<hbm>>
        %dma_start3A_49 = arith.constant 0 : i32
        %dma_start3A_50 = tpu.memref_slice %arg5[%arg1, %run_scoped3A_24, %dma_start3A_49] : memref<16x160x128xi32, #tpu.memory_space<hbm>> -> memref<1x1x128xi32, #tpu.memory_space<hbm>>
        %dma_start3A_51 = tpu.memref_squeeze %dma_start3A_50 : memref<1x1x128xi32, #tpu.memory_space<hbm>> -> memref<128xi32, #tpu.memory_space<hbm>>
        tpu.enqueue_dma source(%dma_start3A_51 : memref<128xi32, #tpu.memory_space<hbm>>) target(%arg10 : memref<128xi32, #tpu.memory_space<vmem>>) target_semaphore(%run_scoped3A_45 : memref<!tpu.dma_semaphore, #tpu.memory_space<semaphore_mem>>)
        %dma_wait3A = arith.constant 0 : i32
        %dma_wait3A_52 = tpu.memref_slice %arg5[%arg1, %run_scoped3A_24, %dma_wait3A] : memref<16x160x128xi32, #tpu.memory_space<hbm>> -> memref<1x1x128xi32, #tpu.memory_space<hbm>>
        %dma_wait3A_53 = tpu.memref_squeeze %dma_wait3A_52 : memref<1x1x128xi32, #tpu.memory_space<hbm>> -> memref<128xi32, #tpu.memory_space<hbm>>
        %dma_wait3A_54 = arith.constant 0 : i32
        %dma_wait3A_55 = tpu.memref_slice %arg5[%arg1, %run_scoped3A_24, %dma_wait3A_54] : memref<16x160x128xi32, #tpu.memory_space<hbm>> -> memref<1x1x128xi32, #tpu.memory_space<hbm>>
        %dma_wait3A_56 = tpu.memref_squeeze %dma_wait3A_55 : memref<1x1x128xi32, #tpu.memory_space<hbm>> -> memref<128xi32, #tpu.memory_space<hbm>>
        tpu.wait_dma2 semaphore(%run_scoped3A_45 : memref<!tpu.dma_semaphore, #tpu.memory_space<semaphore_mem>>) src(%dma_wait3A_56 : memref<128xi32, #tpu.memory_space<hbm>>) dst(%arg10 : memref<128xi32, #tpu.memory_space<vmem>>)
        tpu.yield
      }) : () -> ()
      %dma_start3A = arith.constant 0 : i32
      %dma_start3A_25 = arith.constant 0 : i32
      %dma_start3A_26 = tpu.memref_slice %arg3[%dma_start3A, %dma_start3A_25] : memref<10000x128xf32, #tpu.memory_space<hbm>> -> memref<10000x128xf32, #tpu.memory_space<hbm>>
      tpu.enqueue_indirect_dma source(%dma_start3A_26 : memref<10000x128xf32, #tpu.memory_space<hbm>>) target(%arg12 : memref<128x128xf32, #tpu.memory_space<vmem>>) offsets(%arg8 : memref<128xi32, #tpu.memory_space<vmem>>) semaphore(%arg15 : memref<!tpu.dma_semaphore, #tpu.memory_space<semaphore_mem>>)
      %scan3A_27 = arith.constant 0 : i32
      %scan3A_28 = arith.constant 0 : i32
      %scan3A_29 = arith.constant 80 : i32
      %scan3A_30 = arith.addi %scan3A_28, %scan3A_29 : i32
      %scan3A_31 = arith.constant 1 : i32
      %scan3A_32 = scf.for %scan3A_45 = %scan3A_28 to %scan3A_30 step %scan3A_31 iter_args(%scan3A_46 = %scan3A_27) -> (i32)  : i32 {
        %mul3A_47 = arith.constant 2 : i32
        %mul3A_48 = arith.muli %mul3A_47, %scan3A_45 : i32
        %mul3A_49 = arith.constant 2 : i32
        %mul3A_50 = arith.muli %mul3A_49, %scan3A_45 : i32
        %add3A_51 = arith.constant 1 : i32
        %add3A_52 = arith.addi %mul3A_50, %add3A_51 : i32
        %dma_start3A_53 = arith.constant 0 : i32
        %dma_start3A_54 = tpu.memref_slice %arg4[%arg1, %add3A_52, %dma_start3A_53] : memref<16x160x128xi32, #tpu.memory_space<hbm>> -> memref<1x1x128xi32, #tpu.memory_space<hbm>>
        %dma_start3A_55 = tpu.memref_squeeze %dma_start3A_54 : memref<1x1x128xi32, #tpu.memory_space<hbm>> -> memref<128xi32, #tpu.memory_space<hbm>>
        %dma_start3A_56 = arith.constant 0 : i32
        %dma_start3A_57 = tpu.memref_slice %arg4[%arg1, %add3A_52, %dma_start3A_56] : memref<16x160x128xi32, #tpu.memory_space<hbm>> -> memref<1x1x128xi32, #tpu.memory_space<hbm>>
        %dma_start3A_58 = tpu.memref_squeeze %dma_start3A_57 : memref<1x1x128xi32, #tpu.memory_space<hbm>> -> memref<128xi32, #tpu.memory_space<hbm>>
        tpu.enqueue_dma source(%dma_start3A_58 : memref<128xi32, #tpu.memory_space<hbm>>) target(%arg9 : memref<128xi32, #tpu.memory_space<vmem>>) target_semaphore(%arg16 : memref<!tpu.dma_semaphore, #tpu.memory_space<semaphore_mem>>)
        %dma_start3A_59 = arith.constant 0 : i32
        %dma_start3A_60 = tpu.memref_slice %arg5[%arg1, %add3A_52, %dma_start3A_59] : memref<16x160x128xi32, #tpu.memory_space<hbm>> -> memref<1x1x128xi32, #tpu.memory_space<hbm>>
        %dma_start3A_61 = tpu.memref_squeeze %dma_start3A_60 : memref<1x1x128xi32, #tpu.memory_space<hbm>> -> memref<128xi32, #tpu.memory_space<hbm>>
        %dma_start3A_62 = arith.constant 0 : i32
        %dma_start3A_63 = tpu.memref_slice %arg5[%arg1, %add3A_52, %dma_start3A_62] : memref<16x160x128xi32, #tpu.memory_space<hbm>> -> memref<1x1x128xi32, #tpu.memory_space<hbm>>
        %dma_start3A_64 = tpu.memref_squeeze %dma_start3A_63 : memref<1x1x128xi32, #tpu.memory_space<hbm>> -> memref<128xi32, #tpu.memory_space<hbm>>
        tpu.enqueue_dma source(%dma_start3A_64 : memref<128xi32, #tpu.memory_space<hbm>>) target(%arg11 : memref<128xi32, #tpu.memory_space<vmem>>) target_semaphore(%arg16 : memref<!tpu.dma_semaphore, #tpu.memory_space<semaphore_mem>>)
        %dma_wait3A = arith.constant 0 : i32
        %dma_wait3A_65 = tpu.memref_slice %arg4[%arg1, %add3A_52, %dma_wait3A] : memref<16x160x128xi32, #tpu.memory_space<hbm>> -> memref<1x1x128xi32, #tpu.memory_space<hbm>>
        %dma_wait3A_66 = tpu.memref_squeeze %dma_wait3A_65 : memref<1x1x128xi32, #tpu.memory_space<hbm>> -> memref<128xi32, #tpu.memory_space<hbm>>
        %dma_wait3A_67 = arith.constant 0 : i32
        %dma_wait3A_68 = tpu.memref_slice %arg4[%arg1, %add3A_52, %dma_wait3A_67] : memref<16x160x128xi32, #tpu.memory_space<hbm>> -> memref<1x1x128xi32, #tpu.memory_space<hbm>>
        %dma_wait3A_69 = tpu.memref_squeeze %dma_wait3A_68 : memref<1x1x128xi32, #tpu.memory_space<hbm>> -> memref<128xi32, #tpu.memory_space<hbm>>
        tpu.wait_dma2 semaphore(%arg16 : memref<!tpu.dma_semaphore, #tpu.memory_space<semaphore_mem>>) src(%dma_wait3A_69 : memref<128xi32, #tpu.memory_space<hbm>>) dst(%arg9 : memref<128xi32, #tpu.memory_space<vmem>>)
        %dma_wait3A_70 = arith.constant 0 : i32
        %dma_wait3A_71 = tpu.memref_slice %arg5[%arg1, %add3A_52, %dma_wait3A_70] : memref<16x160x128xi32, #tpu.memory_space<hbm>> -> memref<1x1x128xi32, #tpu.memory_space<hbm>>
        %dma_wait3A_72 = tpu.memref_squeeze %dma_wait3A_71 : memref<1x1x128xi32, #tpu.memory_space<hbm>> -> memref<128xi32, #tpu.memory_space<hbm>>
        %dma_wait3A_73 = arith.constant 0 : i32
        %dma_wait3A_74 = tpu.memref_slice %arg5[%arg1, %add3A_52, %dma_wait3A_73] : memref<16x160x128xi32, #tpu.memory_space<hbm>> -> memref<1x1x128xi32, #tpu.memory_space<hbm>>
        %dma_wait3A_75 = tpu.memref_squeeze %dma_wait3A_74 : memref<1x1x128xi32, #tpu.memory_space<hbm>> -> memref<128xi32, #tpu.memory_space<hbm>>
        tpu.wait_dma2 semaphore(%arg16 : memref<!tpu.dma_semaphore, #tpu.memory_space<semaphore_mem>>) src(%dma_wait3A_75 : memref<128xi32, #tpu.memory_space<hbm>>) dst(%arg11 : memref<128xi32, #tpu.memory_space<vmem>>)
        %dma_start3A_76 = arith.constant 0 : i32
        %dma_start3A_77 = arith.constant 0 : i32
        %dma_start3A_78 = tpu.memref_slice %arg3[%dma_start3A_76, %dma_start3A_77] : memref<10000x128xf32, #tpu.memory_space<hbm>> -> memref<10000x128xf32, #tpu.memory_space<hbm>>
        tpu.enqueue_indirect_dma source(%dma_start3A_78 : memref<10000x128xf32, #tpu.memory_space<hbm>>) target(%arg13 : memref<128x128xf32, #tpu.memory_space<vmem>>) offsets(%arg9 : memref<128xi32, #tpu.memory_space<vmem>>) semaphore(%arg15 : memref<!tpu.dma_semaphore, #tpu.memory_space<semaphore_mem>>)
        %dma_wait3A_79 = arith.constant 0 : i32
        %dma_wait3A_80 = arith.constant 0 : i32
        %dma_wait3A_81 = tpu.memref_slice %arg3[%dma_wait3A_79, %dma_wait3A_80] : memref<10000x128xf32, #tpu.memory_space<hbm>> -> memref<10000x128xf32, #tpu.memory_space<hbm>>
        tpu.wait_indirect_dma semaphore(%arg15 : memref<!tpu.dma_semaphore, #tpu.memory_space<semaphore_mem>>) src(%dma_wait3A_81 : memref<10000x128xf32, #tpu.memory_space<hbm>>) dst(%arg12 : memref<128x128xf32, #tpu.memory_space<vmem>>)
        "tpu.region"() ({
          %run_scoped3A_92 = tpu.sem_alloc : memref<!tpu.dma_semaphore, #tpu.memory_space<semaphore_mem>>
          %dma_start3A_93 = arith.constant 0 : i32
          %dma_start3A_94 = arith.constant 0 : i32
          %dma_start3A_95 = tpu.memref_slice %arg14[%dma_start3A_93, %dma_start3A_94] : memref<10240x128xf32, #tpu.memory_space<vmem_shared>> -> memref<10240x128xf32, #tpu.memory_space<vmem_shared>>
          tpu.enqueue_indirect_dma source(%arg12 : memref<128x128xf32, #tpu.memory_space<vmem>>) target(%dma_start3A_95 : memref<10240x128xf32, #tpu.memory_space<vmem_shared>>) offsets(%arg10 : memref<128xi32, #tpu.memory_space<vmem>>) semaphore(%run_scoped3A_92 : memref<!tpu.dma_semaphore, #tpu.memory_space<semaphore_mem>>) {add = true}
          %dma_wait3A_96 = arith.constant 0 : i32
          %dma_wait3A_97 = arith.constant 0 : i32
          %dma_wait3A_98 = tpu.memref_slice %arg14[%dma_wait3A_96, %dma_wait3A_97] : memref<10240x128xf32, #tpu.memory_space<vmem_shared>> -> memref<10240x128xf32, #tpu.memory_space<vmem_shared>>
          tpu.wait_indirect_dma semaphore(%run_scoped3A_92 : memref<!tpu.dma_semaphore, #tpu.memory_space<semaphore_mem>>) src(%arg12 : memref<128x128xf32, #tpu.memory_space<vmem>>) dst(%dma_wait3A_98 : memref<10240x128xf32, #tpu.memory_space<vmem_shared>>)
          tpu.yield
        }) : () -> ()
        %add3A_82 = arith.constant 1 : i32
        %add3A_83 = arith.addi %scan3A_45, %add3A_82 : i32
        %lt3A = arith.constant 80 : i32
        %lt3A_84 = arith.cmpi slt, %add3A_83, %lt3A : i32
        %convert_element_type3A_85 = arith.extui %lt3A_84 : i1 to i32
        %cond3A_86 = arith.constant 0 : i32
        %cond3A_87 = arith.cmpi ne, %convert_element_type3A_85, %cond3A_86 : i32
        scf.if %cond3A_87 {
          %add3A_92 = arith.constant 2 : i32
          %add3A_93 = arith.addi %mul3A_48, %add3A_92 : i32
          %dma_start3A_94 = arith.constant 0 : i32
          %dma_start3A_95 = tpu.memref_slice %arg4[%arg1, %add3A_93, %dma_start3A_94] : memref<16x160x128xi32, #tpu.memory_space<hbm>> -> memref<1x1x128xi32, #tpu.memory_space<hbm>>
          %dma_start3A_96 = tpu.memref_squeeze %dma_start3A_95 : memref<1x1x128xi32, #tpu.memory_space<hbm>> -> memref<128xi32, #tpu.memory_space<hbm>>
          %dma_start3A_97 = arith.constant 0 : i32
          %dma_start3A_98 = tpu.memref_slice %arg4[%arg1, %add3A_93, %dma_start3A_97] : memref<16x160x128xi32, #tpu.memory_space<hbm>> -> memref<1x1x128xi32, #tpu.memory_space<hbm>>
          %dma_start3A_99 = tpu.memref_squeeze %dma_start3A_98 : memref<1x1x128xi32, #tpu.memory_space<hbm>> -> memref<128xi32, #tpu.memory_space<hbm>>
          tpu.enqueue_dma source(%dma_start3A_99 : memref<128xi32, #tpu.memory_space<hbm>>) target(%arg8 : memref<128xi32, #tpu.memory_space<vmem>>) target_semaphore(%arg16 : memref<!tpu.dma_semaphore, #tpu.memory_space<semaphore_mem>>)
          %add3A_100 = arith.constant 2 : i32
          %add3A_101 = arith.addi %mul3A_48, %add3A_100 : i32
          %dma_start3A_102 = arith.constant 0 : i32
          %dma_start3A_103 = tpu.memref_slice %arg5[%arg1, %add3A_101, %dma_start3A_102] : memref<16x160x128xi32, #tpu.memory_space<hbm>> -> memref<1x1x128xi32, #tpu.memory_space<hbm>>
          %dma_start3A_104 = tpu.memref_squeeze %dma_start3A_103 : memref<1x1x128xi32, #tpu.memory_space<hbm>> -> memref<128xi32, #tpu.memory_space<hbm>>
          %dma_start3A_105 = arith.constant 0 : i32
          %dma_start3A_106 = tpu.memref_slice %arg5[%arg1, %add3A_101, %dma_start3A_105] : memref<16x160x128xi32, #tpu.memory_space<hbm>> -> memref<1x1x128xi32, #tpu.memory_space<hbm>>
          %dma_start3A_107 = tpu.memref_squeeze %dma_start3A_106 : memref<1x1x128xi32, #tpu.memory_space<hbm>> -> memref<128xi32, #tpu.memory_space<hbm>>
          tpu.enqueue_dma source(%dma_start3A_107 : memref<128xi32, #tpu.memory_space<hbm>>) target(%arg10 : memref<128xi32, #tpu.memory_space<vmem>>) target_semaphore(%arg16 : memref<!tpu.dma_semaphore, #tpu.memory_space<semaphore_mem>>)
          %add3A_108 = arith.constant 2 : i32
          %add3A_109 = arith.addi %mul3A_48, %add3A_108 : i32
          %dma_wait3A_110 = arith.constant 0 : i32
          %dma_wait3A_111 = tpu.memref_slice %arg4[%arg1, %add3A_109, %dma_wait3A_110] : memref<16x160x128xi32, #tpu.memory_space<hbm>> -> memref<1x1x128xi32, #tpu.memory_space<hbm>>
          %dma_wait3A_112 = tpu.memref_squeeze %dma_wait3A_111 : memref<1x1x128xi32, #tpu.memory_space<hbm>> -> memref<128xi32, #tpu.memory_space<hbm>>
          %dma_wait3A_113 = arith.constant 0 : i32
          %dma_wait3A_114 = tpu.memref_slice %arg4[%arg1, %add3A_109, %dma_wait3A_113] : memref<16x160x128xi32, #tpu.memory_space<hbm>> -> memref<1x1x128xi32, #tpu.memory_space<hbm>>
          %dma_wait3A_115 = tpu.memref_squeeze %dma_wait3A_114 : memref<1x1x128xi32, #tpu.memory_space<hbm>> -> memref<128xi32, #tpu.memory_space<hbm>>
          tpu.wait_dma2 semaphore(%arg16 : memref<!tpu.dma_semaphore, #tpu.memory_space<semaphore_mem>>) src(%dma_wait3A_115 : memref<128xi32, #tpu.memory_space<hbm>>) dst(%arg8 : memref<128xi32, #tpu.memory_space<vmem>>)
          %add3A_116 = arith.constant 2 : i32
          %add3A_117 = arith.addi %mul3A_48, %add3A_116 : i32
          %dma_wait3A_118 = arith.constant 0 : i32
          %dma_wait3A_119 = tpu.memref_slice %arg5[%arg1, %add3A_117, %dma_wait3A_118] : memref<16x160x128xi32, #tpu.memory_space<hbm>> -> memref<1x1x128xi32, #tpu.memory_space<hbm>>
          %dma_wait3A_120 = tpu.memref_squeeze %dma_wait3A_119 : memref<1x1x128xi32, #tpu.memory_space<hbm>> -> memref<128xi32, #tpu.memory_space<hbm>>
          %dma_wait3A_121 = arith.constant 0 : i32
          %dma_wait3A_122 = tpu.memref_slice %arg5[%arg1, %add3A_117, %dma_wait3A_121] : memref<16x160x128xi32, #tpu.memory_space<hbm>> -> memref<1x1x128xi32, #tpu.memory_space<hbm>>
          %dma_wait3A_123 = tpu.memref_squeeze %dma_wait3A_122 : memref<1x1x128xi32, #tpu.memory_space<hbm>> -> memref<128xi32, #tpu.memory_space<hbm>>
          tpu.wait_dma2 semaphore(%arg16 : memref<!tpu.dma_semaphore, #tpu.memory_space<semaphore_mem>>) src(%dma_wait3A_123 : memref<128xi32, #tpu.memory_space<hbm>>) dst(%arg10 : memref<128xi32, #tpu.memory_space<vmem>>)
          %dma_start3A_124 = arith.constant 0 : i32
          %dma_start3A_125 = arith.constant 0 : i32
          %dma_start3A_126 = tpu.memref_slice %arg3[%dma_start3A_124, %dma_start3A_125] : memref<10000x128xf32, #tpu.memory_space<hbm>> -> memref<10000x128xf32, #tpu.memory_space<hbm>>
          tpu.enqueue_indirect_dma source(%dma_start3A_126 : memref<10000x128xf32, #tpu.memory_space<hbm>>) target(%arg12 : memref<128x128xf32, #tpu.memory_space<vmem>>) offsets(%arg8 : memref<128xi32, #tpu.memory_space<vmem>>) semaphore(%arg15 : memref<!tpu.dma_semaphore, #tpu.memory_space<semaphore_mem>>)
        } else {
        }
        %dma_wait3A_88 = arith.constant 0 : i32
        %dma_wait3A_89 = arith.constant 0 : i32
        %dma_wait3A_90 = tpu.memref_slice %arg3[%dma_wait3A_88, %dma_wait3A_89] : memref<10000x128xf32, #tpu.memory_space<hbm>> -> memref<10000x128xf32, #tpu.memory_space<hbm>>
        tpu.wait_indirect_dma semaphore(%arg15 : memref<!tpu.dma_semaphore, #tpu.memory_space<semaphore_mem>>) src(%dma_wait3A_90 : memref<10000x128xf32, #tpu.memory_space<hbm>>) dst(%arg13 : memref<128x128xf32, #tpu.memory_space<vmem>>)
        "tpu.region"() ({
          %run_scoped3A_92 = tpu.sem_alloc : memref<!tpu.dma_semaphore, #tpu.memory_space<semaphore_mem>>
          %dma_start3A_93 = arith.constant 0 : i32
          %dma_start3A_94 = arith.constant 0 : i32
          %dma_start3A_95 = tpu.memref_slice %arg14[%dma_start3A_93, %dma_start3A_94] : memref<10240x128xf32, #tpu.memory_space<vmem_shared>> -> memref<10240x128xf32, #tpu.memory_space<vmem_shared>>
          tpu.enqueue_indirect_dma source(%arg13 : memref<128x128xf32, #tpu.memory_space<vmem>>) target(%dma_start3A_95 : memref<10240x128xf32, #tpu.memory_space<vmem_shared>>) offsets(%arg11 : memref<128xi32, #tpu.memory_space<vmem>>) semaphore(%run_scoped3A_92 : memref<!tpu.dma_semaphore, #tpu.memory_space<semaphore_mem>>) {add = true}
          %dma_wait3A_96 = arith.constant 0 : i32
          %dma_wait3A_97 = arith.constant 0 : i32
          %dma_wait3A_98 = tpu.memref_slice %arg14[%dma_wait3A_96, %dma_wait3A_97] : memref<10240x128xf32, #tpu.memory_space<vmem_shared>> -> memref<10240x128xf32, #tpu.memory_space<vmem_shared>>
          tpu.wait_indirect_dma semaphore(%run_scoped3A_92 : memref<!tpu.dma_semaphore, #tpu.memory_space<semaphore_mem>>) src(%arg13 : memref<128x128xf32, #tpu.memory_space<vmem>>) dst(%dma_wait3A_98 : memref<10240x128xf32, #tpu.memory_space<vmem_shared>>)
          tpu.yield
        }) : () -> ()
        %scan3A_91 = arith.constant 0 : i32
        scf.yield %scan3A_91 : i32
      }
      %scan3A_33 = arith.constant 80 : i32
      %barrier3A_34 = arith.constant 0 : index
      tpu.barrier barrier_id(%barrier3A_34)
      %add3A_35 = arith.constant 0 : i32
      %add3A_36 = arith.addi %mul3A_0, %add3A_35 : i32
      "tpu.region"() ({
        %run_scoped3A_45 = tpu.sem_alloc : memref<!tpu.dma_semaphore, #tpu.memory_space<semaphore_mem>>
        %dma_start3A_46 = arith.constant 0 : i32
        %dma_start3A_47 = tpu.memref_slice %arg14[%add3A_36, %dma_start3A_46] : memref<10240x128xf32, #tpu.memory_space<vmem_shared>> -> memref<128x128xf32, #tpu.memory_space<vmem_shared>>
        %dma_start3A_48 = arith.constant 0 : i32
        %dma_start3A_49 = tpu.memref_slice %arg14[%add3A_36, %dma_start3A_48] : memref<10240x128xf32, #tpu.memory_space<vmem_shared>> -> memref<128x128xf32, #tpu.memory_space<vmem_shared>>
        tpu.enqueue_dma source(%dma_start3A_49 : memref<128x128xf32, #tpu.memory_space<vmem_shared>>) target(%arg12 : memref<128x128xf32, #tpu.memory_space<vmem>>) target_semaphore(%run_scoped3A_45 : memref<!tpu.dma_semaphore, #tpu.memory_space<semaphore_mem>>)
        %dma_wait3A = arith.constant 0 : i32
        %dma_wait3A_50 = tpu.memref_slice %arg14[%add3A_36, %dma_wait3A] : memref<10240x128xf32, #tpu.memory_space<vmem_shared>> -> memref<128x128xf32, #tpu.memory_space<vmem_shared>>
        %dma_wait3A_51 = arith.constant 0 : i32
        %dma_wait3A_52 = tpu.memref_slice %arg14[%add3A_36, %dma_wait3A_51] : memref<10240x128xf32, #tpu.memory_space<vmem_shared>> -> memref<128x128xf32, #tpu.memory_space<vmem_shared>>
        tpu.wait_dma2 semaphore(%run_scoped3A_45 : memref<!tpu.dma_semaphore, #tpu.memory_space<semaphore_mem>>) src(%dma_wait3A_52 : memref<128x128xf32, #tpu.memory_space<vmem_shared>>) dst(%arg12 : memref<128x128xf32, #tpu.memory_space<vmem>>)
        tpu.yield
      }) : () -> ()
      "tpu.region"() ({
        %run_scoped3A_45 = tpu.sem_alloc : memref<!tpu.dma_semaphore, #tpu.memory_space<semaphore_mem>>
        %dma_start3A_46 = arith.constant 0 : i32
        %dma_start3A_47 = tpu.memref_slice %arg7[%add3A_36, %dma_start3A_46] : memref<10240x128xf32, #tpu.memory_space<hbm>> -> memref<128x128xf32, #tpu.memory_space<hbm>>
        %dma_start3A_48 = arith.constant 0 : i32
        %dma_start3A_49 = tpu.memref_slice %arg7[%add3A_36, %dma_start3A_48] : memref<10240x128xf32, #tpu.memory_space<hbm>> -> memref<128x128xf32, #tpu.memory_space<hbm>>
        tpu.enqueue_dma source(%arg12 : memref<128x128xf32, #tpu.memory_space<vmem>>) target(%dma_start3A_49 : memref<128x128xf32, #tpu.memory_space<hbm>>) target_semaphore(%run_scoped3A_45 : memref<!tpu.dma_semaphore, #tpu.memory_space<semaphore_mem>>)
        %dma_wait3A = arith.constant 0 : i32
        %dma_wait3A_50 = tpu.memref_slice %arg7[%add3A_36, %dma_wait3A] : memref<10240x128xf32, #tpu.memory_space<hbm>> -> memref<128x128xf32, #tpu.memory_space<hbm>>
        %dma_wait3A_51 = arith.constant 0 : i32
        %dma_wait3A_52 = tpu.memref_slice %arg7[%add3A_36, %dma_wait3A_51] : memref<10240x128xf32, #tpu.memory_space<hbm>> -> memref<128x128xf32, #tpu.memory_space<hbm>>
        tpu.wait_dma2 semaphore(%run_scoped3A_45 : memref<!tpu.dma_semaphore, #tpu.memory_space<semaphore_mem>>) src(%arg12 : memref<128x128xf32, #tpu.memory_space<vmem>>) dst(%dma_wait3A_52 : memref<128x128xf32, #tpu.memory_space<hbm>>)
        tpu.yield
      }) : () -> ()
      %add3A_37 = arith.constant 128 : i32
      %add3A_38 = arith.addi %mul3A_0, %add3A_37 : i32
      "tpu.region"() ({
        %run_scoped3A_45 = tpu.sem_alloc : memref<!tpu.dma_semaphore, #tpu.memory_space<semaphore_mem>>
        %dma_start3A_46 = arith.constant 0 : i32
        %dma_start3A_47 = tpu.memref_slice %arg14[%add3A_38, %dma_start3A_46] : memref<10240x128xf32, #tpu.memory_space<vmem_shared>> -> memref<128x128xf32, #tpu.memory_space<vmem_shared>>
        %dma_start3A_48 = arith.constant 0 : i32
        %dma_start3A_49 = tpu.memref_slice %arg14[%add3A_38, %dma_start3A_48] : memref<10240x128xf32, #tpu.memory_space<vmem_shared>> -> memref<128x128xf32, #tpu.memory_space<vmem_shared>>
        tpu.enqueue_dma source(%dma_start3A_49 : memref<128x128xf32, #tpu.memory_space<vmem_shared>>) target(%arg12 : memref<128x128xf32, #tpu.memory_space<vmem>>) target_semaphore(%run_scoped3A_45 : memref<!tpu.dma_semaphore, #tpu.memory_space<semaphore_mem>>)
        %dma_wait3A = arith.constant 0 : i32
        %dma_wait3A_50 = tpu.memref_slice %arg14[%add3A_38, %dma_wait3A] : memref<10240x128xf32, #tpu.memory_space<vmem_shared>> -> memref<128x128xf32, #tpu.memory_space<vmem_shared>>
        %dma_wait3A_51 = arith.constant 0 : i32
        %dma_wait3A_52 = tpu.memref_slice %arg14[%add3A_38, %dma_wait3A_51] : memref<10240x128xf32, #tpu.memory_space<vmem_shared>> -> memref<128x128xf32, #tpu.memory_space<vmem_shared>>
        tpu.wait_dma2 semaphore(%run_scoped3A_45 : memref<!tpu.dma_semaphore, #tpu.memory_space<semaphore_mem>>) src(%dma_wait3A_52 : memref<128x128xf32, #tpu.memory_space<vmem_shared>>) dst(%arg12 : memref<128x128xf32, #tpu.memory_space<vmem>>)
        tpu.yield
      }) : () -> ()
      "tpu.region"() ({
        %run_scoped3A_45 = tpu.sem_alloc : memref<!tpu.dma_semaphore, #tpu.memory_space<semaphore_mem>>
        %dma_start3A_46 = arith.constant 0 : i32
        %dma_start3A_47 = tpu.memref_slice %arg7[%add3A_38, %dma_start3A_46] : memref<10240x128xf32, #tpu.memory_space<hbm>> -> memref<128x128xf32, #tpu.memory_space<hbm>>
        %dma_start3A_48 = arith.constant 0 : i32
        %dma_start3A_49 = tpu.memref_slice %arg7[%add3A_38, %dma_start3A_48] : memref<10240x128xf32, #tpu.memory_space<hbm>> -> memref<128x128xf32, #tpu.memory_space<hbm>>
        tpu.enqueue_dma source(%arg12 : memref<128x128xf32, #tpu.memory_space<vmem>>) target(%dma_start3A_49 : memref<128x128xf32, #tpu.memory_space<hbm>>) target_semaphore(%run_scoped3A_45 : memref<!tpu.dma_semaphore, #tpu.memory_space<semaphore_mem>>)
        %dma_wait3A = arith.constant 0 : i32
        %dma_wait3A_50 = tpu.memref_slice %arg7[%add3A_38, %dma_wait3A] : memref<10240x128xf32, #tpu.memory_space<hbm>> -> memref<128x128xf32, #tpu.memory_space<hbm>>
        %dma_wait3A_51 = arith.constant 0 : i32
        %dma_wait3A_52 = tpu.memref_slice %arg7[%add3A_38, %dma_wait3A_51] : memref<10240x128xf32, #tpu.memory_space<hbm>> -> memref<128x128xf32, #tpu.memory_space<hbm>>
        tpu.wait_dma2 semaphore(%run_scoped3A_45 : memref<!tpu.dma_semaphore, #tpu.memory_space<semaphore_mem>>) src(%arg12 : memref<128x128xf32, #tpu.memory_space<vmem>>) dst(%dma_wait3A_52 : memref<128x128xf32, #tpu.memory_space<hbm>>)
        tpu.yield
      }) : () -> ()
      %add3A_39 = arith.constant 256 : i32
      %add3A_40 = arith.addi %mul3A_0, %add3A_39 : i32
      "tpu.region"() ({
        %run_scoped3A_45 = tpu.sem_alloc : memref<!tpu.dma_semaphore, #tpu.memory_space<semaphore_mem>>
        %dma_start3A_46 = arith.constant 0 : i32
        %dma_start3A_47 = tpu.memref_slice %arg14[%add3A_40, %dma_start3A_46] : memref<10240x128xf32, #tpu.memory_space<vmem_shared>> -> memref<128x128xf32, #tpu.memory_space<vmem_shared>>
        %dma_start3A_48 = arith.constant 0 : i32
        %dma_start3A_49 = tpu.memref_slice %arg14[%add3A_40, %dma_start3A_48] : memref<10240x128xf32, #tpu.memory_space<vmem_shared>> -> memref<128x128xf32, #tpu.memory_space<vmem_shared>>
        tpu.enqueue_dma source(%dma_start3A_49 : memref<128x128xf32, #tpu.memory_space<vmem_shared>>) target(%arg12 : memref<128x128xf32, #tpu.memory_space<vmem>>) target_semaphore(%run_scoped3A_45 : memref<!tpu.dma_semaphore, #tpu.memory_space<semaphore_mem>>)
        %dma_wait3A = arith.constant 0 : i32
        %dma_wait3A_50 = tpu.memref_slice %arg14[%add3A_40, %dma_wait3A] : memref<10240x128xf32, #tpu.memory_space<vmem_shared>> -> memref<128x128xf32, #tpu.memory_space<vmem_shared>>
        %dma_wait3A_51 = arith.constant 0 : i32
        %dma_wait3A_52 = tpu.memref_slice %arg14[%add3A_40, %dma_wait3A_51] : memref<10240x128xf32, #tpu.memory_space<vmem_shared>> -> memref<128x128xf32, #tpu.memory_space<vmem_shared>>
        tpu.wait_dma2 semaphore(%run_scoped3A_45 : memref<!tpu.dma_semaphore, #tpu.memory_space<semaphore_mem>>) src(%dma_wait3A_52 : memref<128x128xf32, #tpu.memory_space<vmem_shared>>) dst(%arg12 : memref<128x128xf32, #tpu.memory_space<vmem>>)
        tpu.yield
      }) : () -> ()
      "tpu.region"() ({
        %run_scoped3A_45 = tpu.sem_alloc : memref<!tpu.dma_semaphore, #tpu.memory_space<semaphore_mem>>
        %dma_start3A_46 = arith.constant 0 : i32
        %dma_start3A_47 = tpu.memref_slice %arg7[%add3A_40, %dma_start3A_46] : memref<10240x128xf32, #tpu.memory_space<hbm>> -> memref<128x128xf32, #tpu.memory_space<hbm>>
        %dma_start3A_48 = arith.constant 0 : i32
        %dma_start3A_49 = tpu.memref_slice %arg7[%add3A_40, %dma_start3A_48] : memref<10240x128xf32, #tpu.memory_space<hbm>> -> memref<128x128xf32, #tpu.memory_space<hbm>>
        tpu.enqueue_dma source(%arg12 : memref<128x128xf32, #tpu.memory_space<vmem>>) target(%dma_start3A_49 : memref<128x128xf32, #tpu.memory_space<hbm>>) target_semaphore(%run_scoped3A_45 : memref<!tpu.dma_semaphore, #tpu.memory_space<semaphore_mem>>)
        %dma_wait3A = arith.constant 0 : i32
        %dma_wait3A_50 = tpu.memref_slice %arg7[%add3A_40, %dma_wait3A] : memref<10240x128xf32, #tpu.memory_space<hbm>> -> memref<128x128xf32, #tpu.memory_space<hbm>>
        %dma_wait3A_51 = arith.constant 0 : i32
        %dma_wait3A_52 = tpu.memref_slice %arg7[%add3A_40, %dma_wait3A_51] : memref<10240x128xf32, #tpu.memory_space<hbm>> -> memref<128x128xf32, #tpu.memory_space<hbm>>
        tpu.wait_dma2 semaphore(%run_scoped3A_45 : memref<!tpu.dma_semaphore, #tpu.memory_space<semaphore_mem>>) src(%arg12 : memref<128x128xf32, #tpu.memory_space<vmem>>) dst(%dma_wait3A_52 : memref<128x128xf32, #tpu.memory_space<hbm>>)
        tpu.yield
      }) : () -> ()
      %add3A_41 = arith.constant 384 : i32
      %add3A_42 = arith.addi %mul3A_0, %add3A_41 : i32
      "tpu.region"() ({
        %run_scoped3A_45 = tpu.sem_alloc : memref<!tpu.dma_semaphore, #tpu.memory_space<semaphore_mem>>
        %dma_start3A_46 = arith.constant 0 : i32
        %dma_start3A_47 = tpu.memref_slice %arg14[%add3A_42, %dma_start3A_46] : memref<10240x128xf32, #tpu.memory_space<vmem_shared>> -> memref<128x128xf32, #tpu.memory_space<vmem_shared>>
        %dma_start3A_48 = arith.constant 0 : i32
        %dma_start3A_49 = tpu.memref_slice %arg14[%add3A_42, %dma_start3A_48] : memref<10240x128xf32, #tpu.memory_space<vmem_shared>> -> memref<128x128xf32, #tpu.memory_space<vmem_shared>>
        tpu.enqueue_dma source(%dma_start3A_49 : memref<128x128xf32, #tpu.memory_space<vmem_shared>>) target(%arg12 : memref<128x128xf32, #tpu.memory_space<vmem>>) target_semaphore(%run_scoped3A_45 : memref<!tpu.dma_semaphore, #tpu.memory_space<semaphore_mem>>)
        %dma_wait3A = arith.constant 0 : i32
        %dma_wait3A_50 = tpu.memref_slice %arg14[%add3A_42, %dma_wait3A] : memref<10240x128xf32, #tpu.memory_space<vmem_shared>> -> memref<128x128xf32, #tpu.memory_space<vmem_shared>>
        %dma_wait3A_51 = arith.constant 0 : i32
        %dma_wait3A_52 = tpu.memref_slice %arg14[%add3A_42, %dma_wait3A_51] : memref<10240x128xf32, #tpu.memory_space<vmem_shared>> -> memref<128x128xf32, #tpu.memory_space<vmem_shared>>
        tpu.wait_dma2 semaphore(%run_scoped3A_45 : memref<!tpu.dma_semaphore, #tpu.memory_space<semaphore_mem>>) src(%dma_wait3A_52 : memref<128x128xf32, #tpu.memory_space<vmem_shared>>) dst(%arg12 : memref<128x128xf32, #tpu.memory_space<vmem>>)
        tpu.yield
      }) : () -> ()
      "tpu.region"() ({
        %run_scoped3A_45 = tpu.sem_alloc : memref<!tpu.dma_semaphore, #tpu.memory_space<semaphore_mem>>
        %dma_start3A_46 = arith.constant 0 : i32
        %dma_start3A_47 = tpu.memref_slice %arg7[%add3A_42, %dma_start3A_46] : memref<10240x128xf32, #tpu.memory_space<hbm>> -> memref<128x128xf32, #tpu.memory_space<hbm>>
        %dma_start3A_48 = arith.constant 0 : i32
        %dma_start3A_49 = tpu.memref_slice %arg7[%add3A_42, %dma_start3A_48] : memref<10240x128xf32, #tpu.memory_space<hbm>> -> memref<128x128xf32, #tpu.memory_space<hbm>>
        tpu.enqueue_dma source(%arg12 : memref<128x128xf32, #tpu.memory_space<vmem>>) target(%dma_start3A_49 : memref<128x128xf32, #tpu.memory_space<hbm>>) target_semaphore(%run_scoped3A_45 : memref<!tpu.dma_semaphore, #tpu.memory_space<semaphore_mem>>)
        %dma_wait3A = arith.constant 0 : i32
        %dma_wait3A_50 = tpu.memref_slice %arg7[%add3A_42, %dma_wait3A] : memref<10240x128xf32, #tpu.memory_space<hbm>> -> memref<128x128xf32, #tpu.memory_space<hbm>>
        %dma_wait3A_51 = arith.constant 0 : i32
        %dma_wait3A_52 = tpu.memref_slice %arg7[%add3A_42, %dma_wait3A_51] : memref<10240x128xf32, #tpu.memory_space<hbm>> -> memref<128x128xf32, #tpu.memory_space<hbm>>
        tpu.wait_dma2 semaphore(%run_scoped3A_45 : memref<!tpu.dma_semaphore, #tpu.memory_space<semaphore_mem>>) src(%arg12 : memref<128x128xf32, #tpu.memory_space<vmem>>) dst(%dma_wait3A_52 : memref<128x128xf32, #tpu.memory_space<hbm>>)
        tpu.yield
      }) : () -> ()
      %add3A_43 = arith.constant 512 : i32
      %add3A_44 = arith.addi %mul3A_0, %add3A_43 : i32
      "tpu.region"() ({
        %run_scoped3A_45 = tpu.sem_alloc : memref<!tpu.dma_semaphore, #tpu.memory_space<semaphore_mem>>
        %dma_start3A_46 = arith.constant 0 : i32
        %dma_start3A_47 = tpu.memref_slice %arg14[%add3A_44, %dma_start3A_46] : memref<10240x128xf32, #tpu.memory_space<vmem_shared>> -> memref<128x128xf32, #tpu.memory_space<vmem_shared>>
        %dma_start3A_48 = arith.constant 0 : i32
        %dma_start3A_49 = tpu.memref_slice %arg14[%add3A_44, %dma_start3A_48] : memref<10240x128xf32, #tpu.memory_space<vmem_shared>> -> memref<128x128xf32, #tpu.memory_space<vmem_shared>>
        tpu.enqueue_dma source(%dma_start3A_49 : memref<128x128xf32, #tpu.memory_space<vmem_shared>>) target(%arg12 : memref<128x128xf32, #tpu.memory_space<vmem>>) target_semaphore(%run_scoped3A_45 : memref<!tpu.dma_semaphore, #tpu.memory_space<semaphore_mem>>)
        %dma_wait3A = arith.constant 0 : i32
        %dma_wait3A_50 = tpu.memref_slice %arg14[%add3A_44, %dma_wait3A] : memref<10240x128xf32, #tpu.memory_space<vmem_shared>> -> memref<128x128xf32, #tpu.memory_space<vmem_shared>>
        %dma_wait3A_51 = arith.constant 0 : i32
        %dma_wait3A_52 = tpu.memref_slice %arg14[%add3A_44, %dma_wait3A_51] : memref<10240x128xf32, #tpu.memory_space<vmem_shared>> -> memref<128x128xf32, #tpu.memory_space<vmem_shared>>
        tpu.wait_dma2 semaphore(%run_scoped3A_45 : memref<!tpu.dma_semaphore, #tpu.memory_space<semaphore_mem>>) src(%dma_wait3A_52 : memref<128x128xf32, #tpu.memory_space<vmem_shared>>) dst(%arg12 : memref<128x128xf32, #tpu.memory_space<vmem>>)
        tpu.yield
      }) : () -> ()
      "tpu.region"() ({
        %run_scoped3A_45 = tpu.sem_alloc : memref<!tpu.dma_semaphore, #tpu.memory_space<semaphore_mem>>
        %dma_start3A_46 = arith.constant 0 : i32
        %dma_start3A_47 = tpu.memref_slice %arg7[%add3A_44, %dma_start3A_46] : memref<10240x128xf32, #tpu.memory_space<hbm>> -> memref<128x128xf32, #tpu.memory_space<hbm>>
        %dma_start3A_48 = arith.constant 0 : i32
        %dma_start3A_49 = tpu.memref_slice %arg7[%add3A_44, %dma_start3A_48] : memref<10240x128xf32, #tpu.memory_space<hbm>> -> memref<128x128xf32, #tpu.memory_space<hbm>>
        tpu.enqueue_dma source(%arg12 : memref<128x128xf32, #tpu.memory_space<vmem>>) target(%dma_start3A_49 : memref<128x128xf32, #tpu.memory_space<hbm>>) target_semaphore(%run_scoped3A_45 : memref<!tpu.dma_semaphore, #tpu.memory_space<semaphore_mem>>)
        %dma_wait3A = arith.constant 0 : i32
        %dma_wait3A_50 = tpu.memref_slice %arg7[%add3A_44, %dma_wait3A] : memref<10240x128xf32, #tpu.memory_space<hbm>> -> memref<128x128xf32, #tpu.memory_space<hbm>>
        %dma_wait3A_51 = arith.constant 0 : i32
        %dma_wait3A_52 = tpu.memref_slice %arg7[%add3A_44, %dma_wait3A_51] : memref<10240x128xf32, #tpu.memory_space<hbm>> -> memref<128x128xf32, #tpu.memory_space<hbm>>
        tpu.wait_dma2 semaphore(%run_scoped3A_45 : memref<!tpu.dma_semaphore, #tpu.memory_space<semaphore_mem>>) src(%arg12 : memref<128x128xf32, #tpu.memory_space<vmem>>) dst(%dma_wait3A_52 : memref<128x128xf32, #tpu.memory_space<hbm>>)
        tpu.yield
      }) : () -> ()
    } else {
    }
    return
  }
}

module attributes {stable_mosaic.version = 14 : i64} {
  func.func @body(%arg0: memref<10000x1xf32, #tpu.memory_space<vmem>>, %arg1: memref<10000x1xf32, #tpu.memory_space<vmem>>, %arg2: memref<10000x128xf32, #tpu.memory_space<vmem>>, %arg3: memref<10000x128xf32, #tpu.memory_space<vmem>>, %arg4: memref<10000x1xf32, #tpu.memory_space<vmem>>) attributes {dimension_semantics = [], scalar_prefetch = 0 : i64, scratch_operands = 0 : i64, tpu.core_type = #tpu.core_type<tc>} {
    %get3A = arith.constant 0 : index
    %get3A_0 = arith.constant 0 : index
    %get3A_1 = vector.load %arg0[%get3A, %get3A_0] : memref<10000x1xf32, #tpu.memory_space<vmem>>, vector<10000x1xf32>
    %add3A = arith.constant 1.000000e+00 : f32
    %add3A_2 = vector.broadcast %add3A : f32 to vector<10000x1xf32>
    %add3A_3 = arith.addf %add3A_2, %get3A_1 : vector<10000x1xf32>
    %get3A_4 = arith.constant 0 : index
    %get3A_5 = arith.constant 0 : index
    %get3A_6 = vector.load %arg1[%get3A_4, %get3A_5] : memref<10000x1xf32, #tpu.memory_space<vmem>>, vector<10000x1xf32>
    %add3A_7 = arith.addf %add3A_3, %get3A_6 : vector<10000x1xf32>
    %rsqrt3A = math.rsqrt %add3A_7 : vector<10000x1xf32>
    %swap3A = arith.constant 0 : index
    %swap3A_8 = arith.constant 0 : index
    %swap3A_9 = vector.load %arg4[%swap3A, %swap3A_8] : memref<10000x1xf32, #tpu.memory_space<vmem>>, vector<10000x1xf32>
    tpu.vector_store %arg4[%swap3A, %swap3A_8], %rsqrt3A {strides = array<i32>} : memref<10000x1xf32, #tpu.memory_space<vmem>>, vector<10000x1xf32>,
    %get3A_10 = arith.constant 0 : index
    %get3A_11 = arith.constant 0 : index
    %get3A_12 = vector.load %arg2[%get3A_10, %get3A_11] : memref<10000x128xf32, #tpu.memory_space<vmem>>, vector<10000x128xf32>
    %mul3A = vector.broadcast %rsqrt3A : vector<10000x1xf32> to vector<10000x128xf32>
    %mul3A_13 = arith.mulf %get3A_12, %mul3A : vector<10000x128xf32>
    %swap3A_14 = arith.constant 0 : index
    %swap3A_15 = arith.constant 0 : index
    %swap3A_16 = vector.load %arg3[%swap3A_14, %swap3A_15] : memref<10000x128xf32, #tpu.memory_space<vmem>>, vector<10000x128xf32>
    tpu.vector_store %arg3[%swap3A_14, %swap3A_15], %mul3A_13 {strides = array<i32>} : memref<10000x128xf32, #tpu.memory_space<vmem>>, vector<10000x128xf32>,
    return
  }
}

module attributes {stable_mosaic.version = 14 : i64} {
  func.func @body(%arg0: i32, %arg1: memref<2000x128xf32, #tpu.memory_space<vmem>>, %arg2: memref<2000x128xf32, #tpu.memory_space<vmem>>, %arg3: memref<2000x128xf32, #tpu.memory_space<vmem>>, %arg4: memref<2000x1xf32, #tpu.memory_space<vmem>>, %arg5: memref<128x256xf32, #tpu.memory_space<vmem>>, %arg6: memref<1x256xf32, #tpu.memory_space<vmem>>, %arg7: memref<2000x128xf32, #tpu.memory_space<vmem>>, %arg8: memref<2000x128xf32, #tpu.memory_space<vmem>>) attributes {dimension_semantics = [#tpu.dimension_semantics<arbitrary>], iteration_bounds = array<i64: 5>, scalar_prefetch = 0 : i64, scratch_operands = 0 : i64, tpu.core_type = #tpu.core_type<tc>, window_params = [{transform_indices = @transform_0, window_bounds = array<i64: 2000, 128>}, {transform_indices = @transform_1, window_bounds = array<i64: 2000, 128>}, {transform_indices = @transform_2, window_bounds = array<i64: 2000, 128>}, {transform_indices = @transform_3, window_bounds = array<i64: 2000, 1>}, {pipeline_mode = #tpu.pipeline_mode<synchronous>, transform_indices = @transform_4, window_bounds = array<i64: 128, 256>}, {pipeline_mode = #tpu.pipeline_mode<synchronous>, transform_indices = @transform_5, window_bounds = array<i64: 1, 256>}, {transform_indices = @transform_6, window_bounds = array<i64: 2000, 128>}, {transform_indices = @transform_7, window_bounds = array<i64: 2000, 128>}]} {
    %get3A = arith.constant 0 : index
    %get3A_0 = arith.constant 0 : index
    %get3A_1 = vector.load %arg4[%get3A, %get3A_0] : memref<2000x1xf32, #tpu.memory_space<vmem>>, vector<2000x1xf32>
    %get3A_2 = arith.constant 0 : index
    %get3A_3 = arith.constant 0 : index
    %get3A_4 = vector.load %arg1[%get3A_2, %get3A_3] : memref<2000x128xf32, #tpu.memory_space<vmem>>, vector<2000x128xf32>
    %get3A_5 = arith.constant 0 : index
    %get3A_6 = arith.constant 0 : index
    %get3A_7 = vector.load %arg2[%get3A_5, %get3A_6] : memref<2000x128xf32, #tpu.memory_space<vmem>>, vector<2000x128xf32>
    %add3A = arith.addf %get3A_4, %get3A_7 : vector<2000x128xf32>
    %get3A_8 = arith.constant 0 : index
    %get3A_9 = arith.constant 0 : index
    %get3A_10 = vector.load %arg3[%get3A_8, %get3A_9] : memref<2000x128xf32, #tpu.memory_space<vmem>>, vector<2000x128xf32>
    %add3A_11 = arith.addf %add3A, %get3A_10 : vector<2000x128xf32>
    %mul3A = vector.broadcast %get3A_1 : vector<2000x1xf32> to vector<2000x128xf32>
    %mul3A_12 = arith.mulf %add3A_11, %mul3A : vector<2000x128xf32>
    %get3A_13 = arith.constant 0 : index
    %get3A_14 = arith.constant 0 : index
    %get3A_15 = vector.load %arg5[%get3A_13, %get3A_14] : memref<128x256xf32, #tpu.memory_space<vmem>>, vector<128x256xf32>
    %dot_general3A = arith.constant dense<0.000000e+00> : vector<2000x256xf32>
    %dot_general3A_16 = tpu.matmul %mul3A_12, %get3A_15, %dot_general3A {dimension_numbers = #tpu.dot_dimension_numbers<[1], [0], [0], [1], [0, 0, 1, 1], [], []>, transpose_lhs_hint = false} : vector<2000x128xf32>, vector<128x256xf32>, vector<2000x256xf32> -> vector<2000x256xf32>
    %get3A_17 = arith.constant 0 : index
    %get3A_18 = arith.constant 0 : index
    %get3A_19 = vector.load %arg6[%get3A_17, %get3A_18] : memref<1x256xf32, #tpu.memory_space<vmem>>, vector<1x256xf32>
    %add3A_20 = vector.broadcast %get3A_19 : vector<1x256xf32> to vector<2000x256xf32>
    %add3A_21 = arith.addf %dot_general3A_16, %add3A_20 : vector<2000x256xf32>
    %max3A = arith.constant 0.000000e+00 : f32
    %max3A_22 = vector.broadcast %max3A : f32 to vector<2000x256xf32>
    %max3A_23 = arith.maximumf %add3A_21, %max3A_22 : vector<2000x256xf32>
    %mul3A_24 = vector.broadcast %get3A_1 : vector<2000x1xf32> to vector<2000x256xf32>
    %mul3A_25 = arith.mulf %max3A_23, %mul3A_24 : vector<2000x256xf32>
    %slice3A = vector.extract_strided_slice %mul3A_25 {offsets = [0, 0], sizes = [2000, 128], strides = [1, 1]} : vector<2000x256xf32> to vector<2000x128xf32>
    %swap3A = arith.constant 0 : index
    %swap3A_26 = arith.constant 0 : index
    %swap3A_27 = vector.load %arg7[%swap3A, %swap3A_26] : memref<2000x128xf32, #tpu.memory_space<vmem>>, vector<2000x128xf32>
    tpu.vector_store %arg7[%swap3A, %swap3A_26], %slice3A {strides = array<i32>} : memref<2000x128xf32, #tpu.memory_space<vmem>>, vector<2000x128xf32>,
    %slice3A_28 = vector.extract_strided_slice %mul3A_25 {offsets = [0, 128], sizes = [2000, 128], strides = [1, 1]} : vector<2000x256xf32> to vector<2000x128xf32>
    %swap3A_29 = arith.constant 0 : index
    %swap3A_30 = arith.constant 0 : index
    %swap3A_31 = vector.load %arg8[%swap3A_29, %swap3A_30] : memref<2000x128xf32, #tpu.memory_space<vmem>>, vector<2000x128xf32>
    tpu.vector_store %arg8[%swap3A_29, %swap3A_30], %slice3A_28 {strides = array<i32>} : memref<2000x128xf32, #tpu.memory_space<vmem>>, vector<2000x128xf32>,
    return
  }
  func.func @transform_0(%arg0: i32) -> (i32, i32) {
    %c0_i32 = arith.constant 0 : i32
    %c0_i32_0 = arith.constant 0 : i32
    return %arg0, %c0_i32 : i32, i32
  }
  func.func @transform_1(%arg0: i32) -> (i32, i32) {
    %c0_i32 = arith.constant 0 : i32
    %c0_i32_0 = arith.constant 0 : i32
    return %arg0, %c0_i32 : i32, i32
  }
  func.func @transform_2(%arg0: i32) -> (i32, i32) {
    %c0_i32 = arith.constant 0 : i32
    %c0_i32_0 = arith.constant 0 : i32
    return %arg0, %c0_i32 : i32, i32
  }
  func.func @transform_3(%arg0: i32) -> (i32, i32) {
    %c0_i32 = arith.constant 0 : i32
    %c0_i32_0 = arith.constant 0 : i32
    return %arg0, %c0_i32 : i32, i32
  }
  func.func @transform_4(%arg0: i32) -> (i32, i32) {
    %c0_i32 = arith.constant 0 : i32
    %c0_i32_0 = arith.constant 0 : i32
    %c0_i32_1 = arith.constant 0 : i32
    return %c0_i32, %c0_i32_0 : i32, i32
  }
  func.func @transform_5(%arg0: i32) -> (i32, i32) {
    %c0_i32 = arith.constant 0 : i32
    %c0_i32_0 = arith.constant 0 : i32
    %c0_i32_1 = arith.constant 0 : i32
    return %c0_i32, %c0_i32_0 : i32, i32
  }
  func.func @transform_6(%arg0: i32) -> (i32, i32) {
    %c0_i32 = arith.constant 0 : i32
    %c0_i32_0 = arith.constant 0 : i32
    return %arg0, %c0_i32 : i32, i32
  }
  func.func @transform_7(%arg0: i32) -> (i32, i32) {
    %c0_i32 = arith.constant 0 : i32
    %c0_i32_0 = arith.constant 0 : i32
    return %arg0, %c0_i32 : i32, i32
  }
}

module attributes {stable_mosaic.version = 14 : i64} {
  func.func @body(%arg0: i32, %arg1: memref<2000x128xf32, #tpu.memory_space<vmem>>, %arg2: memref<2000x128xf32, #tpu.memory_space<vmem>>, %arg3: memref<2000x128xf32, #tpu.memory_space<vmem>>, %arg4: memref<2000x128xf32, #tpu.memory_space<vmem>>, %arg5: memref<2000x1xf32, #tpu.memory_space<vmem>>, %arg6: memref<256x256xf32, #tpu.memory_space<vmem>>, %arg7: memref<1x256xf32, #tpu.memory_space<vmem>>, %arg8: memref<1x1x2000xi32, #tpu.memory_space<vmem>>, %arg9: memref<256x128xf32, #tpu.memory_space<vmem>>, %arg10: memref<1x128xf32, #tpu.memory_space<vmem>>, %arg11: memref<64x64xf32, #tpu.memory_space<vmem>>, %arg12: memref<64x64xf32, #tpu.memory_space<vmem>>, %arg13: memref<64x256xf32, #tpu.memory_space<vmem>>, %arg14: memref<64x1xf32, #tpu.memory_space<vmem>>) attributes {dimension_semantics = [#tpu.dimension_semantics<arbitrary>], iteration_bounds = array<i64: 5>, scalar_prefetch = 0 : i64, scratch_operands = 2 : i64, tpu.core_type = #tpu.core_type<tc>, window_params = [{transform_indices = @transform_0, window_bounds = array<i64: 2000, 128>}, {transform_indices = @transform_1, window_bounds = array<i64: 2000, 128>}, {transform_indices = @transform_2, window_bounds = array<i64: 2000, 128>}, {transform_indices = @transform_3, window_bounds = array<i64: 2000, 128>}, {transform_indices = @transform_4, window_bounds = array<i64: 2000, 1>}, {pipeline_mode = #tpu.pipeline_mode<synchronous>, transform_indices = @transform_5, window_bounds = array<i64: 256, 256>}, {pipeline_mode = #tpu.pipeline_mode<synchronous>, transform_indices = @transform_6, window_bounds = array<i64: 1, 256>}, {transform_indices = @transform_7, window_bounds = array<i64: 1, 1, 2000>}, {pipeline_mode = #tpu.pipeline_mode<synchronous>, transform_indices = @transform_8, window_bounds = array<i64: 256, 128>}, {pipeline_mode = #tpu.pipeline_mode<synchronous>, transform_indices = @transform_9, window_bounds = array<i64: 1, 128>}, {pipeline_mode = #tpu.pipeline_mode<synchronous>, transform_indices = @transform_10, window_bounds = array<i64: 64, 64>}, {pipeline_mode = #tpu.pipeline_mode<synchronous>, transform_indices = @transform_11, window_bounds = array<i64: 64, 64>}]} {
    %get3A = arith.constant 0 : index
    %get3A_0 = arith.constant 0 : index
    %get3A_1 = vector.load %arg5[%get3A, %get3A_0] : memref<2000x1xf32, #tpu.memory_space<vmem>>, vector<2000x1xf32>
    %get3A_2 = arith.constant 0 : index
    %get3A_3 = arith.constant 0 : index
    %get3A_4 = vector.load %arg1[%get3A_2, %get3A_3] : memref<2000x128xf32, #tpu.memory_space<vmem>>, vector<2000x128xf32>
    %get3A_5 = arith.constant 0 : index
    %get3A_6 = arith.constant 0 : index
    %get3A_7 = vector.load %arg3[%get3A_5, %get3A_6] : memref<2000x128xf32, #tpu.memory_space<vmem>>, vector<2000x128xf32>
    %add3A = arith.addf %get3A_4, %get3A_7 : vector<2000x128xf32>
    %mul3A = vector.broadcast %get3A_1 : vector<2000x1xf32> to vector<2000x128xf32>
    %mul3A_8 = arith.mulf %add3A, %mul3A : vector<2000x128xf32>
    %get3A_9 = arith.constant 0 : index
    %get3A_10 = arith.constant 0 : index
    %get3A_11 = vector.load %arg2[%get3A_9, %get3A_10] : memref<2000x128xf32, #tpu.memory_space<vmem>>, vector<2000x128xf32>
    %get3A_12 = arith.constant 0 : index
    %get3A_13 = arith.constant 0 : index
    %get3A_14 = vector.load %arg4[%get3A_12, %get3A_13] : memref<2000x128xf32, #tpu.memory_space<vmem>>, vector<2000x128xf32>
    %add3A_15 = arith.addf %get3A_11, %get3A_14 : vector<2000x128xf32>
    %mul3A_16 = vector.broadcast %get3A_1 : vector<2000x1xf32> to vector<2000x128xf32>
    %mul3A_17 = arith.mulf %add3A_15, %mul3A_16 : vector<2000x128xf32>
    %get3A_18 = arith.constant 0 : index
    %get3A_19 = arith.constant 0 : index
    %get3A_20 = vector.load %arg6[%get3A_18, %get3A_19] : memref<256x256xf32, #tpu.memory_space<vmem>>, vector<128x256xf32>
    %dot_general3A = arith.constant dense<0.000000e+00> : vector<2000x256xf32>
    %dot_general3A_21 = tpu.matmul %mul3A_8, %get3A_20, %dot_general3A {dimension_numbers = #tpu.dot_dimension_numbers<[1], [0], [0], [1], [0, 0, 1, 1], [], []>, transpose_lhs_hint = false} : vector<2000x128xf32>, vector<128x256xf32>, vector<2000x256xf32> -> vector<2000x256xf32>
    %get3A_22 = arith.constant 128 : index
    %get3A_23 = arith.constant 0 : index
    %get3A_24 = vector.load %arg6[%get3A_22, %get3A_23] : memref<256x256xf32, #tpu.memory_space<vmem>>, vector<128x256xf32>
    %dot_general3A_25 = arith.constant dense<0.000000e+00> : vector<2000x256xf32>
    %dot_general3A_26 = tpu.matmul %mul3A_17, %get3A_24, %dot_general3A_25 {dimension_numbers = #tpu.dot_dimension_numbers<[1], [0], [0], [1], [0, 0, 1, 1], [], []>, transpose_lhs_hint = false} : vector<2000x128xf32>, vector<128x256xf32>, vector<2000x256xf32> -> vector<2000x256xf32>
    %add3A_27 = arith.addf %dot_general3A_21, %dot_general3A_26 : vector<2000x256xf32>
    %get3A_28 = arith.constant 0 : index
    %get3A_29 = arith.constant 0 : index
    %get3A_30 = vector.load %arg7[%get3A_28, %get3A_29] : memref<1x256xf32, #tpu.memory_space<vmem>>, vector<1x256xf32>
    %add3A_31 = vector.broadcast %get3A_30 : vector<1x256xf32> to vector<2000x256xf32>
    %add3A_32 = arith.addf %add3A_27, %add3A_31 : vector<2000x256xf32>
    %max3A = arith.constant 0.000000e+00 : f32
    %max3A_33 = vector.broadcast %max3A : f32 to vector<2000x256xf32>
    %max3A_34 = arith.maximumf %add3A_32, %max3A_33 : vector<2000x256xf32>
    %get3A_35 = arith.constant 0 : index
    %get3A_36 = arith.constant 0 : index
    %get3A_37 = arith.constant 0 : index
    %get3A_38 = vector.load %arg8[%get3A_35, %get3A_36, %get3A_37] : memref<1x1x2000xi32, #tpu.memory_space<vmem>>, vector<1x1x2000xi32>
    %get3A_39 = vector.shape_cast %get3A_38 : vector<1x1x2000xi32> to vector<2000xi32>
    %iota3A = tpu.iota {dimensions = array<i32: 0>} : vector<64x2000xi32>
    %broadcast_in_dim3A = vector.shape_cast %get3A_39 : vector<2000xi32> to vector<1x2000xi32>
    %eq3A = vector.broadcast %broadcast_in_dim3A : vector<1x2000xi32> to vector<64x2000xi32>
    %eq3A_40 = arith.cmpi eq, %iota3A, %eq3A : vector<64x2000xi32>
    %convert_element_type3A = arith.extui %eq3A_40 : vector<64x2000xi1> to vector<64x2000xi32>
    %convert_element_type3A_41 = arith.sitofp %convert_element_type3A : vector<64x2000xi32> to vector<64x2000xf32>
    %eq3A_42 = arith.constant 0 : i32
    %eq3A_43 = arith.cmpi eq, %arg0, %eq3A_42 : i32
    %convert_element_type3A_44 = arith.extui %eq3A_43 : i1 to i32
    %cond3A = arith.constant 0 : i32
    %cond3A_45 = arith.cmpi ne, %convert_element_type3A_44, %cond3A : i32
    scf.if %cond3A_45 {
      %broadcast_in_dim3A_68 = arith.constant 0.000000e+00 : f32
      %broadcast_in_dim3A_69 = vector.broadcast %broadcast_in_dim3A_68 : f32 to vector<64x256xf32>
      %swap3A_70 = arith.constant 0 : index
      %swap3A_71 = arith.constant 0 : index
      %swap3A_72 = vector.load %arg13[%swap3A_70, %swap3A_71] : memref<64x256xf32, #tpu.memory_space<vmem>>, vector<64x256xf32>
      tpu.vector_store %arg13[%swap3A_70, %swap3A_71], %broadcast_in_dim3A_69 {strides = array<i32>} : memref<64x256xf32, #tpu.memory_space<vmem>>, vector<64x256xf32>,
      %broadcast_in_dim3A_73 = arith.constant 0.000000e+00 : f32
      %broadcast_in_dim3A_74 = vector.broadcast %broadcast_in_dim3A_73 : f32 to vector<64x1xf32>
      %swap3A_75 = arith.constant 0 : index
      %swap3A_76 = arith.constant 0 : index
      %swap3A_77 = vector.load %arg14[%swap3A_75, %swap3A_76] : memref<64x1xf32, #tpu.memory_space<vmem>>, vector<64x1xf32>
      tpu.vector_store %arg14[%swap3A_75, %swap3A_76], %broadcast_in_dim3A_74 {strides = array<i32>} : memref<64x1xf32, #tpu.memory_space<vmem>>, vector<64x1xf32>,
    } else {
    }
    %get3A_46 = arith.constant 0 : index
    %get3A_47 = arith.constant 0 : index
    %get3A_48 = vector.load %arg13[%get3A_46, %get3A_47] : memref<64x256xf32, #tpu.memory_space<vmem>>, vector<64x256xf32>
    %dot_general3A_49 = arith.constant dense<0.000000e+00> : vector<64x256xf32>
    %dot_general3A_50 = tpu.matmul %convert_element_type3A_41, %max3A_34, %dot_general3A_49 {dimension_numbers = #tpu.dot_dimension_numbers<[1], [0], [0], [1], [0, 0, 1, 1], [], []>, transpose_lhs_hint = false} : vector<64x2000xf32>, vector<2000x256xf32>, vector<64x256xf32> -> vector<64x256xf32>
    %add3A_51 = arith.addf %get3A_48, %dot_general3A_50 : vector<64x256xf32>
    %swap3A = arith.constant 0 : index
    %swap3A_52 = arith.constant 0 : index
    %swap3A_53 = vector.load %arg13[%swap3A, %swap3A_52] : memref<64x256xf32, #tpu.memory_space<vmem>>, vector<64x256xf32>
    tpu.vector_store %arg13[%swap3A, %swap3A_52], %add3A_51 {strides = array<i32>} : memref<64x256xf32, #tpu.memory_space<vmem>>, vector<64x256xf32>,
    %get3A_54 = arith.constant 0 : index
    %get3A_55 = arith.constant 0 : index
    %get3A_56 = vector.load %arg14[%get3A_54, %get3A_55] : memref<64x1xf32, #tpu.memory_space<vmem>>, vector<64x1xf32>
    %reduce_sum3A = arith.constant dense<0.000000e+00> : vector<64xf32>
    %reduce_sum3A_57 = vector.multi_reduction <add>, %convert_element_type3A_41, %reduce_sum3A [1] : vector<64x2000xf32> to vector<64xf32>
    %broadcast_in_dim3A_58 = vector.shape_cast %reduce_sum3A_57 : vector<64xf32> to vector<64x1xf32>
    %add3A_59 = arith.addf %get3A_56, %broadcast_in_dim3A_58 : vector<64x1xf32>
    %swap3A_60 = arith.constant 0 : index
    %swap3A_61 = arith.constant 0 : index
    %swap3A_62 = vector.load %arg14[%swap3A_60, %swap3A_61] : memref<64x1xf32, #tpu.memory_space<vmem>>, vector<64x1xf32>
    tpu.vector_store %arg14[%swap3A_60, %swap3A_61], %add3A_59 {strides = array<i32>} : memref<64x1xf32, #tpu.memory_space<vmem>>, vector<64x1xf32>,
    %eq3A_63 = arith.constant 4 : i32
    %eq3A_64 = arith.cmpi eq, %arg0, %eq3A_63 : i32
    %convert_element_type3A_65 = arith.extui %eq3A_64 : i1 to i32
    %cond3A_66 = arith.constant 0 : i32
    %cond3A_67 = arith.cmpi ne, %convert_element_type3A_65, %cond3A_66 : i32
    scf.if %cond3A_67 {
      %get3A_68 = arith.constant 0 : index
      %get3A_69 = arith.constant 0 : index
      %get3A_70 = vector.load %arg14[%get3A_68, %get3A_69] : memref<64x1xf32, #tpu.memory_space<vmem>>, vector<64x1xf32>
      %max3A_71 = arith.constant 1.000000e+00 : f32
      %max3A_72 = vector.broadcast %max3A_71 : f32 to vector<64x1xf32>
      %max3A_73 = arith.maximumf %get3A_70, %max3A_72 : vector<64x1xf32>
      %get3A_74 = arith.constant 0 : index
      %get3A_75 = arith.constant 0 : index
      %get3A_76 = vector.load %arg13[%get3A_74, %get3A_75] : memref<64x256xf32, #tpu.memory_space<vmem>>, vector<64x256xf32>
      %div3A = vector.broadcast %max3A_73 : vector<64x1xf32> to vector<64x256xf32>
      %div3A_77 = arith.divf %get3A_76, %div3A : vector<64x256xf32>
      %get3A_78 = arith.constant 0 : index
      %get3A_79 = arith.constant 0 : index
      %get3A_80 = vector.load %arg9[%get3A_78, %get3A_79] : memref<256x128xf32, #tpu.memory_space<vmem>>, vector<256x128xf32>
      %dot_general3A_81 = arith.constant dense<0.000000e+00> : vector<64x128xf32>
      %dot_general3A_82 = tpu.matmul %div3A_77, %get3A_80, %dot_general3A_81 {dimension_numbers = #tpu.dot_dimension_numbers<[1], [0], [0], [1], [0, 0, 1, 1], [], []>, transpose_lhs_hint = false} : vector<64x256xf32>, vector<256x128xf32>, vector<64x128xf32> -> vector<64x128xf32>
      %get3A_83 = arith.constant 0 : index
      %get3A_84 = arith.constant 0 : index
      %get3A_85 = vector.load %arg10[%get3A_83, %get3A_84] : memref<1x128xf32, #tpu.memory_space<vmem>>, vector<1x128xf32>
      %add3A_86 = vector.broadcast %get3A_85 : vector<1x128xf32> to vector<64x128xf32>
      %add3A_87 = arith.addf %dot_general3A_82, %add3A_86 : vector<64x128xf32>
      %slice3A = vector.extract_strided_slice %add3A_87 {offsets = [0, 0], sizes = [64, 64], strides = [1, 1]} : vector<64x128xf32> to vector<64x64xf32>
      %swap3A_88 = arith.constant 0 : index
      %swap3A_89 = arith.constant 0 : index
      %swap3A_90 = vector.load %arg11[%swap3A_88, %swap3A_89] : memref<64x64xf32, #tpu.memory_space<vmem>>, vector<64x64xf32>
      tpu.vector_store %arg11[%swap3A_88, %swap3A_89], %slice3A {strides = array<i32>} : memref<64x64xf32, #tpu.memory_space<vmem>>, vector<64x64xf32>,
      %slice3A_91 = vector.extract_strided_slice %add3A_87 {offsets = [0, 64], sizes = [64, 64], strides = [1, 1]} : vector<64x128xf32> to vector<64x64xf32>
      %jit3A = arith.constant -2.000000e+01 : f32
      %jit3A_92 = arith.constant 2.000000e+00 : f32
      %max3A_93 = vector.broadcast %jit3A : f32 to vector<64x64xf32>
      %max3A_94 = arith.maximumf %max3A_93, %slice3A_91 : vector<64x64xf32>
      %min3A = vector.broadcast %jit3A_92 : f32 to vector<64x64xf32>
      %min3A_95 = arith.minimumf %min3A, %max3A_94 : vector<64x64xf32>
      %exp3A = math.exp %min3A_95 : vector<64x64xf32>
      %swap3A_96 = arith.constant 0 : index
      %swap3A_97 = arith.constant 0 : index
      %swap3A_98 = vector.load %arg12[%swap3A_96, %swap3A_97] : memref<64x64xf32, #tpu.memory_space<vmem>>, vector<64x64xf32>
      tpu.vector_store %arg12[%swap3A_96, %swap3A_97], %exp3A {strides = array<i32>} : memref<64x64xf32, #tpu.memory_space<vmem>>, vector<64x64xf32>,
    } else {
    }
    return
  }
  func.func @transform_0(%arg0: i32) -> (i32, i32) {
    %c0_i32 = arith.constant 0 : i32
    %c0_i32_0 = arith.constant 0 : i32
    return %arg0, %c0_i32 : i32, i32
  }
  func.func @transform_1(%arg0: i32) -> (i32, i32) {
    %c0_i32 = arith.constant 0 : i32
    %c0_i32_0 = arith.constant 0 : i32
    return %arg0, %c0_i32 : i32, i32
  }
  func.func @transform_2(%arg0: i32) -> (i32, i32) {
    %c0_i32 = arith.constant 0 : i32
    %c0_i32_0 = arith.constant 0 : i32
    return %arg0, %c0_i32 : i32, i32
  }
  func.func @transform_3(%arg0: i32) -> (i32, i32) {
    %c0_i32 = arith.constant 0 : i32
    %c0_i32_0 = arith.constant 0 : i32
    return %arg0, %c0_i32 : i32, i32
  }
  func.func @transform_4(%arg0: i32) -> (i32, i32) {
    %c0_i32 = arith.constant 0 : i32
    %c0_i32_0 = arith.constant 0 : i32
    return %arg0, %c0_i32 : i32, i32
  }
  func.func @transform_5(%arg0: i32) -> (i32, i32) {
    %c0_i32 = arith.constant 0 : i32
    %c0_i32_0 = arith.constant 0 : i32
    %c0_i32_1 = arith.constant 0 : i32
    return %c0_i32, %c0_i32_0 : i32, i32
  }
  func.func @transform_6(%arg0: i32) -> (i32, i32) {
    %c0_i32 = arith.constant 0 : i32
    %c0_i32_0 = arith.constant 0 : i32
    %c0_i32_1 = arith.constant 0 : i32
    return %c0_i32, %c0_i32_0 : i32, i32
  }
  func.func @transform_7(%arg0: i32) -> (i32, i32, i32) {
    %c0_i32 = arith.constant 0 : i32
    %c0_i32_0 = arith.constant 0 : i32
    %c0_i32_1 = arith.constant 0 : i32
    return %arg0, %c0_i32, %c0_i32_0 : i32, i32, i32
  }
  func.func @transform_8(%arg0: i32) -> (i32, i32) {
    %c0_i32 = arith.constant 0 : i32
    %c0_i32_0 = arith.constant 0 : i32
    %c0_i32_1 = arith.constant 0 : i32
    return %c0_i32, %c0_i32_0 : i32, i32
  }
  func.func @transform_9(%arg0: i32) -> (i32, i32) {
    %c0_i32 = arith.constant 0 : i32
    %c0_i32_0 = arith.constant 0 : i32
    %c0_i32_1 = arith.constant 0 : i32
    return %c0_i32, %c0_i32_0 : i32, i32
  }
  func.func @transform_10(%arg0: i32) -> (i32, i32) {
    %c0_i32 = arith.constant 0 : i32
    %c0_i32_0 = arith.constant 0 : i32
    %c0_i32_1 = arith.constant 0 : i32
    return %c0_i32, %c0_i32_0 : i32, i32
  }
  func.func @transform_11(%arg0: i32) -> (i32, i32) {
    %c0_i32 = arith.constant 0 : i32
    %c0_i32_0 = arith.constant 0 : i32
    %c0_i32_1 = arith.constant 0 : i32
    return %c0_i32, %c0_i32_0 : i32, i32
  }
}

</mosaic_0001>

<sc_bundles>
// kernel: kernel.11.cloned.1.call-start
scs
__scs_entry_jumppad:
0x0: {  	(pc) =	sbr.rel $0x88, $3  }
0x1: {  	(tag) =	ssettag $0x0;
	lr =	simm.s32 $0x1  }
0x2: {  	[smem:$0x3F98] =	sst lr;
	_ =	strace $0xD0000000  }
0x3: {  	_ = 	snop  }
0x4: {  	_ = 	snop  }
0x5: {  	_ = 	snop  }
0x6: {  	_ = 	snop  }
0x7: {  	_ = 	snop  }
__scs_overlays_trampoline_lowered:
0x8: {  	[smem:$0x3FA7] =	sst s0  }
0x9: {  	[smem:$0x3FA8] =	sst s1  }
0xa: {  	[smem:$0x3FA9] =	sst s2  }
0xb: {  	[smem:$0x3FAA] =	sst s3  }
0xc: {  	[smem:$0x3FAB] =	sst s4  }
0xd: {  	[smem:$0x3FAC] =	sst s5  }
0xe: {  	[smem:$0x3FAD] =	sst s6  }
0xf: {  	[smem:$0x3FAE] =	sst s7  }
0x10: {  	[smem:$0x3FAF] =	sst s8  }
0x11: {  	[smem:$0x3FB0] =	sst s9;
	s0 =	simm.s32 @!p0 $0x0  }
0x12: {  	s1 =	sld [smem:$0x3F96];
	s0 =	simm.s32 @p0 $0x1  }
0x13: {  	[smem:$0x3FB1] =	sst s0;
	s0 =	simm.s32 @!p1 $0x0  }
0x14: {  	s2 =	sld [smem:$0x3F95];
	s0 =	simm.s32 @p1 $0x1  }
0x15: {  	[smem:$0x3FB2] =	sst s0;
	s0 =	simm.s32 @!p2 $0x0  }
0x16: {  	s3 =	sld [smem:$0x3FDB];
	s0 =	simm.s32 @p2 $0x1  }
0x17: {  	s4 =	simm.s32 $0x1BF5;
	[smem:$0x3FB4] =	sst s0  }
0x18: {  	s0 =	sld [smem:$0x3F97];
	_ =	swait.ge [sflag:s4], $0x0  }
0x19: {  	s7 =	sld [smem:$0x3F98]  }
0x1a: {  	s8 =	sadd.s32 $0xFFFFE003, lr  }
0x1b: {  	s9 =	sadd.s32 $0xFFFFFEF7, lr;
	s5 =	simm.s32 $0xFFFFFFFF;
	p2 =	slt.u32 s8, $0xFFFFF086  }
0x1c: {  	p1 =	slt.u32 s9, $0xF7A;
	s5 =	simm.s32 @!p2 $0x0  }
0x1d: {  	s5 =	simm.s32 @p1 $0x1;
	p0 =	seq.s32 s7, s2  }
0x1e: {  	s7 =	smul.u32 @!p0 $0xF7A, s2;
	p2 =	seq.s32 @!p0 s5, $0x0  }
0x1f: {  	s9 =	smul.u32 $0xF7A, s1;
	s8 =	simm.s32 @!p0 $0x1BF5;
	p2 =	por !p2, p0  }
0x20: {  	[sflag:s8] =	ssyncset.s32 @!p0 $0xFFFFF086;
	s6 =	sadd.s32 @!p0 s3, s7;
	s7 =	simm.s32 @!p0 $0x108  }
0x21: {  	s3 =	sadd.s32 s3, s9;
	s6 =	sadd.s32 @!p0 $0x88, s6;
	s7 =	simm.s32 @p2 $0x1082  }
0x22: {  	[simem:s7], [sflag:s8] =	dma.local @!p0 [hbm:s6], $0xF7A  }
0x23: {  	s9 =	sor.u32 $0xD0000000, s2;
	s6 =	simm.s32 $0x108;
	_ =	swait.ge @!p0 [sflag:s8], $0x0  }
0x24: {  	s3 =	sadd.s32 $0x88, s3;
	s6 =	simm.s32 @!p1 $0x1082;
	[sflag:s4] =	ssyncset.s32 $0xFFFFF086  }
0x25: {  	[simem:s6], [sflag:s4] =	dma.local [hbm:s3], $0xF7A  }
0x26: {  	[smem:$0x3F98] =	sst s1;
	(tag) =	ssettag s2;
	_ =	strace s9  }
0x27: {  	s1 =	sld [smem:$0x3FA8]  }
0x28: {  	s2 =	sld [smem:$0x3FA9]  }
0x29: {  	s4 =	sld [smem:$0x3FAB]  }
0x2a: {  	p0 =	seq.s32 s5, $0x0;
	s5 =	sld [smem:$0x3FAC]  }
0x2b: {  	s6 =	sld [smem:$0x3FAD]  }
0x2c: {  	s7 =	sld [smem:$0x3FAE]  }
0x2d: {  	s3 =	simm.s32 $0x108;
	s8 =	sld [smem:$0x3FAF]  }
0x2e: {  	s3 =	simm.s32 @!p0 $0x1082;
	s9 =	sld [smem:$0x3FB0]  }
0x2f: {  	lr =	sadd.s32 s0, s3;
	s0 =	sld [smem:$0x3FA7]  }
0x30: {  	s3 =	sld [smem:$0x3FAA]  }
0x31: {  	[smem:$0x3FB3] =	sst s10  }
0x32: {  	s10 =	sld [smem:$0x3FB1];
	_ =	sdelay $0x3  }
0x33: {  	p0 =	seq.s32 s10, $0x1;
	s10 =	sld [smem:$0x3FB3];
	_ =	sdelay $0x3  }
0x34: {  	[smem:$0x3FB3] =	sst s10  }
0x35: {  	s10 =	sld [smem:$0x3FB2];
	_ =	sdelay $0x3  }
0x36: {  	p1 =	seq.s32 s10, $0x1;
	s10 =	sld [smem:$0x3FB3];
	_ =	sdelay $0x3  }
0x37: {  	[smem:$0x3FB3] =	sst s10  }
0x38: {  	s10 =	sld [smem:$0x3FB4]  }
0x39: {  	_ = 	snop;
	(pc) =	sbr.ind lr, $3  }
0x3a: {  	_ = 	snop  }
0x3b: {  	_ = 	snop  }
0x3c: {  	p2 =	seq.s32 s10, $0x1;
	s10 =	sld [smem:$0x3FB3]  }
0x3d: {  	_ =	shalt  }
0x3e: {  	_ =	shalt  }
0x3f: {  	_ =	shalt  }
0x40: {  	_ =	shalt  }
0x41: {  	_ =	shalt  }
0x42: {  	_ =	shalt  }
0x43: {  	_ =	shalt  }
0x44: {  	_ =	shalt  }
0x45: {  	_ =	shalt  }
0x46: {  	_ =	shalt  }
0x47: {  	_ =	shalt  }
0x48: {  	_ =	shalt  }
0x49: {  	_ =	shalt  }
0x4a: {  	_ =	shalt  }
0x4b: {  	_ =	shalt  }
0x4c: {  	_ =	shalt  }
0x4d: {  	_ =	shalt  }
0x4e: {  	_ =	shalt  }
0x4f: {  	_ =	shalt  }
0x50: {  	_ =	shalt  }
0x51: {  	_ =	shalt  }
0x52: {  	_ =	shalt  }
0x53: {  	_ =	shalt  }
0x54: {  	_ =	shalt  }
0x55: {  	_ =	shalt  }
0x56: {  	_ =	shalt  }
0x57: {  	_ =	shalt  }
0x58: {  	_ =	shalt  }
0x59: {  	_ =	shalt  }
0x5a: {  	_ =	shalt  }
0x5b: {  	_ =	shalt  }
0x5c: {  	_ =	shalt  }
0x5d: {  	_ =	shalt  }
0x5e: {  	_ =	shalt  }
0x5f: {  	_ =	shalt  }
0x60: {  	_ =	shalt  }
0x61: {  	_ =	shalt  }
0x62: {  	_ =	shalt  }
0x63: {  	_ =	shalt  }
0x64: {  	_ =	shalt  }
0x65: {  	_ =	shalt  }
0x66: {  	_ =	shalt  }
0x67: {  	_ =	shalt  }
0x68: {  	_ =	shalt  }
0x69: {  	_ =	shalt  }
0x6a: {  	_ =	shalt  }
0x6b: {  	_ =	shalt  }
0x6c: {  	_ =	shalt  }
0x6d: {  	_ =	shalt  }
0x6e: {  	_ =	shalt  }
0x6f: {  	_ =	shalt  }
0x70: {  	_ =	shalt  }
0x71: {  	_ =	shalt  }
0x72: {  	_ =	shalt  }
0x73: {  	_ =	shalt  }
0x74: {  	_ =	shalt  }
0x75: {  	_ =	shalt  }
0x76: {  	_ =	shalt  }
0x77: {  	_ =	shalt  }
0x78: {  	_ =	shalt  }
0x79: {  	_ =	shalt  }
0x7a: {  	_ =	shalt  }
0x7b: {  	_ =	shalt  }
0x7c: {  	_ =	shalt  }
0x7d: {  	_ =	shalt  }
0x7e: {  	_ =	shalt  }
0x7f: {  	_ =	shalt  }
0x80: {  	_ =	shalt  }
0x81: {  	_ =	shalt  }
0x82: {  	_ =	shalt  }
0x83: {  	_ =	shalt  }
0x84: {  	_ =	shalt  }
0x85: {  	_ =	shalt  }
0x86: {  	_ =	shalt  }
0x87: {  	_ =	shalt  }
.Lfunc_end0:
.L_simem_size_0:
called_computation.1_lowered:
.L_overlay_start_0:
0x88: {  	s2 =	sld [smem:$0x3FD9]  }
0x89: {  	s3 =	sld [smem:$0x3FFE];
	_ =	sdelay $0x1  }
0x8a: {  	s1 =	srdreg.scid  }
0x8b: {  	s0 =	sand.u32 $0x1, s1  }
0x8c: {  	s16 =	sshll.u32 s0, $0xA;
	s2 =	sadd.s32 s3, s2  }
0x8d: {  	s2 =	sadd.s32 s2, s16  }
0x8e: {  	[smem:$0x3FBF] =	sst s2  }
0x8f: {  	_ = 	snop  }
0x90: {  	(tm) =	ssettm $0x1  }
0x91: {  	s17 =	sld [smem:$0x3FFB];
	_ =	sdelay $0x3  }
0x92: {  	_ =	strace s17  }
0x93: {  	s2 =	sld [smem:$0x3FFC];
	_ =	sdelay $0x3  }
0x94: {  	_ =	strace s2  }
0x95: {  	s2 =	sld [smem:$0x3FFD];
	_ =	sdelay $0x3  }
0x96: {  	_ =	strace s2  }
0x97: {  	_ =	strace $0x8FFFFFFF  }
0x98: {  	s18 =	sld [smem:$0x3FDB];
	_ =	sdelay $0x1  }
0x99: {  	s19 =	simm.s32 $_scs_section_size  }
0x9a: {  	s4 =	simm.s32 $_size__tile_overlayer_lowered;
	s5 =	simm.s32 $_tile_overlayer_lowered  }
0x9b: {  	s22 =	simm.s32 $0x1BFF;
	s21 =	sshll.u32 s5, $0x1;
	s2 =	sadd.s32 s19, s18  }
0x9c: {  	s6 =	simm.s32 $0x0;
	s20 =	sshll.u32 s4, $0x1;
	s4 =	sadd.s32 s21, s2  }
0x9d: {  	[timem:s6], [sflag:s22] =	dma.local [hbm:s4], s20  }
0x9e: {  	_ =	swait.ge [sflag:s22], s20  }
0x9f: {  	s3 =	ssub.s32 $0x0, s20;
	[sflag:s22] =	ssyncset.done $0x0  }
0xa0: {  	[sflag:s22] =	ssyncadd.s32 s3;
	_ =	sdelay $0x1  }
0xa1: {  	s23 =	simm.s32 $0x1B8B  }
0xa2: {  	_ =	swait.ge [sflag:s23], $0x1  }
0xa3: {  	[sflag:s23] =	ssyncset.done $0x0  }
0xa4: {  	s25 =	simm.s32 $0x1B8E;
	s24 =	sld [smem:$0x3FFE];
	[sflag:s23] =	ssyncadd.s32 $0xFFFFFFFF  }
0xa5: {  	s26 =	simm.s32 $execute0_lowered;
	[smem:$0x3FD2] =	sst s25  }
0xa6: {  	s4 =	sshll.u32 s26, $0x1;
	_ =	strace $0x80000049;
	[dreg:$0x1] =	wrdreg $0xFFFFFFFF  }
0xa7: {  	s28 =	simm.s32 $_size_execute0_lowered;
	s2 =	sadd.s32 s2, s4;
	[dreg:$0x0] =	wrdreg $0x0  }
0xa8: {  	s4 =	sshll.u32 s28, $0x1;
	[dreg:$0x2] =	wrdreg s2  }
0xa9: {  	[dreg:$0x3] =	wrdreg s4  }
0xaa: {  	[dreg:$0x4] =	wrdreg $0xC0  }
0xab: {  	_ =	task [dreg:s6], $0x5FFFF  }
0xac: {  	[dreg:$0x1] =	wrdreg $0xFFFFFFFF  }
0xad: {  	[dreg:$0x0] =	wrdreg $0x60  }
0xae: {  	[dreg:$0x2] =	wrdreg s24  }
0xaf: {  	[dreg:$0x3] =	wrdreg $0x82000  }
0xb0: {  	[dreg:$0x4] =	wrdreg $0x9  }
0xb1: {  	_ =	task.clear_ibuf [dreg:s6], $0x5FFFF;
	_ =	strace $0x90000049  }
0xb2: {  	s29 =	simm.s32 $0x9;
	_ =	strace $0x8000004B  }
0xb3: {  	_ =	swait.ge [sflag:s29], $0x1  }
0xb4: {  	[sflag:s29] =	ssyncadd.s32 $0xFFFFFFFF  }
0xb5: {  	_ =	strace $0x9000004B  }
0xb6: {  	_ =	sfence  }
0xb7: {  	s30 =	sld [smem:$0x0];
	_ =	sdelay $0x2  }
0xb8: {  	s31 =	sshll.u32 s1, $0xD;
	s1 =	sshrl.u32 s1, $0x2  }
0xb9: {  	s3 =	sand.u32 $0x4000, s31;
	s1 =	sadd.s32 s1, s30  }
0xba: {  	s0 =	sor.u32 s3, s0;
	s1 =	sshll.u32 s1, $0x11  }
0xbb: {  	s0 =	sor.u32 s1, s0  }
0xbc: {  	s0 =	sadd.s32 $0x8F2B, s0  }
0xbd: {  	[sflag:s0] =	ssyncadd.remote.s32 $0x1  }
0xbe: {  	_ =	sfence.sel $0xFFFF  }
0xbf: {  	[dreg:$0x0] =	wrdreg $0xFFFFFFFF;
	(pc) =	sbr.abs _section_cstart, $3  }
0xc0: {  	[dreg:$0x1] =	wrdreg $0xFFFFFFFF  }
0xc1: {  	_ =	task.clear_ibuf [dreg:s6], $0x2FFFF;
	_ =	strace $0x9FFFFFFF  }
0xc2: {  	(tm) =	ssettm $0x7FFFFFFF  }
0xc3: {  	_ =	shalt  }
tec
execute0_lowered:
.L_overlay_start_1:
0x0: {  	(tag) =	ssettag $0x1  }
0x1: {  	s0 =	rddreg [dreg:$0x0]  }
0x2: {  	s1 =	rddreg [dreg:$0x1];
	s2 =	simm.s32 $0x0;
	s3 =	srdreg.scid  }
0x3: {  	s19 =	stileid.u32;
	s28 =	simm.s32 $0x180;
	s29 =	simm.s32 $0x2  }
0x4: {  	s30 =	simm.s32 $0x1;
	s31 =	simm.s32 $0x100;
	[smem:$0x7FF] =	sst s2  }
0x5: {  	s4 =	sadd.s32 $0x18E00, s0;
	s3 =	sand.u32 $0x1, s3;
	s11 =	smul.u32 $0x280, s19  }
0x6: {  	s5 =	sadd.s32 $0xEE00, s0;
	s6 =	sadd.s32 $0x4400, s0;
	s9 =	smul.u32 $0x50000, s19  }
0x7: {  	s16 =	sshll.u32 s19, $0x1;
	s23 =	smul.u32 $0x2800, s19;
	s19 =	simm.s32 $0x68000  }
0x8: {  	_ =	strace $0x8000004A;
	s7 =	ssub.s32 $0x2, s3;
	s10 =	sor.u32 s3, s16  }
0x9: {  	p0 =	seq.s32 s3, $0x1;
	s8 =	sshrl.u32 s7, $0x1;
	s14 =	sadd.s32 $0x80, s11  }
0xa: {  	s17 =	sshrl.u32 s9, $0x2;
	s15 =	sadd.s32 $0x100, s11;
	s16 =	sadd.s32 $0x180, s11  }
0xb: {  	s9 =	smul.u32 $0x2800, s10;
	s19 =	simm.s32 @!p0 $0x40000;
	s13 =	ssub.s32 s7, s8  }
0xc: {  	s18 =	sshll.u32 s14, $0x7;
	s7 =	sadd.s32 s17, s1;
	s12 =	sshll.u32 s15, $0x7  }
0xd: {  	s20 =	sshll.u32 s16, $0x7;
	s17 =	sadd.s32 $0x200, s11;
	s14 =	sshll.u32 s14, $0x4  }
0xe: {  	s24 =	sshll.u32 s15, $0x4;
	s0 =	sadd.s32 s19, s0;
	s8 =	sadd.s32 s18, s1  }
0xf: {  	s10 =	sadd.s32 s12, s1;
	s11 =	sadd.s32 s20, s1;
	s21 =	sshll.u32 s17, $0x7  }
0x10: {  	s18 =	sshrl.u32 s9, $0x3;
	s13 =	smax.u32 s13, $0x1;
	s19 =	sadd.s32 s0, s14  }
0x11: {  	s12 =	sadd.s32 s21, s1;
	s20 =	sadd.s32 s5, s18;
	s22 =	sadd.s32 s6, s18  }
0x12: {  	s21 =	sshll.u32 s16, $0x4;
	s25 =	sadd.s32 $0x4F0, s18;
	[dreg:$0x5] =	wrdreg s13  }
0x13: {  	s18 =	sadd.s32 s0, s23;
	s23 =	simm.s32 $0x4200;
	[dreg:$0x3] =	wrdreg s20  }
0x14: {  	[dreg:$0x4] =	wrdreg s22;
	s22 =	sshll.u32 s17, $0x4;
	s26 =	sadd.s32 s5, s25  }
0x15: {  	s17 =	sadd.s32 s6, s25;
	s20 =	sadd.s32 s0, s24;
	s21 =	sadd.s32 s0, s21  }
0x16: {  	s24 =	simm.s32 $0x3;
	s25 =	simm.s32 $0x80;
	[dreg:$0x6] =	wrdreg s26  }
0x17: {  	v0 =	vimm.f32 $0.0e+00;
	s22 =	sadd.s32 s0, s22;
	s26 =	simm.s32 $0x200;
	s0 =	simm.s32 $0x0  }
.LBB2_1:
0x18: {  	s3 =	sand.u32 $0xFE00, s2  }
0x19: {  	s13 =	sand.u32 $0x70, s2;
	s14 =	sshrl.u32 s3, $0x2  }
0x1a: {  	s3 =	simm.s32 $0x40;
	s14 =	sor.u32 s13, s14;
	s13 =	simm.s32 $0x0  }
.LBB2_2:
0x1b: {  	p0 =	sne.s32 s3, $0xFFC0  }
0x1c: {  	[tilespmem:s14+$0x4200] =	vst v0;
	s13 =	sadd.s32 $0x10, s13;
	s14 =	smov.u32 s3;
	s3 =	sadd.s32 $0x40, s3  }
.Ltmp0:
0x1d: {  	(pc) =	sbr.rel @p0 .LBB2_2-.Ltmp0, $4  }
0x1e: {  	_ = 	snop  }
0x1f: {  	s14 =	sand.u32 $0xFE00, s14  }
0x20: {  	s15 =	sand.u32 $0x70, s13;
	s14 =	sshrl.u32 s14, $0x2  }
0x21: {  	s14 =	sor.u32 s15, s14  }
0x22: {  	[tilespmem:s14+$0x4200] =	vst v0  }
0x23: {  	[spmem:s7] =	stream.linear.scatter [tilespmem:s23], [sflag:$0x3], $0x4000, $0x38;
	[tilespmem:$0x1C200] =	vst v63  }
0x24: {  	_ =	swait.ge [sflag:s24], $0x4000  }
0x25: {  	[sflag:s24] =	ssyncset.done $0x0  }
0x26: {  	[sflag:s24] =	ssyncadd.s32 $0xFFFFC000  }
0x27: {  	[spmem:s8] =	stream.linear.scatter [tilespmem:s23], [sflag:$0x3], $0x4000, $0x38;
	[tilespmem:$0x1C200] =	vst v63  }
0x28: {  	_ =	swait.ge [sflag:s24], $0x4000  }
0x29: {  	[sflag:s24] =	ssyncset.done $0x0  }
0x2a: {  	[sflag:s24] =	ssyncadd.s32 $0xFFFFC000  }
0x2b: {  	[spmem:s10] =	stream.linear.scatter [tilespmem:s23], [sflag:$0x3], $0x4000, $0x38;
	[tilespmem:$0x1C200] =	vst v63  }
0x2c: {  	_ =	swait.ge [sflag:s24], $0x4000  }
0x2d: {  	[sflag:s24] =	ssyncset.done $0x0  }
0x2e: {  	[sflag:s24] =	ssyncadd.s32 $0xFFFFC000  }
0x2f: {  	[spmem:s11] =	stream.linear.scatter [tilespmem:s23], [sflag:$0x3], $0x4000, $0x38;
	[tilespmem:$0x1C200] =	vst v63  }
0x30: {  	_ =	swait.ge [sflag:s24], $0x4000  }
0x31: {  	[sflag:s24] =	ssyncset.done $0x0  }
0x32: {  	[sflag:s24] =	ssyncadd.s32 $0xFFFFC000  }
0x33: {  	[spmem:s12] =	stream.linear.scatter [tilespmem:s23], [sflag:$0x3], $0x4000, $0x38;
	[tilespmem:$0x1C200] =	vst v63  }
0x34: {  	_ =	swait.ge [sflag:s24], $0x4000  }
0x35: {  	[sflag:s24] =	ssyncset.done $0x0  }
0x36: {  	[sflag:s24] =	ssyncadd.s32 $0xFFFFC000  }
0x37: {  	[bflag:$0x0] =	sbarrier.arrive $0xFFFF  }
0x38: {  	s3 =	rddreg [dreg:$0x3]  }
0x39: {  	[tilespmem:s2], [sflag:$0x3] =	stream.linear.gather [hbm4b:s3+s2], $0x80, $0x38;
	[tilespmem:$0x1C200] =	vst v63  }
0x3a: {  	s15 =	simm.s32 $0x0;
	_ =	swait.ge [sflag:s24], $0x80  }
0x3b: {  	s16 =	sand.u32 $0x3C00, s15;
	[sflag:s24] =	ssyncset.done $0x0  }
0x3c: {  	s3 =	simm.s32 $0x100;
	s13 =	rddreg [dreg:$0x4];
	[sflag:s24] =	ssyncadd.s32 $0xFFFFFF80  }
0x3d: {  	[tilespmem:s3], [sflag:$0x3] =	stream.linear.gather [hbm4b:s13+s2], $0x80, $0x38;
	[tilespmem:$0x1C200] =	vst v63  }
0x3e: {  	s14 =	sadd.s32 s9, s16;
	s13 =	sand.u32 $0x300, s15  }
0x3f: {  	_ =	swait.ge [sflag:s24], $0x80;
	s13 =	sor.u32 s14, s13  }
0x40: {  	[sflag:s24] =	ssyncset.done $0x0;
	s13 =	sor.u32 $0x80, s13  }
0x41: {  	[sflag:s24] =	ssyncadd.s32 $0xFFFFFF80;
	s13 =	sshrl.u32 s13, $0x3  }
0x42: {  	[tilespmem:s26], [sflag:$0x1] =	stream.indirect.gather [hbm4b:s4+s25], $0x80, s2, s25, $0xb8;
	[tilespmem:$0x1C200] =	vst v63  }
0x43: {  	s15 =	sadd.s32 s5, s13  }
0x44: {  	[tilespmem:s25], [sflag:$0x2] =	stream.linear.gather [hbm4b:s15+s2], $0x80, $0x38;
	[tilespmem:$0x1C200] =	vst v63  }
0x45: {  	s13 =	sadd.s32 s6, s13  }
0x46: {  	[tilespmem:s28], [sflag:$0x2] =	stream.linear.gather [hbm4b:s13+s2], $0x80, $0x38;
	[tilespmem:$0x1C200] =	vst v63  }
0x47: {  	_ =	swait.ge [sflag:s29], $0x80  }
0x48: {  	[sflag:s29] =	ssyncset.done $0x0  }
0x49: {  	[sflag:s29] =	ssyncadd.s32 $0xFFFFFF80  }
0x4a: {  	_ =	swait.ge [sflag:s29], $0x80  }
0x4b: {  	[sflag:s29] =	ssyncset.done $0x0  }
0x4c: {  	[sflag:s29] =	ssyncadd.s32 $0xFFFFFF80  }
0x4d: {  	[tilespmem:s23], [sflag:$0x1] =	stream.indirect.gather [hbm4b:s4+s25], $0x80, s25, s25, $0xb8;
	[tilespmem:$0x1C200] =	vst v63  }
0x4e: {  	_ =	swait.ge [sflag:s30], $0x4000  }
0x4f: {  	s16 =	sand.u32 $0x7C00, s3;
	[sflag:s30] =	ssyncset.done $0x0  }
0x50: {  	s3 =	sand.u32 $0x300, s3;
	s13 =	sadd.s32 s9, s16;
	[sflag:s30] =	ssyncadd.s32 $0xFFFFC000  }
0x51: {  	[spmem:s1] =	stream.indirect.scatter.add.f32 [tilespmem:s26], [sflag:$0x3], $0x80, s31, s25, $0xb8;
	[tilespmem:$0x1C200] =	vst v63  }
0x52: {  	s3 =	sor.u32 s3, s13;
	_ =	swait.ge [sflag:s24], $0x4000  }
0x53: {  	s3 =	sshrl.u32 s3, $0x3;
	[sflag:s24] =	ssyncset.done $0x0  }
0x54: {  	s14 =	sadd.s32 s5, s3;
	[sflag:s24] =	ssyncadd.s32 $0xFFFFC000  }
0x55: {  	[tilespmem:s2], [sflag:$0x2] =	stream.linear.gather [hbm4b:s14+s2], $0x80, $0x38;
	[tilespmem:$0x1C200] =	vst v63  }
0x56: {  	s3 =	sadd.s32 s6, s3  }
0x57: {  	[tilespmem:s31], [sflag:$0x2] =	stream.linear.gather [hbm4b:s3+s2], $0x80, $0x38;
	[tilespmem:$0x1C200] =	vst v63  }
0x58: {  	_ =	swait.ge [sflag:s29], $0x80  }
0x59: {  	[sflag:s29] =	ssyncset.done $0x0  }
0x5a: {  	[sflag:s29] =	ssyncadd.s32 $0xFFFFFF80  }
0x5b: {  	s15 =	simm.s32 $0x100;
	_ =	swait.ge [sflag:s29], $0x80  }
0x5c: {  	s16 =	sand.u32 $0x3C00, s15;
	s15 =	sand.u32 $0x300, s15;
	[sflag:s29] =	ssyncset.done $0x0  }
0x5d: {  	s13 =	simm.s32 $0x300;
	s14 =	sadd.s32 s9, s16;
	[sflag:s29] =	ssyncadd.s32 $0xFFFFFF80  }
0x5e: {  	[tilespmem:s26], [sflag:$0x1] =	stream.indirect.gather [hbm4b:s4+s25], $0x80, s2, s25, $0xb8;
	[tilespmem:$0x1C200] =	vst v63  }
0x5f: {  	s14 =	sor.u32 s14, s15;
	s3 =	simm.s32 $0x200;
	_ =	swait.ge [sflag:s30], $0x4000  }
.LBB2_4:
0x60: {  	p0 =	sne.s32 s13, $0x2700  }
0x61: {  	[sflag:s30] =	ssyncset.done $0x0;
	s15 =	smov.u32 s13;
	s13 =	sadd.s32 $0x100, s13  }
0x62: {  	[sflag:s30] =	ssyncadd.s32 $0xFFFFC000  }
0x63: {  	[spmem:s1] =	stream.indirect.scatter.add.f32 [tilespmem:s23], [sflag:$0x3], $0x80, s28, s25, $0xb8;
	[tilespmem:$0x1C200] =	vst v63  }
0x64: {  	s14 =	sor.u32 $0x80, s14;
	_ =	swait.ge [sflag:s24], $0x4000  }
0x65: {  	s14 =	sshrl.u32 s14, $0x3;
	[sflag:s24] =	ssyncset.done $0x0  }
0x66: {  	s16 =	sadd.s32 s5, s14;
	[sflag:s24] =	ssyncadd.s32 $0xFFFFC000  }
0x67: {  	[tilespmem:s25], [sflag:$0x2] =	stream.linear.gather [hbm4b:s16+s2], $0x80, $0x38;
	[tilespmem:$0x1C200] =	vst v63  }
0x68: {  	s14 =	sadd.s32 s6, s14  }
0x69: {  	[tilespmem:s28], [sflag:$0x2] =	stream.linear.gather [hbm4b:s14+s2], $0x80, $0x38;
	[tilespmem:$0x1C200] =	vst v63  }
0x6a: {  	_ =	swait.ge [sflag:s29], $0x80  }
0x6b: {  	[sflag:s29] =	ssyncset.done $0x0  }
0x6c: {  	[sflag:s29] =	ssyncadd.s32 $0xFFFFFF80  }
0x6d: {  	_ =	swait.ge [sflag:s29], $0x80  }
0x6e: {  	[sflag:s29] =	ssyncset.done $0x0  }
0x6f: {  	[sflag:s29] =	ssyncadd.s32 $0xFFFFFF80  }
0x70: {  	[tilespmem:s23], [sflag:$0x1] =	stream.indirect.gather [hbm4b:s4+s25], $0x80, s25, s25, $0xb8;
	[tilespmem:$0x1C200] =	vst v63  }
0x71: {  	_ =	swait.ge [sflag:s30], $0x4000  }
0x72: {  	[sflag:s30] =	ssyncset.done $0x0  }
0x73: {  	s16 =	sand.u32 $0x300, s3;
	s14 =	sand.u32 $0x7C00, s3;
	[sflag:s30] =	ssyncadd.s32 $0xFFFFC000  }
0x74: {  	[spmem:s1] =	stream.indirect.scatter.add.f32 [tilespmem:s26], [sflag:$0x3], $0x80, s31, s25, $0xb8;
	[tilespmem:$0x1C200] =	vst v63  }
0x75: {  	s3 =	smov.u32 s15;
	s14 =	sadd.s32 s9, s14;
	_ =	swait.ge [sflag:s24], $0x4000  }
0x76: {  	s14 =	sor.u32 s16, s14;
	[sflag:s24] =	ssyncset.done $0x0  }
0x77: {  	s14 =	sshrl.u32 s14, $0x3;
	[sflag:s24] =	ssyncadd.s32 $0xFFFFC000  }
0x78: {  	s15 =	sadd.s32 s5, s14;
	s14 =	sadd.s32 s6, s14  }
0x79: {  	[tilespmem:s2], [sflag:$0x2] =	stream.linear.gather [hbm4b:s15+s2], $0x80, $0x38;
	[tilespmem:$0x1C200] =	vst v63  }
0x7a: {  	_ = 	snop  }
0x7b: {  	[tilespmem:s31], [sflag:$0x2] =	stream.linear.gather [hbm4b:s14+s2], $0x80, $0x38;
	[tilespmem:$0x1C200] =	vst v63  }
0x7c: {  	_ =	swait.ge [sflag:s29], $0x80  }
0x7d: {  	[sflag:s29] =	ssyncset.done $0x0  }
0x7e: {  	[sflag:s29] =	ssyncadd.s32 $0xFFFFFF80  }
.Ltmp1:
0x7f: {  	s14 =	sadd.s32 $0xFFFFFF00, s3;
	_ =	swait.ge [sflag:s29], $0x80;
	(pc) =	sbr.rel @p0 .LBB2_4-.Ltmp1, $4  }
0x80: {  	s15 =	sand.u32 $0x3C00, s14;
	[sflag:s29] =	ssyncset.done $0x0  }
0x81: {  	s14 =	sand.u32 $0x300, s14;
	s15 =	sadd.s32 s9, s15;
	[sflag:s29] =	ssyncadd.s32 $0xFFFFFF80  }
0x82: {  	[tilespmem:s26], [sflag:$0x1] =	stream.indirect.gather [hbm4b:s4+s25], $0x80, s2, s25, $0xb8;
	[tilespmem:$0x1C200] =	vst v63  }
0x83: {  	s14 =	sor.u32 s15, s14;
	_ =	swait.ge [sflag:s30], $0x4000  }
0x84: {  	[sflag:s30] =	ssyncset.done $0x0  }
0x85: {  	[sflag:s30] =	ssyncadd.s32 $0xFFFFC000  }
0x86: {  	[spmem:s1] =	stream.indirect.scatter.add.f32 [tilespmem:s23], [sflag:$0x3], $0x80, s28, s25, $0xb8;
	[tilespmem:$0x1C200] =	vst v63  }
0x87: {  	s13 =	sor.u32 $0x80, s14;
	_ =	swait.ge [sflag:s24], $0x4000  }
0x88: {  	s13 =	sshrl.u32 s13, $0x3;
	[sflag:s24] =	ssyncset.done $0x0  }
0x89: {  	s16 =	sadd.s32 s5, s13;
	[sflag:s24] =	ssyncadd.s32 $0xFFFFC000  }
0x8a: {  	[tilespmem:s25], [sflag:$0x2] =	stream.linear.gather [hbm4b:s16+s2], $0x80, $0x38;
	[tilespmem:$0x1C200] =	vst v63  }
0x8b: {  	s13 =	sadd.s32 s6, s13  }
0x8c: {  	[tilespmem:s28], [sflag:$0x2] =	stream.linear.gather [hbm4b:s13+s2], $0x80, $0x38;
	[tilespmem:$0x1C200] =	vst v63  }
0x8d: {  	_ =	swait.ge [sflag:s29], $0x80  }
0x8e: {  	[sflag:s29] =	ssyncset.done $0x0  }
0x8f: {  	[sflag:s29] =	ssyncadd.s32 $0xFFFFFF80  }
0x90: {  	_ =	swait.ge [sflag:s29], $0x80  }
0x91: {  	[sflag:s29] =	ssyncset.done $0x0  }
0x92: {  	[sflag:s29] =	ssyncadd.s32 $0xFFFFFF80  }
0x93: {  	[tilespmem:s23], [sflag:$0x1] =	stream.indirect.gather [hbm4b:s4+s25], $0x80, s25, s25, $0xb8;
	[tilespmem:$0x1C200] =	vst v63  }
0x94: {  	_ =	swait.ge [sflag:s30], $0x4000  }
0x95: {  	s15 =	sand.u32 $0x7C00, s3;
	[sflag:s30] =	ssyncset.done $0x0  }
0x96: {  	s16 =	sand.u32 $0x300, s3;
	s13 =	sadd.s32 s9, s15;
	[sflag:s30] =	ssyncadd.s32 $0xFFFFC000  }
0x97: {  	[spmem:s1] =	stream.indirect.scatter.add.f32 [tilespmem:s26], [sflag:$0x3], $0x80, s31, s25, $0xb8;
	[tilespmem:$0x1C200] =	vst v63  }
0x98: {  	s3 =	sor.u32 s16, s13;
	_ =	swait.ge [sflag:s24], $0x4000  }
0x99: {  	s3 =	sshrl.u32 s3, $0x3;
	[sflag:s24] =	ssyncset.done $0x0  }
0x9a: {  	s14 =	sadd.s32 s5, s3;
	[sflag:s24] =	ssyncadd.s32 $0xFFFFC000  }
0x9b: {  	[tilespmem:s2], [sflag:$0x2] =	stream.linear.gather [hbm4b:s14+s2], $0x80, $0x38;
	[tilespmem:$0x1C200] =	vst v63  }
0x9c: {  	s3 =	sadd.s32 s6, s3  }
0x9d: {  	[tilespmem:s31], [sflag:$0x2] =	stream.linear.gather [hbm4b:s3+s2], $0x80, $0x38;
	[tilespmem:$0x1C200] =	vst v63  }
0x9e: {  	_ =	swait.ge [sflag:s29], $0x80  }
0x9f: {  	[sflag:s29] =	ssyncset.done $0x0  }
0xa0: {  	[sflag:s29] =	ssyncadd.s32 $0xFFFFFF80  }
0xa1: {  	_ =	swait.ge [sflag:s29], $0x80  }
0xa2: {  	[sflag:s29] =	ssyncset.done $0x0  }
0xa3: {  	[sflag:s29] =	ssyncadd.s32 $0xFFFFFF80  }
0xa4: {  	[tilespmem:s26], [sflag:$0x1] =	stream.indirect.gather [hbm4b:s4+s25], $0x80, s2, s25, $0xb8;
	[tilespmem:$0x1C200] =	vst v63  }
0xa5: {  	_ =	swait.ge [sflag:s30], $0x4000  }
0xa6: {  	[sflag:s30] =	ssyncset.done $0x0  }
0xa7: {  	[sflag:s30] =	ssyncadd.s32 $0xFFFFC000  }
0xa8: {  	[spmem:s1] =	stream.indirect.scatter.add.f32 [tilespmem:s23], [sflag:$0x3], $0x80, s28, s25, $0xb8;
	[tilespmem:$0x1C200] =	vst v63  }
0xa9: {  	_ =	swait.ge [sflag:s24], $0x4000  }
0xaa: {  	[sflag:s24] =	ssyncset.done $0x0  }
0xab: {  	s15 =	rddreg [dreg:$0x6];
	[sflag:s24] =	ssyncadd.s32 $0xFFFFC000  }
0xac: {  	[tilespmem:s25], [sflag:$0x2] =	stream.linear.gather [hbm4b:s15+s2], $0x80, $0x38;
	[tilespmem:$0x1C200] =	vst v63  }
0xad: {  	_ = 	snop  }
0xae: {  	[tilespmem:s28], [sflag:$0x2] =	stream.linear.gather [hbm4b:s17+s2], $0x80, $0x38;
	[tilespmem:$0x1C200] =	vst v63  }
0xaf: {  	_ =	swait.ge [sflag:s29], $0x80  }
0xb0: {  	[sflag:s29] =	ssyncset.done $0x0  }
0xb1: {  	[sflag:s29] =	ssyncadd.s32 $0xFFFFFF80  }
0xb2: {  	_ =	swait.ge [sflag:s29], $0x80  }
0xb3: {  	[sflag:s29] =	ssyncset.done $0x0  }
0xb4: {  	[sflag:s29] =	ssyncadd.s32 $0xFFFFFF80  }
0xb5: {  	[tilespmem:s23], [sflag:$0x1] =	stream.indirect.gather [hbm4b:s4+s25], $0x80, s25, s25, $0xb8;
	[tilespmem:$0x1C200] =	vst v63  }
0xb6: {  	_ =	swait.ge [sflag:s30], $0x4000  }
0xb7: {  	[sflag:s30] =	ssyncset.done $0x0  }
0xb8: {  	[sflag:s30] =	ssyncadd.s32 $0xFFFFC000  }
0xb9: {  	[spmem:s1] =	stream.indirect.scatter.add.f32 [tilespmem:s26], [sflag:$0x3], $0x80, s31, s25, $0xb8;
	[tilespmem:$0x1C200] =	vst v63  }
0xba: {  	_ =	swait.ge [sflag:s24], $0x4000  }
0xbb: {  	[sflag:s24] =	ssyncset.done $0x0  }
0xbc: {  	[sflag:s24] =	ssyncadd.s32 $0xFFFFC000  }
0xbd: {  	_ =	swait.ge [sflag:s30], $0x4000  }
0xbe: {  	[sflag:s30] =	ssyncset.done $0x0  }
0xbf: {  	[sflag:s30] =	ssyncadd.s32 $0xFFFFC000  }
0xc0: {  	[spmem:s1] =	stream.indirect.scatter.add.f32 [tilespmem:s23], [sflag:$0x3], $0x80, s28, s25, $0xb8;
	[tilespmem:$0x1C200] =	vst v63  }
0xc1: {  	_ =	swait.ge [sflag:s24], $0x4000  }
0xc2: {  	[sflag:s24] =	ssyncset.done $0x0  }
0xc3: {  	[sflag:s24] =	ssyncadd.s32 $0xFFFFC000  }
0xc4: {  	[bflag:$0x0] =	sbarrier.arrive $0xFFFF  }
0xc5: {  	[tilespmem:s26], [sflag:$0x3] =	stream.linear.gather [spmem:s7], $0x4000, $0x38;
	[tilespmem:$0x1C200] =	vst v63  }
0xc6: {  	_ =	swait.ge [sflag:s24], $0x4000  }
0xc7: {  	[sflag:s24] =	ssyncset.done $0x0  }
0xc8: {  	[sflag:s24] =	ssyncadd.s32 $0xFFFFC000  }
0xc9: {  	[hbm4b:s18+s2] =	stream.linear.scatter [tilespmem:s26], [sflag:$0x3], $0x4000, $0x38;
	[tilespmem:$0x1C200] =	vst v63  }
0xca: {  	_ =	swait.ge [sflag:s24], $0x4000  }
0xcb: {  	[sflag:s24] =	ssyncset.done $0x0  }
0xcc: {  	[sflag:s24] =	ssyncadd.s32 $0xFFFFC000  }
0xcd: {  	[tilespmem:s26], [sflag:$0x3] =	stream.linear.gather [spmem:s8], $0x4000, $0x38;
	[tilespmem:$0x1C200] =	vst v63  }
0xce: {  	_ =	swait.ge [sflag:s24], $0x4000  }
0xcf: {  	[sflag:s24] =	ssyncset.done $0x0  }
0xd0: {  	[sflag:s24] =	ssyncadd.s32 $0xFFFFC000  }
0xd1: {  	[hbm4b:s19+s2] =	stream.linear.scatter [tilespmem:s26], [sflag:$0x3], $0x4000, $0x38;
	[tilespmem:$0x1C200] =	vst v63  }
0xd2: {  	_ =	swait.ge [sflag:s24], $0x4000  }
0xd3: {  	[sflag:s24] =	ssyncset.done $0x0  }
0xd4: {  	[sflag:s24] =	ssyncadd.s32 $0xFFFFC000  }
0xd5: {  	[tilespmem:s26], [sflag:$0x3] =	stream.linear.gather [spmem:s10], $0x4000, $0x38;
	[tilespmem:$0x1C200] =	vst v63  }
0xd6: {  	_ =	swait.ge [sflag:s24], $0x4000  }
0xd7: {  	[sflag:s24] =	ssyncset.done $0x0  }
0xd8: {  	[sflag:s24] =	ssyncadd.s32 $0xFFFFC000  }
0xd9: {  	[hbm4b:s20+s2] =	stream.linear.scatter [tilespmem:s26], [sflag:$0x3], $0x4000, $0x38;
	[tilespmem:$0x1C200] =	vst v63  }
0xda: {  	_ =	swait.ge [sflag:s24], $0x4000  }
0xdb: {  	[sflag:s24] =	ssyncset.done $0x0  }
0xdc: {  	[sflag:s24] =	ssyncadd.s32 $0xFFFFC000  }
0xdd: {  	[tilespmem:s26], [sflag:$0x3] =	stream.linear.gather [spmem:s11], $0x4000, $0x38;
	[tilespmem:$0x1C200] =	vst v63  }
0xde: {  	_ =	swait.ge [sflag:s24], $0x4000  }
0xdf: {  	[sflag:s24] =	ssyncset.done $0x0  }
0xe0: {  	[sflag:s24] =	ssyncadd.s32 $0xFFFFC000  }
0xe1: {  	[hbm4b:s21+s2] =	stream.linear.scatter [tilespmem:s26], [sflag:$0x3], $0x4000, $0x38;
	[tilespmem:$0x1C200] =	vst v63  }
0xe2: {  	_ =	swait.ge [sflag:s24], $0x4000  }
0xe3: {  	[sflag:s24] =	ssyncset.done $0x0  }
0xe4: {  	[sflag:s24] =	ssyncadd.s32 $0xFFFFC000  }
0xe5: {  	[tilespmem:s26], [sflag:$0x3] =	stream.linear.gather [spmem:s12], $0x4000, $0x38;
	[tilespmem:$0x1C200] =	vst v63  }
0xe6: {  	_ =	swait.ge [sflag:s24], $0x4000  }
0xe7: {  	[sflag:s24] =	ssyncset.done $0x0  }
0xe8: {  	[sflag:s24] =	ssyncadd.s32 $0xFFFFC000  }
0xe9: {  	[hbm4b:s22+s2] =	stream.linear.scatter [tilespmem:s26], [sflag:$0x3], $0x4000, $0x38;
	[tilespmem:$0x1C200] =	vst v63  }
0xea: {  	_ =	swait.ge [sflag:s24], $0x4000  }
0xeb: {  	s0 =	sadd.s32 $0x1, s0;
	s16 =	rddreg [dreg:$0x5]  }
0xec: {  	p0 =	sne.s32 s0, s16  }
.Ltmp2:
0xed: {  	_ = 	snop;
	(pc) =	sbr.rel @p0 .LBB2_1-.Ltmp2, $3  }
0xee: {  	_ =	sdelay $0x1  }
0xef: {  	[sflag:s24] =	ssyncset.done $0x0  }
0xf0: {  	[sflag:s24] =	ssyncadd.s32 $0xFFFFC000  }
0xf1: {  	_ =	sfence.sel $0x180000  }
0xf2: {  	[bflag:$0x0] =	sbarrier.arrive $0xFFFF  }
0xf3: {  	_ =	strace $0x9000004A  }
0xf4: {  	s0 =	stileid.u32;
	[bflag:$0x2] =	sbarrier.arrive $0xFFFF  }
0xf5: {  	p0 =	sne.s32 s0, $0x0;
	s0 =	rddreg [dreg:$0x2]  }
0xf6: {  	s0 =	sadd.s32 @!p0 $0x100000, s0  }
0xf7: {  	[sflag:s0] =	ssyncadd.tile.s32 @!p0 $0x1;
	_ =	shalt  }
.Lfunc_end2:
_tile_overlayer_lowered:
.L_overlay_start_2:
0xf8: {  	(tag) =	ssettag $0x2  }
0xf9: {  	s0 =	rddreg [dreg:$0x0];
	s2 =	stileid.u32  }
0xfa: {  	s1 =	rddreg [dreg:$0x1];
	p0 =	sne.s32 s2, $0x0  }
0xfb: {  	s3 =	rddreg [dreg:$0x2];
	[bflag:$0x3] =	sbarrier.arrive $0xFFFF;
	s2 =	simm.s32 @!p0 $0x1C03  }
0xfc: {  	[timem:s3], [sflag:s2] =	dma.local @!p0 [hbm:s0], s1  }
0xfd: {  	s0 =	simm.s32 @!p0 $0x3  }
0xfe: {  	_ =	swait.ge @!p0 [sflag:s0], s1  }
0xff: {  	s1 =	ssub.s32 @!p0 $0x0, s1;
	[sflag:s0] =	ssyncset.done @!p0 $0x0  }
0x100: {  	[sflag:s0] =	ssyncadd.s32 @!p0 s1  }
0x101: {  	[bflag:$0x3] =	sbarrier.arrive $0xFFFF  }
0x102: {  	_ =	shalt  }

// kernel: kernel.14.cloned.1.call-start
scs
__scs_entry_jumppad:
0x0: {  	(pc) =	sbr.rel $0x88, $3  }
0x1: {  	(tag) =	ssettag $0x0;
	lr =	simm.s32 $0x1  }
0x2: {  	[smem:$0x3F98] =	sst lr;
	_ =	strace $0xD0000000  }
0x3: {  	_ = 	snop  }
0x4: {  	_ = 	snop  }
0x5: {  	_ = 	snop  }
0x6: {  	_ = 	snop  }
0x7: {  	_ = 	snop  }
__scs_overlays_trampoline_lowered:
0x8: {  	[smem:$0x3FA7] =	sst s0  }
0x9: {  	[smem:$0x3FA8] =	sst s1  }
0xa: {  	[smem:$0x3FA9] =	sst s2  }
0xb: {  	[smem:$0x3FAA] =	sst s3  }
0xc: {  	[smem:$0x3FAB] =	sst s4  }
0xd: {  	[smem:$0x3FAC] =	sst s5  }
0xe: {  	[smem:$0x3FAD] =	sst s6  }
0xf: {  	[smem:$0x3FAE] =	sst s7  }
0x10: {  	[smem:$0x3FAF] =	sst s8  }
0x11: {  	[smem:$0x3FB0] =	sst s9;
	s0 =	simm.s32 @!p0 $0x0  }
0x12: {  	s1 =	sld [smem:$0x3F96];
	s0 =	simm.s32 @p0 $0x1  }
0x13: {  	[smem:$0x3FB1] =	sst s0;
	s0 =	simm.s32 @!p1 $0x0  }
0x14: {  	s2 =	sld [smem:$0x3F95];
	s0 =	simm.s32 @p1 $0x1  }
0x15: {  	[smem:$0x3FB2] =	sst s0;
	s0 =	simm.s32 @!p2 $0x0  }
0x16: {  	s3 =	sld [smem:$0x3FDB];
	s0 =	simm.s32 @p2 $0x1  }
0x17: {  	s4 =	simm.s32 $0x1BF5;
	[smem:$0x3FB4] =	sst s0  }
0x18: {  	s0 =	sld [smem:$0x3F97];
	_ =	swait.ge [sflag:s4], $0x0  }
0x19: {  	s7 =	sld [smem:$0x3F98]  }
0x1a: {  	s8 =	sadd.s32 $0xFFFFE003, lr  }
0x1b: {  	s9 =	sadd.s32 $0xFFFFFEF7, lr;
	s5 =	simm.s32 $0xFFFFFFFF;
	p2 =	slt.u32 s8, $0xFFFFF086  }
0x1c: {  	p1 =	slt.u32 s9, $0xF7A;
	s5 =	simm.s32 @!p2 $0x0  }
0x1d: {  	s5 =	simm.s32 @p1 $0x1;
	p0 =	seq.s32 s7, s2  }
0x1e: {  	s7 =	smul.u32 @!p0 $0xF7A, s2;
	p2 =	seq.s32 @!p0 s5, $0x0  }
0x1f: {  	s9 =	smul.u32 $0xF7A, s1;
	s8 =	simm.s32 @!p0 $0x1BF5;
	p2 =	por !p2, p0  }
0x20: {  	[sflag:s8] =	ssyncset.s32 @!p0 $0xFFFFF086;
	s6 =	sadd.s32 @!p0 s3, s7;
	s7 =	simm.s32 @!p0 $0x108  }
0x21: {  	s3 =	sadd.s32 s3, s9;
	s6 =	sadd.s32 @!p0 $0x88, s6;
	s7 =	simm.s32 @p2 $0x1082  }
0x22: {  	[simem:s7], [sflag:s8] =	dma.local @!p0 [hbm:s6], $0xF7A  }
0x23: {  	s9 =	sor.u32 $0xD0000000, s2;
	s6 =	simm.s32 $0x108;
	_ =	swait.ge @!p0 [sflag:s8], $0x0  }
0x24: {  	s3 =	sadd.s32 $0x88, s3;
	s6 =	simm.s32 @!p1 $0x1082;
	[sflag:s4] =	ssyncset.s32 $0xFFFFF086  }
0x25: {  	[simem:s6], [sflag:s4] =	dma.local [hbm:s3], $0xF7A  }
0x26: {  	[smem:$0x3F98] =	sst s1;
	(tag) =	ssettag s2;
	_ =	strace s9  }
0x27: {  	s1 =	sld [smem:$0x3FA8]  }
0x28: {  	s2 =	sld [smem:$0x3FA9]  }
0x29: {  	s4 =	sld [smem:$0x3FAB]  }
0x2a: {  	p0 =	seq.s32 s5, $0x0;
	s5 =	sld [smem:$0x3FAC]  }
0x2b: {  	s6 =	sld [smem:$0x3FAD]  }
0x2c: {  	s7 =	sld [smem:$0x3FAE]  }
0x2d: {  	s3 =	simm.s32 $0x108;
	s8 =	sld [smem:$0x3FAF]  }
0x2e: {  	s3 =	simm.s32 @!p0 $0x1082;
	s9 =	sld [smem:$0x3FB0]  }
0x2f: {  	lr =	sadd.s32 s0, s3;
	s0 =	sld [smem:$0x3FA7]  }
0x30: {  	s3 =	sld [smem:$0x3FAA]  }
0x31: {  	[smem:$0x3FB3] =	sst s10  }
0x32: {  	s10 =	sld [smem:$0x3FB1];
	_ =	sdelay $0x3  }
0x33: {  	p0 =	seq.s32 s10, $0x1;
	s10 =	sld [smem:$0x3FB3];
	_ =	sdelay $0x3  }
0x34: {  	[smem:$0x3FB3] =	sst s10  }
0x35: {  	s10 =	sld [smem:$0x3FB2];
	_ =	sdelay $0x3  }
0x36: {  	p1 =	seq.s32 s10, $0x1;
	s10 =	sld [smem:$0x3FB3];
	_ =	sdelay $0x3  }
0x37: {  	[smem:$0x3FB3] =	sst s10  }
0x38: {  	s10 =	sld [smem:$0x3FB4]  }
0x39: {  	_ = 	snop;
	(pc) =	sbr.ind lr, $3  }
0x3a: {  	_ = 	snop  }
0x3b: {  	_ = 	snop  }
0x3c: {  	p2 =	seq.s32 s10, $0x1;
	s10 =	sld [smem:$0x3FB3]  }
0x3d: {  	_ =	shalt  }
0x3e: {  	_ =	shalt  }
0x3f: {  	_ =	shalt  }
0x40: {  	_ =	shalt  }
0x41: {  	_ =	shalt  }
0x42: {  	_ =	shalt  }
0x43: {  	_ =	shalt  }
0x44: {  	_ =	shalt  }
0x45: {  	_ =	shalt  }
0x46: {  	_ =	shalt  }
0x47: {  	_ =	shalt  }
0x48: {  	_ =	shalt  }
0x49: {  	_ =	shalt  }
0x4a: {  	_ =	shalt  }
0x4b: {  	_ =	shalt  }
0x4c: {  	_ =	shalt  }
0x4d: {  	_ =	shalt  }
0x4e: {  	_ =	shalt  }
0x4f: {  	_ =	shalt  }
0x50: {  	_ =	shalt  }
0x51: {  	_ =	shalt  }
0x52: {  	_ =	shalt  }
0x53: {  	_ =	shalt  }
0x54: {  	_ =	shalt  }
0x55: {  	_ =	shalt  }
0x56: {  	_ =	shalt  }
0x57: {  	_ =	shalt  }
0x58: {  	_ =	shalt  }
0x59: {  	_ =	shalt  }
0x5a: {  	_ =	shalt  }
0x5b: {  	_ =	shalt  }
0x5c: {  	_ =	shalt  }
0x5d: {  	_ =	shalt  }
0x5e: {  	_ =	shalt  }
0x5f: {  	_ =	shalt  }
0x60: {  	_ =	shalt  }
0x61: {  	_ =	shalt  }
0x62: {  	_ =	shalt  }
0x63: {  	_ =	shalt  }
0x64: {  	_ =	shalt  }
0x65: {  	_ =	shalt  }
0x66: {  	_ =	shalt  }
0x67: {  	_ =	shalt  }
0x68: {  	_ =	shalt  }
0x69: {  	_ =	shalt  }
0x6a: {  	_ =	shalt  }
0x6b: {  	_ =	shalt  }
0x6c: {  	_ =	shalt  }
0x6d: {  	_ =	shalt  }
0x6e: {  	_ =	shalt  }
0x6f: {  	_ =	shalt  }
0x70: {  	_ =	shalt  }
0x71: {  	_ =	shalt  }
0x72: {  	_ =	shalt  }
0x73: {  	_ =	shalt  }
0x74: {  	_ =	shalt  }
0x75: {  	_ =	shalt  }
0x76: {  	_ =	shalt  }
0x77: {  	_ =	shalt  }
0x78: {  	_ =	shalt  }
0x79: {  	_ =	shalt  }
0x7a: {  	_ =	shalt  }
0x7b: {  	_ =	shalt  }
0x7c: {  	_ =	shalt  }
0x7d: {  	_ =	shalt  }
0x7e: {  	_ =	shalt  }
0x7f: {  	_ =	shalt  }
0x80: {  	_ =	shalt  }
0x81: {  	_ =	shalt  }
0x82: {  	_ =	shalt  }
0x83: {  	_ =	shalt  }
0x84: {  	_ =	shalt  }
0x85: {  	_ =	shalt  }
0x86: {  	_ =	shalt  }
0x87: {  	_ =	shalt  }
.Lfunc_end0:
.L_simem_size_0:
called_computation.2_lowered:
.L_overlay_start_0:
0x88: {  	s2 =	sld [smem:$0x3FD9]  }
0x89: {  	s3 =	sld [smem:$0x3FFE];
	_ =	sdelay $0x1  }
0x8a: {  	s1 =	srdreg.scid  }
0x8b: {  	s0 =	sand.u32 $0x1, s1  }
0x8c: {  	s16 =	sshll.u32 s0, $0xA;
	s2 =	sadd.s32 s3, s2  }
0x8d: {  	s2 =	sadd.s32 s2, s16  }
0x8e: {  	[smem:$0x3FBF] =	sst s2  }
0x8f: {  	_ = 	snop  }
0x90: {  	(tm) =	ssettm $0x1  }
0x91: {  	s17 =	sld [smem:$0x3FFB];
	_ =	sdelay $0x3  }
0x92: {  	_ =	strace s17  }
0x93: {  	s2 =	sld [smem:$0x3FFC];
	_ =	sdelay $0x3  }
0x94: {  	_ =	strace s2  }
0x95: {  	s2 =	sld [smem:$0x3FFD];
	_ =	sdelay $0x3  }
0x96: {  	_ =	strace s2  }
0x97: {  	_ =	strace $0x8FFFFFFF  }
0x98: {  	s18 =	sld [smem:$0x3FDB];
	_ =	sdelay $0x1  }
0x99: {  	s19 =	simm.s32 $_scs_section_size  }
0x9a: {  	s4 =	simm.s32 $_size__tile_overlayer_lowered;
	s5 =	simm.s32 $_tile_overlayer_lowered  }
0x9b: {  	s22 =	simm.s32 $0x1BFF;
	s21 =	sshll.u32 s5, $0x1;
	s2 =	sadd.s32 s19, s18  }
0x9c: {  	s6 =	simm.s32 $0x0;
	s20 =	sshll.u32 s4, $0x1;
	s4 =	sadd.s32 s21, s2  }
0x9d: {  	[timem:s6], [sflag:s22] =	dma.local [hbm:s4], s20  }
0x9e: {  	_ =	swait.ge [sflag:s22], s20  }
0x9f: {  	s3 =	ssub.s32 $0x0, s20;
	[sflag:s22] =	ssyncset.done $0x0  }
0xa0: {  	[sflag:s22] =	ssyncadd.s32 s3;
	_ =	sdelay $0x1  }
0xa1: {  	s23 =	simm.s32 $0x1B8B  }
0xa2: {  	_ =	swait.ge [sflag:s23], $0x1  }
0xa3: {  	[sflag:s23] =	ssyncset.done $0x0  }
0xa4: {  	s25 =	simm.s32 $0x1B8E;
	s24 =	sld [smem:$0x3FFE];
	[sflag:s23] =	ssyncadd.s32 $0xFFFFFFFF  }
0xa5: {  	s26 =	simm.s32 $execute0_lowered;
	[smem:$0x3FD2] =	sst s25  }
0xa6: {  	s4 =	sshll.u32 s26, $0x1;
	_ =	strace $0x8000004C;
	[dreg:$0x1] =	wrdreg $0xFFFFFFFF  }
0xa7: {  	s28 =	simm.s32 $_size_execute0_lowered;
	s2 =	sadd.s32 s2, s4;
	[dreg:$0x0] =	wrdreg $0x0  }
0xa8: {  	s4 =	sshll.u32 s28, $0x1;
	[dreg:$0x2] =	wrdreg s2  }
0xa9: {  	[dreg:$0x3] =	wrdreg s4  }
0xaa: {  	[dreg:$0x4] =	wrdreg $0xC0  }
0xab: {  	_ =	task [dreg:s6], $0x5FFFF  }
0xac: {  	[dreg:$0x1] =	wrdreg $0xFFFFFFFF  }
0xad: {  	[dreg:$0x0] =	wrdreg $0x60  }
0xae: {  	[dreg:$0x2] =	wrdreg s24  }
0xaf: {  	[dreg:$0x3] =	wrdreg $0x82000  }
0xb0: {  	[dreg:$0x4] =	wrdreg $0x9  }
0xb1: {  	_ =	task.clear_ibuf [dreg:s6], $0x5FFFF;
	_ =	strace $0x9000004C  }
0xb2: {  	s29 =	simm.s32 $0x9;
	_ =	strace $0x8000004E  }
0xb3: {  	_ =	swait.ge [sflag:s29], $0x1  }
0xb4: {  	[sflag:s29] =	ssyncadd.s32 $0xFFFFFFFF  }
0xb5: {  	_ =	strace $0x9000004E  }
0xb6: {  	_ =	sfence  }
0xb7: {  	s30 =	sld [smem:$0x0];
	_ =	sdelay $0x2  }
0xb8: {  	s31 =	sshll.u32 s1, $0xD;
	s1 =	sshrl.u32 s1, $0x2  }
0xb9: {  	s3 =	sand.u32 $0x4000, s31;
	s1 =	sadd.s32 s1, s30  }
0xba: {  	s0 =	sor.u32 s3, s0;
	s1 =	sshll.u32 s1, $0x11  }
0xbb: {  	s0 =	sor.u32 s1, s0  }
0xbc: {  	s0 =	sadd.s32 $0x8F2B, s0  }
0xbd: {  	[sflag:s0] =	ssyncadd.remote.s32 $0x1  }
0xbe: {  	_ =	sfence.sel $0xFFFF  }
0xbf: {  	[dreg:$0x0] =	wrdreg $0xFFFFFFFF;
	(pc) =	sbr.abs _section_cstart, $3  }
0xc0: {  	[dreg:$0x1] =	wrdreg $0xFFFFFFFF  }
0xc1: {  	_ =	task.clear_ibuf [dreg:s6], $0x2FFFF;
	_ =	strace $0x9FFFFFFF  }
0xc2: {  	(tm) =	ssettm $0x7FFFFFFF  }
0xc3: {  	_ =	shalt  }
tec
execute0_lowered:
.L_overlay_start_1:
0x0: {  	(tag) =	ssettag $0x1  }
0x1: {  	s0 =	rddreg [dreg:$0x0]  }
0x2: {  	s1 =	rddreg [dreg:$0x1];
	s2 =	simm.s32 $0x0;
	s3 =	srdreg.scid  }
0x3: {  	s19 =	stileid.u32;
	s28 =	simm.s32 $0x3;
	s29 =	simm.s32 $0x100  }
0x4: {  	s30 =	simm.s32 $0x80;
	s31 =	simm.s32 $0x200;
	[smem:$0x7FF] =	sst s2  }
0x5: {  	s4 =	sadd.s32 $0x4400, s0;
	s5 =	sadd.s32 $0x2B600, s0;
	s6 =	sadd.s32 $0x90000, s0  }
0x6: {  	s3 =	sand.u32 $0x1, s3;
	s7 =	sadd.s32 $0x9A000, s0;
	s9 =	smul.u32 $0x280, s19  }
0x7: {  	s10 =	sadd.s32 $0x52800, s0;
	s11 =	smul.u32 $0x50000, s19;
	s0 =	sadd.s32 $0xA4000, s0  }
0x8: {  	s12 =	smul.u32 $0x5000, s19;
	_ =	strace $0x8000004D;
	[dreg:$0x3] =	wrdreg s10  }
0x9: {  	s23 =	smul.u32 $0x2800, s19;
	s8 =	ssub.s32 $0x2, s3;
	[dreg:$0x4] =	wrdreg s0  }
0xa: {  	p0 =	seq.s32 s3, $0x1;
	s3 =	simm.s32 $0x2;
	s25 =	sshrl.u32 s8, $0x1  }
0xb: {  	s26 =	sadd.s32 $0x80, s9;
	s18 =	sshrl.u32 s11, $0x2;
	s16 =	sadd.s32 $0x100, s9  }
0xc: {  	s17 =	sadd.s32 $0x180, s9;
	s9 =	sadd.s32 $0x200, s9;
	[dreg:$0x7] =	wrdreg s23  }
0xd: {  	s0 =	ssub.s32 s8, s25;
	s20 =	sshll.u32 s26, $0x7;
	s10 =	sadd.s32 s18, s1  }
0xe: {  	s13 =	sshll.u32 s16, $0x7;
	s14 =	sshll.u32 s17, $0x7;
	s15 =	sshll.u32 s9, $0x7  }
0xf: {  	s18 =	sshrl.u32 s12, $0x3;
	s24 =	sshll.u32 s26, $0x4;
	s25 =	sshll.u32 s16, $0x4  }
0x10: {  	s8 =	simm.s32 $0x1;
	s11 =	sadd.s32 s20, s1;
	s13 =	sadd.s32 s13, s1  }
0x11: {  	s14 =	sadd.s32 s14, s1;
	s15 =	sadd.s32 s15, s1;
	[dreg:$0x8] =	wrdreg s24  }
.Ltmp0:
0x12: {  	s21 =	sadd.s32 s6, s18;
	[dreg:$0x9] =	wrdreg s25;
	(pc) =	sbr.rel .LBB2_1-.Ltmp0, $4  }
0x13: {  	s22 =	sadd.s32 s7, s18;
	s26 =	sadd.s32 $0x9F0, s18;
	[dreg:$0x5] =	wrdreg s21  }
0x14: {  	s23 =	smax.u32 s0, $0x1;
	s0 =	simm.s32 $0x180;
	[dreg:$0x6] =	wrdreg s22  }
0x15: {  	s21 =	sshll.u32 s17, $0x4;
	s22 =	sshll.u32 s9, $0x4;
	s24 =	sadd.s32 s7, s26  }
0x16: {  	v0 =	vimm.f32 $0.0e+00;
	s25 =	sadd.s32 s6, s26;
	s26 =	simm.s32 $0x4200;
	s9 =	simm.s32 $0x0  }
.LBB2_6:
0x17: {  	[sflag:s8] =	ssyncset.done $0x0  }
0x18: {  	[sflag:s8] =	ssyncadd.s32 $0xFFFFC000  }
0x19: {  	[spmem:s1] =	stream.indirect.scatter.add.f32 [tilespmem:s26], [sflag:$0x3], $0x80, s0, s30, $0xb8;
	[tilespmem:$0x1C200] =	vst v63  }
0x1a: {  	s17 =	sor.u32 $0x80, s18;
	_ =	swait.ge [sflag:s28], $0x4000  }
0x1b: {  	s17 =	sshrl.u32 s17, $0x3;
	[sflag:s28] =	ssyncset.done $0x0  }
0x1c: {  	s20 =	sadd.s32 s6, s17;
	[sflag:s28] =	ssyncadd.s32 $0xFFFFC000  }
0x1d: {  	[tilespmem:s30], [sflag:$0x2] =	stream.linear.gather [hbm4b:s20+s2], $0x80, $0x38;
	[tilespmem:$0x1C200] =	vst v63  }
0x1e: {  	s17 =	sadd.s32 s7, s17  }
0x1f: {  	[tilespmem:s0], [sflag:$0x2] =	stream.linear.gather [hbm4b:s17+s2], $0x80, $0x38;
	[tilespmem:$0x1C200] =	vst v63  }
0x20: {  	_ =	swait.ge [sflag:s3], $0x80  }
0x21: {  	[sflag:s3] =	ssyncset.done $0x0  }
0x22: {  	[sflag:s3] =	ssyncadd.s32 $0xFFFFFF80  }
0x23: {  	_ =	swait.ge [sflag:s3], $0x80  }
0x24: {  	[sflag:s3] =	ssyncset.done $0x0  }
0x25: {  	[sflag:s3] =	ssyncadd.s32 $0xFFFFFF80  }
0x26: {  	[tilespmem:s26], [sflag:$0x1] =	stream.indirect.gather [hbm4b:s4+s30], $0x80, s30, s30, $0xb8;
	[tilespmem:$0x1C200] =	vst v63  }
0x27: {  	_ =	swait.ge [sflag:s8], $0x4000  }
0x28: {  	s18 =	sand.u32 $0xFC00, s16;
	[sflag:s8] =	ssyncset.done $0x0  }
0x29: {  	s19 =	sand.u32 $0x300, s16;
	s17 =	sadd.s32 s12, s18;
	[sflag:s8] =	ssyncadd.s32 $0xFFFFC000  }
0x2a: {  	[spmem:s1] =	stream.indirect.scatter.add.f32 [tilespmem:s31], [sflag:$0x3], $0x80, s29, s30, $0xb8;
	[tilespmem:$0x1C200] =	vst v63  }
0x2b: {  	s16 =	sor.u32 s19, s17;
	_ =	swait.ge [sflag:s28], $0x4000  }
0x2c: {  	s16 =	sshrl.u32 s16, $0x3;
	[sflag:s28] =	ssyncset.done $0x0  }
0x2d: {  	s20 =	sadd.s32 s6, s16;
	[sflag:s28] =	ssyncadd.s32 $0xFFFFC000  }
0x2e: {  	[tilespmem:s2], [sflag:$0x2] =	stream.linear.gather [hbm4b:s20+s2], $0x80, $0x38;
	[tilespmem:$0x1C200] =	vst v63  }
0x2f: {  	s16 =	sadd.s32 s7, s16  }
0x30: {  	[tilespmem:s29], [sflag:$0x2] =	stream.linear.gather [hbm4b:s16+s2], $0x80, $0x38;
	[tilespmem:$0x1C200] =	vst v63  }
0x31: {  	_ =	swait.ge [sflag:s3], $0x80  }
0x32: {  	[sflag:s3] =	ssyncset.done $0x0  }
0x33: {  	[sflag:s3] =	ssyncadd.s32 $0xFFFFFF80  }
0x34: {  	_ =	swait.ge [sflag:s3], $0x80  }
0x35: {  	[sflag:s3] =	ssyncset.done $0x0  }
0x36: {  	[sflag:s3] =	ssyncadd.s32 $0xFFFFFF80  }
0x37: {  	[tilespmem:s31], [sflag:$0x1] =	stream.indirect.gather [hbm4b:s4+s30], $0x80, s2, s30, $0xb8;
	[tilespmem:$0x1C200] =	vst v63  }
0x38: {  	_ =	swait.ge [sflag:s8], $0x4000  }
0x39: {  	[sflag:s8] =	ssyncset.done $0x0  }
0x3a: {  	[sflag:s8] =	ssyncadd.s32 $0xFFFFC000  }
0x3b: {  	[spmem:s1] =	stream.indirect.scatter.add.f32 [tilespmem:s26], [sflag:$0x3], $0x80, s0, s30, $0xb8;
	[tilespmem:$0x1C200] =	vst v63  }
0x3c: {  	_ =	swait.ge [sflag:s28], $0x4000  }
0x3d: {  	[sflag:s28] =	ssyncset.done $0x0  }
0x3e: {  	s17 =	smov.u32 s4;
	s16 =	rddreg [dreg:$0x3];
	[sflag:s28] =	ssyncadd.s32 $0xFFFFC000  }
.LBB2_10:
0x3f: {  	[tilespmem:s30], [sflag:$0x2] =	stream.linear.gather [hbm4b:s25+s2], $0x80, $0x38;
	[tilespmem:$0x1C200] =	vst v63  }
0x40: {  	_ = 	snop  }
0x41: {  	[tilespmem:s0], [sflag:$0x2] =	stream.linear.gather [hbm4b:s24+s2], $0x80, $0x38;
	[tilespmem:$0x1C200] =	vst v63  }
0x42: {  	_ =	swait.ge [sflag:s3], $0x80  }
0x43: {  	[sflag:s3] =	ssyncset.done $0x0  }
0x44: {  	[sflag:s3] =	ssyncadd.s32 $0xFFFFFF80  }
0x45: {  	_ =	swait.ge [sflag:s3], $0x80  }
0x46: {  	[sflag:s3] =	ssyncset.done $0x0  }
0x47: {  	[sflag:s3] =	ssyncadd.s32 $0xFFFFFF80  }
0x48: {  	[tilespmem:s26], [sflag:$0x1] =	stream.indirect.gather [hbm4b:s17+s30], $0x80, s30, s30, $0xb8;
	[tilespmem:$0x1C200] =	vst v63  }
0x49: {  	_ =	swait.ge [sflag:s8], $0x4000  }
0x4a: {  	[sflag:s8] =	ssyncset.done $0x0  }
0x4b: {  	[sflag:s8] =	ssyncadd.s32 $0xFFFFC000  }
0x4c: {  	[spmem:s1] =	stream.indirect.scatter.add.f32 [tilespmem:s31], [sflag:$0x3], $0x80, s29, s30, $0xb8;
	[tilespmem:$0x1C200] =	vst v63  }
0x4d: {  	_ =	swait.ge [sflag:s28], $0x4000  }
0x4e: {  	[sflag:s28] =	ssyncset.done $0x0  }
0x4f: {  	[sflag:s28] =	ssyncadd.s32 $0xFFFFC000  }
0x50: {  	_ =	swait.ge [sflag:s8], $0x4000  }
0x51: {  	[sflag:s8] =	ssyncset.done $0x0  }
0x52: {  	[sflag:s8] =	ssyncadd.s32 $0xFFFFC000  }
0x53: {  	[spmem:s1] =	stream.indirect.scatter.add.f32 [tilespmem:s26], [sflag:$0x3], $0x80, s0, s30, $0xb8;
	[tilespmem:$0x1C200] =	vst v63  }
0x54: {  	_ =	swait.ge [sflag:s28], $0x4000  }
0x55: {  	[sflag:s28] =	ssyncset.done $0x0  }
0x56: {  	[sflag:s28] =	ssyncadd.s32 $0xFFFFC000  }
0x57: {  	[bflag:$0x0] =	sbarrier.arrive $0xFFFF  }
0x58: {  	[tilespmem:s31], [sflag:$0x3] =	stream.linear.gather [spmem:s10], $0x4000, $0x38;
	[tilespmem:$0x1C200] =	vst v63  }
0x59: {  	_ =	swait.ge [sflag:s28], $0x4000  }
0x5a: {  	[sflag:s28] =	ssyncset.done $0x0;
	s19 =	rddreg [dreg:$0x7]  }
0x5b: {  	s17 =	sadd.s32 s16, s19;
	[sflag:s28] =	ssyncadd.s32 $0xFFFFC000  }
0x5c: {  	[hbm4b:s17+s2] =	stream.linear.scatter [tilespmem:s31], [sflag:$0x3], $0x4000, $0x38;
	[tilespmem:$0x1C200] =	vst v63  }
0x5d: {  	_ =	swait.ge [sflag:s28], $0x4000  }
0x5e: {  	[sflag:s28] =	ssyncset.done $0x0  }
0x5f: {  	[sflag:s28] =	ssyncadd.s32 $0xFFFFC000  }
0x60: {  	[tilespmem:s31], [sflag:$0x3] =	stream.linear.gather [spmem:s11], $0x4000, $0x38;
	[tilespmem:$0x1C200] =	vst v63  }
0x61: {  	_ =	swait.ge [sflag:s28], $0x4000  }
0x62: {  	[sflag:s28] =	ssyncset.done $0x0;
	s20 =	rddreg [dreg:$0x8]  }
0x63: {  	s17 =	sadd.s32 s16, s20;
	[sflag:s28] =	ssyncadd.s32 $0xFFFFC000  }
0x64: {  	[hbm4b:s17+s2] =	stream.linear.scatter [tilespmem:s31], [sflag:$0x3], $0x4000, $0x38;
	[tilespmem:$0x1C200] =	vst v63  }
0x65: {  	_ =	swait.ge [sflag:s28], $0x4000  }
0x66: {  	[sflag:s28] =	ssyncset.done $0x0  }
0x67: {  	[sflag:s28] =	ssyncadd.s32 $0xFFFFC000  }
0x68: {  	[tilespmem:s31], [sflag:$0x3] =	stream.linear.gather [spmem:s13], $0x4000, $0x38;
	[tilespmem:$0x1C200] =	vst v63  }
0x69: {  	_ =	swait.ge [sflag:s28], $0x4000  }
0x6a: {  	[sflag:s28] =	ssyncset.done $0x0;
	s18 =	rddreg [dreg:$0x9]  }
0x6b: {  	s17 =	sadd.s32 s16, s18;
	[sflag:s28] =	ssyncadd.s32 $0xFFFFC000  }
0x6c: {  	[hbm4b:s17+s2] =	stream.linear.scatter [tilespmem:s31], [sflag:$0x3], $0x4000, $0x38;
	[tilespmem:$0x1C200] =	vst v63  }
0x6d: {  	_ =	swait.ge [sflag:s28], $0x4000  }
0x6e: {  	[sflag:s28] =	ssyncset.done $0x0  }
0x6f: {  	[sflag:s28] =	ssyncadd.s32 $0xFFFFC000  }
0x70: {  	[tilespmem:s31], [sflag:$0x3] =	stream.linear.gather [spmem:s14], $0x4000, $0x38;
	[tilespmem:$0x1C200] =	vst v63  }
0x71: {  	_ =	swait.ge [sflag:s28], $0x4000  }
0x72: {  	[sflag:s28] =	ssyncset.done $0x0  }
0x73: {  	s19 =	sadd.s32 s16, s21;
	[sflag:s28] =	ssyncadd.s32 $0xFFFFC000  }
0x74: {  	[hbm4b:s19+s2] =	stream.linear.scatter [tilespmem:s31], [sflag:$0x3], $0x4000, $0x38;
	[tilespmem:$0x1C200] =	vst v63  }
0x75: {  	_ =	swait.ge [sflag:s28], $0x4000  }
0x76: {  	[sflag:s28] =	ssyncset.done $0x0  }
0x77: {  	[sflag:s28] =	ssyncadd.s32 $0xFFFFC000  }
0x78: {  	[tilespmem:s31], [sflag:$0x3] =	stream.linear.gather [spmem:s15], $0x4000, $0x38;
	[tilespmem:$0x1C200] =	vst v63  }
0x79: {  	s9 =	sadd.s32 $0x1, s9;
	_ =	swait.ge [sflag:s28], $0x4000  }
0x7a: {  	p1 =	sne.s32 s9, s23;
	[sflag:s28] =	ssyncset.done $0x0  }
.Ltmp1:
0x7b: {  	s20 =	sadd.s32 s16, s22;
	[sflag:s28] =	ssyncadd.s32 $0xFFFFC000;
	(pc) =	sbr.rel @!p1 .LBB2_11-.Ltmp1, $4  }
0x7c: {  	[hbm4b:s20+s2] =	stream.linear.scatter [tilespmem:s31], [sflag:$0x3], $0x4000, $0x38;
	[tilespmem:$0x1C200] =	vst v63  }
0x7d: {  	_ =	swait.ge [sflag:s28], $0x4000  }
0x7e: {  	[sflag:s28] =	ssyncset.done $0x0  }
0x7f: {  	[sflag:s28] =	ssyncadd.s32 $0xFFFFC000  }
.LBB2_1:
0x80: {  	s16 =	sand.u32 $0xFE00, s2  }
0x81: {  	s17 =	sand.u32 $0x70, s2;
	s18 =	sshrl.u32 s16, $0x2  }
0x82: {  	s16 =	simm.s32 $0x40;
	s18 =	sor.u32 s17, s18;
	s17 =	simm.s32 $0x0  }
.LBB2_2:
0x83: {  	p1 =	sne.s32 s16, $0xFFC0  }
0x84: {  	[tilespmem:s18+$0x4200] =	vst v0;
	s17 =	sadd.s32 $0x10, s17;
	s18 =	smov.u32 s16;
	s16 =	sadd.s32 $0x40, s16  }
.Ltmp2:
0x85: {  	(pc) =	sbr.rel @p1 .LBB2_2-.Ltmp2, $4  }
0x86: {  	_ = 	snop  }
0x87: {  	s18 =	sand.u32 $0xFE00, s18  }
0x88: {  	s19 =	sand.u32 $0x70, s17;
	s18 =	sshrl.u32 s18, $0x2  }
0x89: {  	s18 =	sor.u32 s19, s18  }
0x8a: {  	[tilespmem:s18+$0x4200] =	vst v0  }
0x8b: {  	[spmem:s10] =	stream.linear.scatter [tilespmem:s26], [sflag:$0x3], $0x4000, $0x38;
	[tilespmem:$0x1C200] =	vst v63  }
0x8c: {  	_ =	swait.ge [sflag:s28], $0x4000  }
0x8d: {  	[sflag:s28] =	ssyncset.done $0x0  }
0x8e: {  	[sflag:s28] =	ssyncadd.s32 $0xFFFFC000  }
0x8f: {  	[spmem:s11] =	stream.linear.scatter [tilespmem:s26], [sflag:$0x3], $0x4000, $0x38;
	[tilespmem:$0x1C200] =	vst v63  }
0x90: {  	_ =	swait.ge [sflag:s28], $0x4000  }
0x91: {  	[sflag:s28] =	ssyncset.done $0x0  }
0x92: {  	[sflag:s28] =	ssyncadd.s32 $0xFFFFC000  }
0x93: {  	[spmem:s13] =	stream.linear.scatter [tilespmem:s26], [sflag:$0x3], $0x4000, $0x38;
	[tilespmem:$0x1C200] =	vst v63  }
0x94: {  	_ =	swait.ge [sflag:s28], $0x4000  }
0x95: {  	[sflag:s28] =	ssyncset.done $0x0  }
0x96: {  	[sflag:s28] =	ssyncadd.s32 $0xFFFFC000  }
0x97: {  	[spmem:s14] =	stream.linear.scatter [tilespmem:s26], [sflag:$0x3], $0x4000, $0x38;
	[tilespmem:$0x1C200] =	vst v63  }
0x98: {  	_ =	swait.ge [sflag:s28], $0x4000  }
0x99: {  	[sflag:s28] =	ssyncset.done $0x0  }
0x9a: {  	[sflag:s28] =	ssyncadd.s32 $0xFFFFC000  }
0x9b: {  	[spmem:s15] =	stream.linear.scatter [tilespmem:s26], [sflag:$0x3], $0x4000, $0x38;
	[tilespmem:$0x1C200] =	vst v63  }
0x9c: {  	_ =	swait.ge [sflag:s28], $0x4000  }
0x9d: {  	[sflag:s28] =	ssyncset.done $0x0  }
0x9e: {  	[sflag:s28] =	ssyncadd.s32 $0xFFFFC000  }
0x9f: {  	[bflag:$0x0] =	sbarrier.arrive $0xFFFF  }
0xa0: {  	s16 =	rddreg [dreg:$0x5]  }
0xa1: {  	[tilespmem:s2], [sflag:$0x3] =	stream.linear.gather [hbm4b:s16+s2], $0x80, $0x38;
	[tilespmem:$0x1C200] =	vst v63  }
0xa2: {  	_ =	swait.ge [sflag:s28], $0x80  }
0xa3: {  	[sflag:s28] =	ssyncset.done $0x0  }
.Ltmp3:
0xa4: {  	s20 =	rddreg [dreg:$0x6];
	[sflag:s28] =	ssyncadd.s32 $0xFFFFFF80;
	(pc) =	sbr.rel @!p0 .LBB2_4-.Ltmp3, $4  }
0xa5: {  	[tilespmem:s29], [sflag:$0x3] =	stream.linear.gather [hbm4b:s20+s2], $0x80, $0x38;
	[tilespmem:$0x1C200] =	vst v63  }
0xa6: {  	_ =	swait.ge [sflag:s28], $0x80  }
0xa7: {  	[sflag:s28] =	ssyncset.done $0x0  }
0xa8: {  	[sflag:s28] =	ssyncadd.s32 $0xFFFFFF80  }
0xa9: {  	[tilespmem:s31], [sflag:$0x1] =	stream.indirect.gather [hbm4b:s5+s30], $0x80, s2, s30, $0xb8;
	[tilespmem:$0x1C200] =	vst v63  }
0xaa: {  	s16 =	simm.s32 $0x0  }
0xab: {  	s17 =	sand.u32 $0x7C00, s16  }
0xac: {  	s16 =	sand.u32 $0x300, s16;
	s17 =	sadd.s32 s12, s17  }
0xad: {  	s16 =	sor.u32 s17, s16  }
0xae: {  	s16 =	sor.u32 $0x80, s16  }
0xaf: {  	s16 =	sshrl.u32 s16, $0x3  }
0xb0: {  	s20 =	sadd.s32 s6, s16  }
0xb1: {  	[tilespmem:s30], [sflag:$0x2] =	stream.linear.gather [hbm4b:s20+s2], $0x80, $0x38;
	[tilespmem:$0x1C200] =	vst v63  }
0xb2: {  	s16 =	sadd.s32 s7, s16  }
0xb3: {  	[tilespmem:s0], [sflag:$0x2] =	stream.linear.gather [hbm4b:s16+s2], $0x80, $0x38;
	[tilespmem:$0x1C200] =	vst v63  }
0xb4: {  	_ =	swait.ge [sflag:s3], $0x80  }
0xb5: {  	[sflag:s3] =	ssyncset.done $0x0  }
0xb6: {  	[sflag:s3] =	ssyncadd.s32 $0xFFFFFF80  }
0xb7: {  	_ =	swait.ge [sflag:s3], $0x80  }
0xb8: {  	[sflag:s3] =	ssyncset.done $0x0  }
0xb9: {  	[sflag:s3] =	ssyncadd.s32 $0xFFFFFF80  }
0xba: {  	[tilespmem:s26], [sflag:$0x1] =	stream.indirect.gather [hbm4b:s5+s30], $0x80, s30, s30, $0xb8;
	[tilespmem:$0x1C200] =	vst v63  }
0xbb: {  	s17 =	simm.s32 $0x100;
	_ =	swait.ge [sflag:s8], $0x4000  }
0xbc: {  	s18 =	sand.u32 $0xFC00, s17;
	[sflag:s8] =	ssyncset.done $0x0  }
0xbd: {  	s16 =	sand.u32 $0x300, s17;
	s17 =	sadd.s32 s12, s18;
	[sflag:s8] =	ssyncadd.s32 $0xFFFFC000  }
0xbe: {  	[spmem:s1] =	stream.indirect.scatter.add.f32 [tilespmem:s31], [sflag:$0x3], $0x80, s29, s30, $0xb8;
	[tilespmem:$0x1C200] =	vst v63  }
0xbf: {  	s16 =	sor.u32 s16, s17;
	_ =	swait.ge [sflag:s28], $0x4000  }
0xc0: {  	s16 =	sshrl.u32 s16, $0x3;
	[sflag:s28] =	ssyncset.done $0x0  }
0xc1: {  	s19 =	sadd.s32 s6, s16;
	[sflag:s28] =	ssyncadd.s32 $0xFFFFC000  }
0xc2: {  	[tilespmem:s2], [sflag:$0x2] =	stream.linear.gather [hbm4b:s19+s2], $0x80, $0x38;
	[tilespmem:$0x1C200] =	vst v63  }
0xc3: {  	s16 =	sadd.s32 s7, s16  }
0xc4: {  	[tilespmem:s29], [sflag:$0x2] =	stream.linear.gather [hbm4b:s16+s2], $0x80, $0x38;
	[tilespmem:$0x1C200] =	vst v63  }
0xc5: {  	_ =	swait.ge [sflag:s3], $0x80  }
0xc6: {  	[sflag:s3] =	ssyncset.done $0x0  }
0xc7: {  	s20 =	simm.s32 $0x100;
	[sflag:s3] =	ssyncadd.s32 $0xFFFFFF80  }
0xc8: {  	s18 =	sand.u32 $0x7C00, s20;
	_ =	swait.ge [sflag:s3], $0x80  }
0xc9: {  	s18 =	sadd.s32 s12, s18;
	[sflag:s3] =	ssyncset.done $0x0  }
0xca: {  	s17 =	simm.s32 $0x300;
	s19 =	sand.u32 $0x300, s20;
	[sflag:s3] =	ssyncadd.s32 $0xFFFFFF80  }
0xcb: {  	[tilespmem:s31], [sflag:$0x1] =	stream.indirect.gather [hbm4b:s5+s30], $0x80, s2, s30, $0xb8;
	[tilespmem:$0x1C200] =	vst v63  }
0xcc: {  	s18 =	sor.u32 s18, s19;
	s16 =	simm.s32 $0x200;
	_ =	swait.ge [sflag:s8], $0x4000  }
.LBB2_8:
0xcd: {  	p1 =	sne.s32 s17, $0x4F00  }
0xce: {  	[sflag:s8] =	ssyncset.done $0x0;
	s19 =	smov.u32 s17;
	s17 =	sadd.s32 $0x100, s17  }
0xcf: {  	[sflag:s8] =	ssyncadd.s32 $0xFFFFC000  }
0xd0: {  	[spmem:s1] =	stream.indirect.scatter.add.f32 [tilespmem:s26], [sflag:$0x3], $0x80, s0, s30, $0xb8;
	[tilespmem:$0x1C200] =	vst v63  }
0xd1: {  	s18 =	sor.u32 $0x80, s18;
	_ =	swait.ge [sflag:s28], $0x4000  }
0xd2: {  	s18 =	sshrl.u32 s18, $0x3;
	[sflag:s28] =	ssyncset.done $0x0  }
0xd3: {  	s20 =	sadd.s32 s6, s18;
	[sflag:s28] =	ssyncadd.s32 $0xFFFFC000  }
0xd4: {  	[tilespmem:s30], [sflag:$0x2] =	stream.linear.gather [hbm4b:s20+s2], $0x80, $0x38;
	[tilespmem:$0x1C200] =	vst v63  }
0xd5: {  	s18 =	sadd.s32 s7, s18  }
0xd6: {  	[tilespmem:s0], [sflag:$0x2] =	stream.linear.gather [hbm4b:s18+s2], $0x80, $0x38;
	[tilespmem:$0x1C200] =	vst v63  }
0xd7: {  	_ =	swait.ge [sflag:s3], $0x80  }
0xd8: {  	[sflag:s3] =	ssyncset.done $0x0  }
0xd9: {  	[sflag:s3] =	ssyncadd.s32 $0xFFFFFF80  }
0xda: {  	_ =	swait.ge [sflag:s3], $0x80  }
0xdb: {  	[sflag:s3] =	ssyncset.done $0x0  }
0xdc: {  	[sflag:s3] =	ssyncadd.s32 $0xFFFFFF80  }
0xdd: {  	[tilespmem:s26], [sflag:$0x1] =	stream.indirect.gather [hbm4b:s5+s30], $0x80, s30, s30, $0xb8;
	[tilespmem:$0x1C200] =	vst v63  }
0xde: {  	_ =	swait.ge [sflag:s8], $0x4000  }
0xdf: {  	[sflag:s8] =	ssyncset.done $0x0  }
0xe0: {  	s20 =	sand.u32 $0x300, s16;
	s18 =	sand.u32 $0xFC00, s16;
	[sflag:s8] =	ssyncadd.s32 $0xFFFFC000  }
0xe1: {  	[spmem:s1] =	stream.indirect.scatter.add.f32 [tilespmem:s31], [sflag:$0x3], $0x80, s29, s30, $0xb8;
	[tilespmem:$0x1C200] =	vst v63  }
0xe2: {  	s16 =	smov.u32 s19;
	s18 =	sadd.s32 s12, s18;
	_ =	swait.ge [sflag:s28], $0x4000  }
0xe3: {  	s18 =	sor.u32 s20, s18;
	[sflag:s28] =	ssyncset.done $0x0  }
0xe4: {  	s18 =	sshrl.u32 s18, $0x3;
	[sflag:s28] =	ssyncadd.s32 $0xFFFFC000  }
0xe5: {  	s19 =	sadd.s32 s6, s18;
	s18 =	sadd.s32 s7, s18  }
0xe6: {  	[tilespmem:s2], [sflag:$0x2] =	stream.linear.gather [hbm4b:s19+s2], $0x80, $0x38;
	[tilespmem:$0x1C200] =	vst v63  }
0xe7: {  	_ = 	snop  }
0xe8: {  	[tilespmem:s29], [sflag:$0x2] =	stream.linear.gather [hbm4b:s18+s2], $0x80, $0x38;
	[tilespmem:$0x1C200] =	vst v63  }
0xe9: {  	_ =	swait.ge [sflag:s3], $0x80  }
0xea: {  	[sflag:s3] =	ssyncset.done $0x0  }
0xeb: {  	[sflag:s3] =	ssyncadd.s32 $0xFFFFFF80  }
.Ltmp4:
0xec: {  	s18 =	sadd.s32 $0xFFFFFF00, s16;
	_ =	swait.ge [sflag:s3], $0x80;
	(pc) =	sbr.rel @p1 .LBB2_8-.Ltmp4, $4  }
0xed: {  	s19 =	sand.u32 $0x7C00, s18;
	[sflag:s3] =	ssyncset.done $0x0  }
0xee: {  	s18 =	sand.u32 $0x300, s18;
	s19 =	sadd.s32 s12, s19;
	[sflag:s3] =	ssyncadd.s32 $0xFFFFFF80  }
0xef: {  	[tilespmem:s31], [sflag:$0x1] =	stream.indirect.gather [hbm4b:s5+s30], $0x80, s2, s30, $0xb8;
	[tilespmem:$0x1C200] =	vst v63  }
0xf0: {  	s18 =	sor.u32 s19, s18;
	_ =	swait.ge [sflag:s8], $0x4000  }
0xf1: {  	[sflag:s8] =	ssyncset.done $0x0  }
0xf2: {  	[sflag:s8] =	ssyncadd.s32 $0xFFFFC000  }
0xf3: {  	[spmem:s1] =	stream.indirect.scatter.add.f32 [tilespmem:s26], [sflag:$0x3], $0x80, s0, s30, $0xb8;
	[tilespmem:$0x1C200] =	vst v63  }
0xf4: {  	s17 =	sor.u32 $0x80, s18;
	_ =	swait.ge [sflag:s28], $0x4000  }
0xf5: {  	s17 =	sshrl.u32 s17, $0x3;
	[sflag:s28] =	ssyncset.done $0x0  }
0xf6: {  	s20 =	sadd.s32 s6, s17;
	[sflag:s28] =	ssyncadd.s32 $0xFFFFC000  }
0xf7: {  	[tilespmem:s30], [sflag:$0x2] =	stream.linear.gather [hbm4b:s20+s2], $0x80, $0x38;
	[tilespmem:$0x1C200] =	vst v63  }
0xf8: {  	s17 =	sadd.s32 s7, s17  }
0xf9: {  	[tilespmem:s0], [sflag:$0x2] =	stream.linear.gather [hbm4b:s17+s2], $0x80, $0x38;
	[tilespmem:$0x1C200] =	vst v63  }
0xfa: {  	_ =	swait.ge [sflag:s3], $0x80  }
0xfb: {  	[sflag:s3] =	ssyncset.done $0x0  }
0xfc: {  	[sflag:s3] =	ssyncadd.s32 $0xFFFFFF80  }
0xfd: {  	_ =	swait.ge [sflag:s3], $0x80  }
0xfe: {  	[sflag:s3] =	ssyncset.done $0x0  }
0xff: {  	[sflag:s3] =	ssyncadd.s32 $0xFFFFFF80  }
0x100: {  	[tilespmem:s26], [sflag:$0x1] =	stream.indirect.gather [hbm4b:s5+s30], $0x80, s30, s30, $0xb8;
	[tilespmem:$0x1C200] =	vst v63  }
0x101: {  	_ =	swait.ge [sflag:s8], $0x4000  }
0x102: {  	s18 =	sand.u32 $0xFC00, s16;
	[sflag:s8] =	ssyncset.done $0x0  }
0x103: {  	s19 =	sand.u32 $0x300, s16;
	s17 =	sadd.s32 s12, s18;
	[sflag:s8] =	ssyncadd.s32 $0xFFFFC000  }
0x104: {  	[spmem:s1] =	stream.indirect.scatter.add.f32 [tilespmem:s31], [sflag:$0x3], $0x80, s29, s30, $0xb8;
	[tilespmem:$0x1C200] =	vst v63  }
0x105: {  	s16 =	sor.u32 s19, s17;
	_ =	swait.ge [sflag:s28], $0x4000  }
0x106: {  	s16 =	sshrl.u32 s16, $0x3;
	[sflag:s28] =	ssyncset.done $0x0  }
0x107: {  	s20 =	sadd.s32 s6, s16;
	[sflag:s28] =	ssyncadd.s32 $0xFFFFC000  }
0x108: {  	[tilespmem:s2], [sflag:$0x2] =	stream.linear.gather [hbm4b:s20+s2], $0x80, $0x38;
	[tilespmem:$0x1C200] =	vst v63  }
0x109: {  	s16 =	sadd.s32 s7, s16  }
0x10a: {  	[tilespmem:s29], [sflag:$0x2] =	stream.linear.gather [hbm4b:s16+s2], $0x80, $0x38;
	[tilespmem:$0x1C200] =	vst v63  }
0x10b: {  	_ =	swait.ge [sflag:s3], $0x80  }
0x10c: {  	[sflag:s3] =	ssyncset.done $0x0  }
0x10d: {  	[sflag:s3] =	ssyncadd.s32 $0xFFFFFF80  }
0x10e: {  	_ =	swait.ge [sflag:s3], $0x80  }
0x10f: {  	[sflag:s3] =	ssyncset.done $0x0  }
0x110: {  	[sflag:s3] =	ssyncadd.s32 $0xFFFFFF80  }
0x111: {  	[tilespmem:s31], [sflag:$0x1] =	stream.indirect.gather [hbm4b:s5+s30], $0x80, s2, s30, $0xb8;
	[tilespmem:$0x1C200] =	vst v63  }
0x112: {  	_ =	swait.ge [sflag:s8], $0x4000  }
0x113: {  	[sflag:s8] =	ssyncset.done $0x0  }
.Ltmp5:
0x114: {  	[sflag:s8] =	ssyncadd.s32 $0xFFFFC000;
	(pc) =	sbr.rel .LBB2_10-.Ltmp5, $4  }
0x115: {  	[spmem:s1] =	stream.indirect.scatter.add.f32 [tilespmem:s26], [sflag:$0x3], $0x80, s0, s30, $0xb8;
	[tilespmem:$0x1C200] =	vst v63  }
0x116: {  	_ =	swait.ge [sflag:s28], $0x4000  }
0x117: {  	[sflag:s28] =	ssyncset.done $0x0  }
0x118: {  	s17 =	smov.u32 s5;
	s16 =	rddreg [dreg:$0x4];
	[sflag:s28] =	ssyncadd.s32 $0xFFFFC000  }
.LBB2_4:
0x119: {  	[tilespmem:s31], [sflag:$0x1] =	stream.indirect.gather [hbm4b:s4+s30], $0x80, s2, s30, $0xb8;
	[tilespmem:$0x1C200] =	vst v63  }
0x11a: {  	s16 =	simm.s32 $0x0  }
0x11b: {  	s17 =	sand.u32 $0x7C00, s16  }
0x11c: {  	s16 =	sand.u32 $0x300, s16;
	s17 =	sadd.s32 s12, s17  }
0x11d: {  	s16 =	sor.u32 s17, s16  }
0x11e: {  	s16 =	sor.u32 $0x80, s16  }
0x11f: {  	s16 =	sshrl.u32 s16, $0x3  }
0x120: {  	s20 =	sadd.s32 s6, s16  }
0x121: {  	[tilespmem:s30], [sflag:$0x2] =	stream.linear.gather [hbm4b:s20+s2], $0x80, $0x38;
	[tilespmem:$0x1C200] =	vst v63  }
0x122: {  	s16 =	sadd.s32 s7, s16  }
0x123: {  	[tilespmem:s0], [sflag:$0x2] =	stream.linear.gather [hbm4b:s16+s2], $0x80, $0x38;
	[tilespmem:$0x1C200] =	vst v63  }
0x124: {  	_ =	swait.ge [sflag:s3], $0x80  }
0x125: {  	[sflag:s3] =	ssyncset.done $0x0  }
0x126: {  	[sflag:s3] =	ssyncadd.s32 $0xFFFFFF80  }
0x127: {  	_ =	swait.ge [sflag:s3], $0x80  }
0x128: {  	[sflag:s3] =	ssyncset.done $0x0  }
0x129: {  	[sflag:s3] =	ssyncadd.s32 $0xFFFFFF80  }
0x12a: {  	[tilespmem:s26], [sflag:$0x1] =	stream.indirect.gather [hbm4b:s4+s30], $0x80, s30, s30, $0xb8;
	[tilespmem:$0x1C200] =	vst v63  }
0x12b: {  	s17 =	simm.s32 $0x100;
	_ =	swait.ge [sflag:s8], $0x4000  }
0x12c: {  	s18 =	sand.u32 $0xFC00, s17;
	[sflag:s8] =	ssyncset.done $0x0  }
0x12d: {  	s16 =	sand.u32 $0x300, s17;
	s17 =	sadd.s32 s12, s18;
	[sflag:s8] =	ssyncadd.s32 $0xFFFFC000  }
0x12e: {  	[spmem:s1] =	stream.indirect.scatter.add.f32 [tilespmem:s31], [sflag:$0x3], $0x80, s29, s30, $0xb8;
	[tilespmem:$0x1C200] =	vst v63  }
0x12f: {  	s16 =	sor.u32 s16, s17;
	_ =	swait.ge [sflag:s28], $0x4000  }
0x130: {  	s16 =	sshrl.u32 s16, $0x3;
	[sflag:s28] =	ssyncset.done $0x0  }
0x131: {  	s19 =	sadd.s32 s6, s16;
	[sflag:s28] =	ssyncadd.s32 $0xFFFFC000  }
0x132: {  	[tilespmem:s2], [sflag:$0x2] =	stream.linear.gather [hbm4b:s19+s2], $0x80, $0x38;
	[tilespmem:$0x1C200] =	vst v63  }
0x133: {  	s16 =	sadd.s32 s7, s16  }
0x134: {  	[tilespmem:s29], [sflag:$0x2] =	stream.linear.gather [hbm4b:s16+s2], $0x80, $0x38;
	[tilespmem:$0x1C200] =	vst v63  }
0x135: {  	_ =	swait.ge [sflag:s3], $0x80  }
0x136: {  	[sflag:s3] =	ssyncset.done $0x0  }
0x137: {  	s20 =	simm.s32 $0x100;
	[sflag:s3] =	ssyncadd.s32 $0xFFFFFF80  }
0x138: {  	s18 =	sand.u32 $0x7C00, s20;
	_ =	swait.ge [sflag:s3], $0x80  }
0x139: {  	s18 =	sadd.s32 s12, s18;
	[sflag:s3] =	ssyncset.done $0x0  }
0x13a: {  	s17 =	simm.s32 $0x300;
	s19 =	sand.u32 $0x300, s20;
	[sflag:s3] =	ssyncadd.s32 $0xFFFFFF80  }
0x13b: {  	[tilespmem:s31], [sflag:$0x1] =	stream.indirect.gather [hbm4b:s4+s30], $0x80, s2, s30, $0xb8;
	[tilespmem:$0x1C200] =	vst v63  }
0x13c: {  	s18 =	sor.u32 s18, s19;
	s16 =	simm.s32 $0x200;
	_ =	swait.ge [sflag:s8], $0x4000  }
.LBB2_5:
0x13d: {  	p1 =	seq.s32 s17, $0x4F00  }
0x13e: {  	[sflag:s8] =	ssyncset.done $0x0;
	s19 =	smov.u32 s17;
	s17 =	sadd.s32 $0x100, s17  }
0x13f: {  	[sflag:s8] =	ssyncadd.s32 $0xFFFFC000  }
0x140: {  	[spmem:s1] =	stream.indirect.scatter.add.f32 [tilespmem:s26], [sflag:$0x3], $0x80, s0, s30, $0xb8;
	[tilespmem:$0x1C200] =	vst v63  }
0x141: {  	s18 =	sor.u32 $0x80, s18;
	_ =	swait.ge [sflag:s28], $0x4000  }
0x142: {  	s18 =	sshrl.u32 s18, $0x3;
	[sflag:s28] =	ssyncset.done $0x0  }
0x143: {  	s20 =	sadd.s32 s6, s18;
	[sflag:s28] =	ssyncadd.s32 $0xFFFFC000  }
0x144: {  	[tilespmem:s30], [sflag:$0x2] =	stream.linear.gather [hbm4b:s20+s2], $0x80, $0x38;
	[tilespmem:$0x1C200] =	vst v63  }
0x145: {  	s18 =	sadd.s32 s7, s18  }
0x146: {  	[tilespmem:s0], [sflag:$0x2] =	stream.linear.gather [hbm4b:s18+s2], $0x80, $0x38;
	[tilespmem:$0x1C200] =	vst v63  }
0x147: {  	_ =	swait.ge [sflag:s3], $0x80  }
0x148: {  	[sflag:s3] =	ssyncset.done $0x0  }
0x149: {  	[sflag:s3] =	ssyncadd.s32 $0xFFFFFF80  }
0x14a: {  	_ =	swait.ge [sflag:s3], $0x80  }
0x14b: {  	[sflag:s3] =	ssyncset.done $0x0  }
0x14c: {  	[sflag:s3] =	ssyncadd.s32 $0xFFFFFF80  }
0x14d: {  	[tilespmem:s26], [sflag:$0x1] =	stream.indirect.gather [hbm4b:s4+s30], $0x80, s30, s30, $0xb8;
	[tilespmem:$0x1C200] =	vst v63  }
0x14e: {  	_ =	swait.ge [sflag:s8], $0x4000  }
0x14f: {  	[sflag:s8] =	ssyncset.done $0x0  }
0x150: {  	s20 =	sand.u32 $0x300, s16;
	s18 =	sand.u32 $0xFC00, s16;
	[sflag:s8] =	ssyncadd.s32 $0xFFFFC000  }
0x151: {  	[spmem:s1] =	stream.indirect.scatter.add.f32 [tilespmem:s31], [sflag:$0x3], $0x80, s29, s30, $0xb8;
	[tilespmem:$0x1C200] =	vst v63  }
0x152: {  	s16 =	smov.u32 s19;
	s18 =	sadd.s32 s12, s18;
	_ =	swait.ge [sflag:s28], $0x4000  }
0x153: {  	s18 =	sor.u32 s20, s18;
	[sflag:s28] =	ssyncset.done $0x0  }
0x154: {  	s18 =	sshrl.u32 s18, $0x3;
	[sflag:s28] =	ssyncadd.s32 $0xFFFFC000  }
0x155: {  	s19 =	sadd.s32 s6, s18;
	s18 =	sadd.s32 s7, s18  }
0x156: {  	[tilespmem:s2], [sflag:$0x2] =	stream.linear.gather [hbm4b:s19+s2], $0x80, $0x38;
	[tilespmem:$0x1C200] =	vst v63  }
0x157: {  	_ = 	snop  }
0x158: {  	[tilespmem:s29], [sflag:$0x2] =	stream.linear.gather [hbm4b:s18+s2], $0x80, $0x38;
	[tilespmem:$0x1C200] =	vst v63  }
0x159: {  	_ =	swait.ge [sflag:s3], $0x80  }
0x15a: {  	[sflag:s3] =	ssyncset.done $0x0  }
0x15b: {  	[sflag:s3] =	ssyncadd.s32 $0xFFFFFF80  }
.Ltmp6:
0x15c: {  	s18 =	sadd.s32 $0xFFFFFF00, s16;
	_ =	swait.ge [sflag:s3], $0x80;
	(pc) =	sbr.rel @!p1 .LBB2_5-.Ltmp6, $4  }
0x15d: {  	s19 =	sand.u32 $0x7C00, s18;
	[sflag:s3] =	ssyncset.done $0x0  }
0x15e: {  	s18 =	sand.u32 $0x300, s18;
	s19 =	sadd.s32 s12, s19;
	[sflag:s3] =	ssyncadd.s32 $0xFFFFFF80  }
0x15f: {  	[tilespmem:s31], [sflag:$0x1] =	stream.indirect.gather [hbm4b:s4+s30], $0x80, s2, s30, $0xb8;
	[tilespmem:$0x1C200] =	vst v63  }
0x160: {  	s18 =	sor.u32 s19, s18;
	_ =	swait.ge [sflag:s8], $0x4000  }
.Ltmp7:
0x161: {  	_ = 	snop;
	(pc) =	sbr.rel .LBB2_6-.Ltmp7, $1  }
0x162: {  	_ =	sdelay $0x3  }
.LBB2_11:
0x163: {  	_ =	sfence.sel $0x180000  }
0x164: {  	[bflag:$0x0] =	sbarrier.arrive $0xFFFF  }
0x165: {  	_ =	strace $0x9000004D  }
0x166: {  	s0 =	stileid.u32;
	[bflag:$0x2] =	sbarrier.arrive $0xFFFF  }
0x167: {  	p0 =	sne.s32 s0, $0x0;
	s0 =	rddreg [dreg:$0x2]  }
0x168: {  	s0 =	sadd.s32 @!p0 $0x100000, s0  }
0x169: {  	[sflag:s0] =	ssyncadd.tile.s32 @!p0 $0x1;
	_ =	shalt  }
.Lfunc_end2:
_tile_overlayer_lowered:
.L_overlay_start_2:
0x16a: {  	(tag) =	ssettag $0x2  }
0x16b: {  	s0 =	rddreg [dreg:$0x0];
	s2 =	stileid.u32  }
0x16c: {  	s1 =	rddreg [dreg:$0x1];
	p0 =	sne.s32 s2, $0x0  }
0x16d: {  	s3 =	rddreg [dreg:$0x2];
	[bflag:$0x3] =	sbarrier.arrive $0xFFFF;
	s2 =	simm.s32 @!p0 $0x1C03  }
0x16e: {  	[timem:s3], [sflag:s2] =	dma.local @!p0 [hbm:s0], s1  }
0x16f: {  	s0 =	simm.s32 @!p0 $0x3  }
0x170: {  	_ =	swait.ge @!p0 [sflag:s0], s1  }
0x171: {  	s1 =	ssub.s32 @!p0 $0x0, s1;
	[sflag:s0] =	ssyncset.done @!p0 $0x0  }
0x172: {  	[sflag:s0] =	ssyncadd.s32 @!p0 s1  }
0x173: {  	[bflag:$0x3] =	sbarrier.arrive $0xFFFF  }
0x174: {  	_ =	shalt  }

// kernel: kernel.8.cloned.1.call-start
scs
__scs_entry_jumppad:
0x0: {  	(pc) =	sbr.rel $0x88, $3  }
0x1: {  	(tag) =	ssettag $0x0;
	lr =	simm.s32 $0x1  }
0x2: {  	[smem:$0x3F98] =	sst lr;
	_ =	strace $0xD0000000  }
0x3: {  	_ = 	snop  }
0x4: {  	_ = 	snop  }
0x5: {  	_ = 	snop  }
0x6: {  	_ = 	snop  }
0x7: {  	_ = 	snop  }
__scs_overlays_trampoline_lowered:
0x8: {  	[smem:$0x3FA7] =	sst s0  }
0x9: {  	[smem:$0x3FA8] =	sst s1  }
0xa: {  	[smem:$0x3FA9] =	sst s2  }
0xb: {  	[smem:$0x3FAA] =	sst s3  }
0xc: {  	[smem:$0x3FAB] =	sst s4  }
0xd: {  	[smem:$0x3FAC] =	sst s5  }
0xe: {  	[smem:$0x3FAD] =	sst s6  }
0xf: {  	[smem:$0x3FAE] =	sst s7  }
0x10: {  	[smem:$0x3FAF] =	sst s8  }
0x11: {  	[smem:$0x3FB0] =	sst s9;
	s0 =	simm.s32 @!p0 $0x0  }
0x12: {  	s1 =	sld [smem:$0x3F96];
	s0 =	simm.s32 @p0 $0x1  }
0x13: {  	[smem:$0x3FB1] =	sst s0;
	s0 =	simm.s32 @!p1 $0x0  }
0x14: {  	s2 =	sld [smem:$0x3F95];
	s0 =	simm.s32 @p1 $0x1  }
0x15: {  	[smem:$0x3FB2] =	sst s0;
	s0 =	simm.s32 @!p2 $0x0  }
0x16: {  	s3 =	sld [smem:$0x3FDB];
	s0 =	simm.s32 @p2 $0x1  }
0x17: {  	s4 =	simm.s32 $0x1BF5;
	[smem:$0x3FB4] =	sst s0  }
0x18: {  	s0 =	sld [smem:$0x3F97];
	_ =	swait.ge [sflag:s4], $0x0  }
0x19: {  	s7 =	sld [smem:$0x3F98]  }
0x1a: {  	s8 =	sadd.s32 $0xFFFFE003, lr  }
0x1b: {  	s9 =	sadd.s32 $0xFFFFFEF7, lr;
	s5 =	simm.s32 $0xFFFFFFFF;
	p2 =	slt.u32 s8, $0xFFFFF086  }
0x1c: {  	p1 =	slt.u32 s9, $0xF7A;
	s5 =	simm.s32 @!p2 $0x0  }
0x1d: {  	s5 =	simm.s32 @p1 $0x1;
	p0 =	seq.s32 s7, s2  }
0x1e: {  	s7 =	smul.u32 @!p0 $0xF7A, s2;
	p2 =	seq.s32 @!p0 s5, $0x0  }
0x1f: {  	s9 =	smul.u32 $0xF7A, s1;
	s8 =	simm.s32 @!p0 $0x1BF5;
	p2 =	por !p2, p0  }
0x20: {  	[sflag:s8] =	ssyncset.s32 @!p0 $0xFFFFF086;
	s6 =	sadd.s32 @!p0 s3, s7;
	s7 =	simm.s32 @!p0 $0x108  }
0x21: {  	s3 =	sadd.s32 s3, s9;
	s6 =	sadd.s32 @!p0 $0x88, s6;
	s7 =	simm.s32 @p2 $0x1082  }
0x22: {  	[simem:s7], [sflag:s8] =	dma.local @!p0 [hbm:s6], $0xF7A  }
0x23: {  	s9 =	sor.u32 $0xD0000000, s2;
	s6 =	simm.s32 $0x108;
	_ =	swait.ge @!p0 [sflag:s8], $0x0  }
0x24: {  	s3 =	sadd.s32 $0x88, s3;
	s6 =	simm.s32 @!p1 $0x1082;
	[sflag:s4] =	ssyncset.s32 $0xFFFFF086  }
0x25: {  	[simem:s6], [sflag:s4] =	dma.local [hbm:s3], $0xF7A  }
0x26: {  	[smem:$0x3F98] =	sst s1;
	(tag) =	ssettag s2;
	_ =	strace s9  }
0x27: {  	s1 =	sld [smem:$0x3FA8]  }
0x28: {  	s2 =	sld [smem:$0x3FA9]  }
0x29: {  	s4 =	sld [smem:$0x3FAB]  }
0x2a: {  	p0 =	seq.s32 s5, $0x0;
	s5 =	sld [smem:$0x3FAC]  }
0x2b: {  	s6 =	sld [smem:$0x3FAD]  }
0x2c: {  	s7 =	sld [smem:$0x3FAE]  }
0x2d: {  	s3 =	simm.s32 $0x108;
	s8 =	sld [smem:$0x3FAF]  }
0x2e: {  	s3 =	simm.s32 @!p0 $0x1082;
	s9 =	sld [smem:$0x3FB0]  }
0x2f: {  	lr =	sadd.s32 s0, s3;
	s0 =	sld [smem:$0x3FA7]  }
0x30: {  	s3 =	sld [smem:$0x3FAA]  }
0x31: {  	[smem:$0x3FB3] =	sst s10  }
0x32: {  	s10 =	sld [smem:$0x3FB1];
	_ =	sdelay $0x3  }
0x33: {  	p0 =	seq.s32 s10, $0x1;
	s10 =	sld [smem:$0x3FB3];
	_ =	sdelay $0x3  }
0x34: {  	[smem:$0x3FB3] =	sst s10  }
0x35: {  	s10 =	sld [smem:$0x3FB2];
	_ =	sdelay $0x3  }
0x36: {  	p1 =	seq.s32 s10, $0x1;
	s10 =	sld [smem:$0x3FB3];
	_ =	sdelay $0x3  }
0x37: {  	[smem:$0x3FB3] =	sst s10  }
0x38: {  	s10 =	sld [smem:$0x3FB4]  }
0x39: {  	_ = 	snop;
	(pc) =	sbr.ind lr, $3  }
0x3a: {  	_ = 	snop  }
0x3b: {  	_ = 	snop  }
0x3c: {  	p2 =	seq.s32 s10, $0x1;
	s10 =	sld [smem:$0x3FB3]  }
0x3d: {  	_ =	shalt  }
0x3e: {  	_ =	shalt  }
0x3f: {  	_ =	shalt  }
0x40: {  	_ =	shalt  }
0x41: {  	_ =	shalt  }
0x42: {  	_ =	shalt  }
0x43: {  	_ =	shalt  }
0x44: {  	_ =	shalt  }
0x45: {  	_ =	shalt  }
0x46: {  	_ =	shalt  }
0x47: {  	_ =	shalt  }
0x48: {  	_ =	shalt  }
0x49: {  	_ =	shalt  }
0x4a: {  	_ =	shalt  }
0x4b: {  	_ =	shalt  }
0x4c: {  	_ =	shalt  }
0x4d: {  	_ =	shalt  }
0x4e: {  	_ =	shalt  }
0x4f: {  	_ =	shalt  }
0x50: {  	_ =	shalt  }
0x51: {  	_ =	shalt  }
0x52: {  	_ =	shalt  }
0x53: {  	_ =	shalt  }
0x54: {  	_ =	shalt  }
0x55: {  	_ =	shalt  }
0x56: {  	_ =	shalt  }
0x57: {  	_ =	shalt  }
0x58: {  	_ =	shalt  }
0x59: {  	_ =	shalt  }
0x5a: {  	_ =	shalt  }
0x5b: {  	_ =	shalt  }
0x5c: {  	_ =	shalt  }
0x5d: {  	_ =	shalt  }
0x5e: {  	_ =	shalt  }
0x5f: {  	_ =	shalt  }
0x60: {  	_ =	shalt  }
0x61: {  	_ =	shalt  }
0x62: {  	_ =	shalt  }
0x63: {  	_ =	shalt  }
0x64: {  	_ =	shalt  }
0x65: {  	_ =	shalt  }
0x66: {  	_ =	shalt  }
0x67: {  	_ =	shalt  }
0x68: {  	_ =	shalt  }
0x69: {  	_ =	shalt  }
0x6a: {  	_ =	shalt  }
0x6b: {  	_ =	shalt  }
0x6c: {  	_ =	shalt  }
0x6d: {  	_ =	shalt  }
0x6e: {  	_ =	shalt  }
0x6f: {  	_ =	shalt  }
0x70: {  	_ =	shalt  }
0x71: {  	_ =	shalt  }
0x72: {  	_ =	shalt  }
0x73: {  	_ =	shalt  }
0x74: {  	_ =	shalt  }
0x75: {  	_ =	shalt  }
0x76: {  	_ =	shalt  }
0x77: {  	_ =	shalt  }
0x78: {  	_ =	shalt  }
0x79: {  	_ =	shalt  }
0x7a: {  	_ =	shalt  }
0x7b: {  	_ =	shalt  }
0x7c: {  	_ =	shalt  }
0x7d: {  	_ =	shalt  }
0x7e: {  	_ =	shalt  }
0x7f: {  	_ =	shalt  }
0x80: {  	_ =	shalt  }
0x81: {  	_ =	shalt  }
0x82: {  	_ =	shalt  }
0x83: {  	_ =	shalt  }
0x84: {  	_ =	shalt  }
0x85: {  	_ =	shalt  }
0x86: {  	_ =	shalt  }
0x87: {  	_ =	shalt  }
.Lfunc_end0:
.L_simem_size_0:
called_computation_lowered:
.L_overlay_start_0:
0x88: {  	s2 =	sld [smem:$0x3FD9]  }
0x89: {  	s3 =	sld [smem:$0x3FFE];
	_ =	sdelay $0x1  }
0x8a: {  	s1 =	srdreg.scid  }
0x8b: {  	s0 =	sand.u32 $0x1, s1  }
0x8c: {  	s16 =	sshll.u32 s0, $0xA;
	s2 =	sadd.s32 s3, s2  }
0x8d: {  	s2 =	sadd.s32 s2, s16  }
0x8e: {  	[smem:$0x3FBF] =	sst s2  }
0x8f: {  	_ = 	snop  }
0x90: {  	(tm) =	ssettm $0x1  }
0x91: {  	s17 =	sld [smem:$0x3FFB];
	_ =	sdelay $0x3  }
0x92: {  	_ =	strace s17  }
0x93: {  	s2 =	sld [smem:$0x3FFC];
	_ =	sdelay $0x3  }
0x94: {  	_ =	strace s2  }
0x95: {  	s2 =	sld [smem:$0x3FFD];
	_ =	sdelay $0x3  }
0x96: {  	_ =	strace s2  }
0x97: {  	_ =	strace $0x8FFFFFFF  }
0x98: {  	s18 =	sld [smem:$0x3FDB];
	_ =	sdelay $0x1  }
0x99: {  	s19 =	simm.s32 $_scs_section_size  }
0x9a: {  	s4 =	simm.s32 $_size__tile_overlayer_lowered;
	s5 =	simm.s32 $_tile_overlayer_lowered  }
0x9b: {  	s22 =	simm.s32 $0x1BFF;
	s21 =	sshll.u32 s5, $0x1;
	s2 =	sadd.s32 s19, s18  }
0x9c: {  	s6 =	simm.s32 $0x0;
	s20 =	sshll.u32 s4, $0x1;
	s4 =	sadd.s32 s21, s2  }
0x9d: {  	[timem:s6], [sflag:s22] =	dma.local [hbm:s4], s20  }
0x9e: {  	_ =	swait.ge [sflag:s22], s20  }
0x9f: {  	s3 =	ssub.s32 $0x0, s20;
	[sflag:s22] =	ssyncset.done $0x0  }
0xa0: {  	[sflag:s22] =	ssyncadd.s32 s3;
	_ =	sdelay $0x1  }
0xa1: {  	s23 =	simm.s32 $0x1B8B  }
0xa2: {  	_ =	swait.ge [sflag:s23], $0x1  }
0xa3: {  	[sflag:s23] =	ssyncset.done $0x0  }
0xa4: {  	s25 =	simm.s32 $0x1B8E;
	s24 =	sld [smem:$0x3FFE];
	[sflag:s23] =	ssyncadd.s32 $0xFFFFFFFF  }
0xa5: {  	s26 =	simm.s32 $execute0_lowered;
	[smem:$0x3FD2] =	sst s25  }
0xa6: {  	s4 =	sshll.u32 s26, $0x1;
	_ =	strace $0x80000046;
	[dreg:$0x1] =	wrdreg $0xFFFFFFFF  }
0xa7: {  	s28 =	simm.s32 $_size_execute0_lowered;
	s2 =	sadd.s32 s2, s4;
	[dreg:$0x0] =	wrdreg $0x0  }
0xa8: {  	s4 =	sshll.u32 s28, $0x1;
	[dreg:$0x2] =	wrdreg s2  }
0xa9: {  	[dreg:$0x3] =	wrdreg s4  }
0xaa: {  	[dreg:$0x4] =	wrdreg $0xC0  }
0xab: {  	_ =	task [dreg:s6], $0x5FFFF  }
0xac: {  	[dreg:$0x1] =	wrdreg $0xFFFFFFFF  }
0xad: {  	[dreg:$0x0] =	wrdreg $0x60  }
0xae: {  	[dreg:$0x2] =	wrdreg s24  }
0xaf: {  	[dreg:$0x3] =	wrdreg $0x2B000  }
0xb0: {  	[dreg:$0x4] =	wrdreg $0x9  }
0xb1: {  	_ =	task.clear_ibuf [dreg:s6], $0x5FFFF;
	_ =	strace $0x90000046  }
0xb2: {  	s29 =	simm.s32 $0x9;
	_ =	strace $0x80000048  }
0xb3: {  	_ =	swait.ge [sflag:s29], $0x1  }
0xb4: {  	[sflag:s29] =	ssyncadd.s32 $0xFFFFFFFF  }
0xb5: {  	_ =	strace $0x90000048  }
0xb6: {  	_ =	sfence  }
0xb7: {  	s30 =	sld [smem:$0x0];
	_ =	sdelay $0x2  }
0xb8: {  	s31 =	sshll.u32 s1, $0xD;
	s1 =	sshrl.u32 s1, $0x2  }
0xb9: {  	s3 =	sand.u32 $0x4000, s31;
	s1 =	sadd.s32 s1, s30  }
0xba: {  	s0 =	sor.u32 s3, s0;
	s1 =	sshll.u32 s1, $0x11  }
0xbb: {  	s0 =	sor.u32 s1, s0  }
0xbc: {  	s0 =	sadd.s32 $0x8F2B, s0  }
0xbd: {  	[sflag:s0] =	ssyncadd.remote.s32 $0x1  }
0xbe: {  	_ =	sfence.sel $0xFFFF  }
0xbf: {  	[dreg:$0x0] =	wrdreg $0xFFFFFFFF;
	(pc) =	sbr.abs _section_cstart, $3  }
0xc0: {  	[dreg:$0x1] =	wrdreg $0xFFFFFFFF  }
0xc1: {  	_ =	task.clear_ibuf [dreg:s6], $0x2FFFF;
	_ =	strace $0x9FFFFFFF  }
0xc2: {  	(tm) =	ssettm $0x7FFFFFFF  }
0xc3: {  	_ =	shalt  }
tec
execute0_lowered:
.L_overlay_start_1:
0x0: {  	(tag) =	ssettag $0x1  }
0x1: {  	s4 =	rddreg [dreg:$0x0]  }
0x2: {  	s2 =	rddreg [dreg:$0x1]  }
0x3: {  	s0 =	rddreg [dreg:$0x2]  }
0x4: {  	s3 =	simm.s32 $0x0;
	s5 =	srdreg.scid;
	s1 =	stileid.u32  }
0x5: {  	s10 =	simm.s32 $0x80;
	s11 =	simm.s32 $0x2800;
	s12 =	simm.s32 $0x100  }
0x6: {  	s13 =	simm.s32 $0x0;
	s5 =	sand.u32 $0x1, s5;
	s7 =	smul.u32 $0x500, s1  }
0x7: {  	s6 =	sshll.u32 s1, $0x1;
	[smem:$0x7FF] =	sst s3;
	s29 =	smul.u32 $0xA00, s1  }
0x8: {  	s6 =	sor.u32 s5, s6;
	s8 =	sshll.u32 s5, $0x7;
	_ =	strace $0x80000047  }
0x9: {  	s5 =	ssub.s32 $0x2, s5;
	s6 =	smul.u32 $0x500, s6;
	s7 =	sor.u32 s8, s7  }
0xa: {  	s30 =	sshrl.u32 s5, $0x1;
	s31 =	sshrl.u32 s29, $0x2;
	s8 =	simm.s32 $0x1  }
0xb: {  	s7 =	sshrl.u32 s7, $0x3;
	s9 =	ssub.s32 s5, s30;
	s6 =	sadd.s32 s6, s4  }
0xc: {  	s5 =	sadd.s32 s31, s2;
	s7 =	sadd.s32 s7, s4;
	s4 =	sadd.s32 $0x4400, s6  }
0xd: {  	v0 =	vimm.f32 $1.000000000e+00;
	v1 =	vimm.f32 $0.0e+00;
	s6 =	sadd.s32 $0xE400, s7;
	s7 =	smax.u32 s9, $0x1;
	s9 =	simm.s32 $0x2880  }
.LBB2_1:
0xe: {  	[tilespmem:s3], [sflag:$0x1] =	stream.linear.gather [hbm4b:s4+s3], $0x2800, $0x38;
	[tilespmem:$0x2D80] =	vst v63  }
0xf: {  	_ =	swait.ge [sflag:s8], $0x2800  }
0x10: {  	[sflag:s8] =	ssyncset.done $0x0  }
0x11: {  	[sflag:s8] =	ssyncadd.s32 $0xFFFFD800  }
0x12: {  	[tilespmem:$0x2800] =	vst v0  }
0x13: {  	[tilespmem:$0x2810] =	vst v0  }
0x14: {  	[tilespmem:$0x2820] =	vst v0  }
0x15: {  	[tilespmem:$0x2830] =	vst v0  }
0x16: {  	[tilespmem:$0x2840] =	vst v0  }
0x17: {  	[tilespmem:$0x2850] =	vst v0  }
0x18: {  	[tilespmem:$0x2860] =	vst v0  }
0x19: {  	[tilespmem:$0x2870] =	vst v0  }
0x1a: {  	[tilespmem:$0x2880] =	vst v1  }
0x1b: {  	[tilespmem:$0x2890] =	vst v1  }
0x1c: {  	[tilespmem:$0x28A0] =	vst v1  }
0x1d: {  	[tilespmem:$0x28B0] =	vst v1  }
0x1e: {  	[tilespmem:$0x28C0] =	vst v1  }
0x1f: {  	[tilespmem:$0x28D0] =	vst v1  }
0x20: {  	[tilespmem:$0x28E0] =	vst v1  }
0x21: {  	[tilespmem:$0x28F0] =	vst v1  }
0x22: {  	[tilespmem:$0x2900] =	vst v1  }
0x23: {  	[tilespmem:$0x2910] =	vst v1  }
0x24: {  	[tilespmem:$0x2920] =	vst v1  }
0x25: {  	[tilespmem:$0x2930] =	vst v1  }
0x26: {  	[tilespmem:$0x2940] =	vst v1  }
0x27: {  	[tilespmem:$0x2950] =	vst v1  }
0x28: {  	[tilespmem:$0x2960] =	vst v1  }
0x29: {  	[tilespmem:$0x2970] =	vst v1  }
0x2a: {  	[tilespmem:$0x2980] =	vst v1  }
0x2b: {  	[tilespmem:$0x2990] =	vst v1  }
0x2c: {  	[tilespmem:$0x29A0] =	vst v1  }
0x2d: {  	[tilespmem:$0x29B0] =	vst v1  }
0x2e: {  	[tilespmem:$0x29C0] =	vst v1  }
0x2f: {  	[tilespmem:$0x29D0] =	vst v1  }
0x30: {  	[tilespmem:$0x29E0] =	vst v1  }
0x31: {  	[tilespmem:$0x29F0] =	vst v1  }
0x32: {  	[tilespmem:$0x2A00] =	vst v1  }
0x33: {  	[tilespmem:$0x2A10] =	vst v1  }
0x34: {  	[tilespmem:$0x2A20] =	vst v1  }
0x35: {  	[tilespmem:$0x2A30] =	vst v1  }
0x36: {  	[tilespmem:$0x2A40] =	vst v1  }
0x37: {  	[tilespmem:$0x2A50] =	vst v1  }
0x38: {  	[tilespmem:$0x2A60] =	vst v1  }
0x39: {  	[tilespmem:$0x2A70] =	vst v1  }
0x3a: {  	[tilespmem:$0x2A80] =	vst v1  }
0x3b: {  	[tilespmem:$0x2A90] =	vst v1  }
0x3c: {  	[tilespmem:$0x2AA0] =	vst v1  }
0x3d: {  	[tilespmem:$0x2AB0] =	vst v1  }
0x3e: {  	[tilespmem:$0x2AC0] =	vst v1  }
0x3f: {  	[tilespmem:$0x2AD0] =	vst v1  }
0x40: {  	[tilespmem:$0x2AE0] =	vst v1  }
0x41: {  	[tilespmem:$0x2AF0] =	vst v1  }
0x42: {  	[spmem:s5] =	stream.linear.scatter [tilespmem:s9], [sflag:$0x1], $0x280, $0x38;
	[tilespmem:$0x2D80] =	vst v63  }
0x43: {  	_ =	swait.ge [sflag:s8], $0x280  }
0x44: {  	[sflag:s8] =	ssyncset.done $0x0  }
0x45: {  	[sflag:s8] =	ssyncadd.s32 $0xFFFFFD80  }
0x46: {  	s14 =	simm.s32 $0x0;
	[bflag:$0x0] =	sbarrier.arrive $0xFFFF  }
0x47: {  	[spmem:s2] =	stream.indirect.scatter.add.f32 [tilespmem:s11], [sflag:$0x1], $0x1, s14, s10, $0xb8;
	[tilespmem:$0x2D80] =	vst v63  }
0x48: {  	_ =	swait.ge [sflag:s8], $0x80  }
0x49: {  	s14 =	simm.s32 $0x200;
	[sflag:s8] =	ssyncset.done $0x0  }
.LBB2_2:
0x4a: {  	s15 =	sshra.s32 s14, $0x2;
	[sflag:s8] =	ssyncadd.s32 $0xFFFFFF80;
	p0 =	sne.s32 s14, $0x9E00  }
0x4b: {  	[spmem:s2] =	stream.indirect.scatter.add.f32 [tilespmem:s11], [sflag:$0x1], $0x1, s15, s10, $0xb8;
	[tilespmem:$0x2D80] =	vst v63  }
.Ltmp0:
0x4c: {  	_ = 	snop;
	(pc) =	sbr.rel @p0 .LBB2_2-.Ltmp0, $4  }
0x4d: {  	_ = 	snop  }
0x4e: {  	s14 =	sadd.s32 $0x200, s14  }
0x4f: {  	_ =	swait.ge [sflag:s8], $0x80  }
0x50: {  	[sflag:s8] =	ssyncset.done $0x0  }
0x51: {  	[sflag:s8] =	ssyncadd.s32 $0xFFFFFF80  }
0x52: {  	[bflag:$0x0] =	sbarrier.arrive $0xFFFF  }
0x53: {  	[tilespmem:s9], [sflag:$0x1] =	stream.linear.gather [spmem:s5], $0x280, $0x38;
	[tilespmem:$0x2D80] =	vst v63  }
0x54: {  	s13 =	sadd.s32 $0x1, s13;
	_ =	swait.ge [sflag:s8], $0x280  }
0x55: {  	p0 =	sne.s32 s13, s7;
	[sflag:s8] =	ssyncset.done $0x0  }
.Ltmp1:
0x56: {  	[sflag:s8] =	ssyncadd.s32 $0xFFFFFD80;
	(pc) =	sbr.rel @p0 .LBB2_1-.Ltmp1, $4  }
0x57: {  	[hbm4b:s6+s10] =	stream.strided.scatter [tilespmem:s9], [sflag:$0x1], $0x280, s12, s10, $0x38;
	[tilespmem:$0x2D80] =	vst v63  }
0x58: {  	_ =	swait.ge [sflag:s8], $0x280  }
0x59: {  	[sflag:s8] =	ssyncset.done $0x0  }
0x5a: {  	[sflag:s8] =	ssyncadd.s32 $0xFFFFFD80  }
0x5b: {  	_ =	sfence.sel $0x180000  }
0x5c: {  	[bflag:$0x0] =	sbarrier.arrive $0xFFFF  }
0x5d: {  	p0 =	sne.s32 s1, $0x0;
	_ =	strace $0x90000047  }
0x5e: {  	s0 =	sadd.s32 @!p0 $0x100000, s0;
	[bflag:$0x2] =	sbarrier.arrive $0xFFFF  }
0x5f: {  	[sflag:s0] =	ssyncadd.tile.s32 @!p0 $0x1;
	_ =	shalt  }
.Lfunc_end2:
_tile_overlayer_lowered:
.L_overlay_start_2:
0x60: {  	(tag) =	ssettag $0x2  }
0x61: {  	s0 =	rddreg [dreg:$0x0];
	s2 =	stileid.u32  }
0x62: {  	s1 =	rddreg [dreg:$0x1];
	p0 =	sne.s32 s2, $0x0  }
0x63: {  	s3 =	rddreg [dreg:$0x2];
	[bflag:$0x3] =	sbarrier.arrive $0xFFFF;
	s2 =	simm.s32 @!p0 $0x1C01  }
0x64: {  	[timem:s3], [sflag:s2] =	dma.local @!p0 [hbm:s0], s1  }
0x65: {  	s0 =	simm.s32 @!p0 $0x1  }
0x66: {  	_ =	swait.ge @!p0 [sflag:s0], s1  }
0x67: {  	s1 =	ssub.s32 @!p0 $0x0, s1;
	[sflag:s0] =	ssyncset.done @!p0 $0x0  }
0x68: {  	[sflag:s0] =	ssyncadd.s32 @!p0 s1  }
0x69: {  	[bflag:$0x3] =	sbarrier.arrive $0xFFFF  }
0x6a: {  	_ =	shalt  }

</sc_bundles>
